<compile_context>
chip_gen: v7x
topology: tpu7x:2x2x1
jax: 0.10.2.dev20260603
libtpu: 0.0.44.dev20260713+nightly
codegen_flags: <defaults>
</compile_context>

<pallas_src>
import functools

import jax
import jax.numpy as jnp
from jax import lax
from jax.experimental import pallas as pl
from jax.experimental.pallas import tpu as pltpu
from jax.experimental.pallas import tpu_sc as plsc

N_ROWS = 50000
D = 256
DH = 128
NSEG = 512
LANES = 16
KCOL = DH // LANES
SA = NSEG + 8

CHUNK = 128
N_FULL = N_ROWS // CHUNK
TAIL = N_ROWS - N_FULL * CHUNK
NG = 16
BASE = N_FULL // NG
EXTRA = N_FULL - BASE * NG


def _sc_stage(feats, batch):
    mesh = plsc.VectorSubcoreMesh(core_axis_name="c", subcore_axis_name="s")

    @functools.partial(
        pl.kernel,
        mesh=mesh,
        out_type=[jax.ShapeDtypeStruct((NG, SA, D), jnp.float32)],
        scratch_types=[
            pltpu.VMEM((CHUNK, DH), jnp.float32),
            pltpu.VMEM((CHUNK,), jnp.int32),
            pltpu.VMEM((CHUNK, DH), jnp.float32),
            pltpu.VMEM((CHUNK,), jnp.int32),
            pltpu.VMEM((SA, DH), jnp.float32),
            pltpu.SemaphoreType.DMA,
            pltpu.SemaphoreType.DMA,
        ],
        compiler_params=pltpu.CompilerParams(needs_layout_passes=False),
    )
    def sc_pool(feats_hbm, batch_hbm, part_out,
                rows_a, idx_a, rows_b, idx_b, acc_v, sem_a, sem_b):
        h = lax.axis_index("c")
        g = lax.axis_index("s")

        iota = lax.broadcasted_iota(jnp.int32, (LANES,), 0)
        zi = jnp.zeros((LANES,), jnp.int32)
        zrow = jnp.zeros((LANES,), jnp.float32)
        ones = jnp.ones((LANES,), jnp.float32)
        cmask = iota == 0
        col0 = h * DH

        def zbody(r, _):
            seg = zi + r
            for k in range(KCOL):
                plsc.store_scatter(acc_v, [seg, iota + (k * LANES)], zrow)
            return 0

        lax.fori_loop(0, SA, zbody, 0)

        def do_rows(rows_v, idx_v, ngrp):
            def grp(gi, _):
                ids16 = idx_v[pl.ds(pl.multiple_of(gi * LANES, LANES), LANES)]

                def row4(r4, _):
                    lane = r4 * 4
                    i = gi * LANES + lane
                    segs = [ids16[zi + (lane + t)] for t in range(4)]
                    vals = [[rows_v[i + t, pl.ds(k * LANES, LANES)]
                             for k in range(KCOL)] for t in range(4)]
                    for t in range(4):
                        for k in range(KCOL):
                            plsc.addupdate_scatter(
                                acc_v, [segs[t], iota + (k * LANES)],
                                vals[t][k])

                    for t in range(2):
                        seg = jnp.where(h == 0, segs[2 * t], segs[2 * t + 1])
                        crow = NSEG + lax.shift_right_logical(seg, 7)
                        ccol = lax.bitwise_and(seg, 127)
                        plsc.addupdate_scatter(acc_v, [crow, ccol], ones,
                                               mask=cmask)

                    return 0

                lax.fori_loop(0, LANES // 4, row4, 0)
                return 0

            lax.fori_loop(0, ngrp, grp, 0)

        start_chunk = BASE * g + jnp.minimum(g, EXTRA)
        nch = BASE + jnp.where(g < EXTRA, 1, 0)

        def chunk_slices(j):
            row0 = pl.multiple_of((start_chunk + j) * CHUNK, CHUNK)
            return (feats_hbm.at[pl.ds(row0, CHUNK), pl.ds(col0, DH)],
                    batch_hbm.at[pl.ds(row0, CHUNK)])

        def start_dma(j, rv, iv, sem):
            fsrc, bsrc = chunk_slices(j)
            pltpu.async_copy(fsrc, rv, sem)
            pltpu.async_copy(bsrc, iv, sem)

        def wait_dma(j, rv, iv, sem):
            fsrc, bsrc = chunk_slices(j)
            pltpu.make_async_copy(fsrc, rv, sem).wait()
            pltpu.make_async_copy(bsrc, iv, sem).wait()

        start_dma(0, rows_a, idx_a, sem_a)

        def body(j, _):
            @pl.when(lax.rem(j, 2) == 0)
            def _():
                @pl.when(j + 1 < nch)
                def _():
                    start_dma(j + 1, rows_b, idx_b, sem_b)
                wait_dma(j, rows_a, idx_a, sem_a)
                do_rows(rows_a, idx_a, CHUNK // LANES)

            @pl.when(lax.rem(j, 2) == 1)
            def _():
                @pl.when(j + 1 < nch)
                def _():
                    start_dma(j + 1, rows_a, idx_a, sem_a)
                wait_dma(j, rows_b, idx_b, sem_b)
                do_rows(rows_b, idx_b, CHUNK // LANES)

            return 0

        lax.fori_loop(0, nch, body, 0)

        @pl.when(g == NG - 1)
        def _():
            row0 = N_FULL * CHUNK
            pltpu.sync_copy(feats_hbm.at[pl.ds(row0, TAIL), pl.ds(col0, DH)],
                            rows_a.at[pl.ds(0, TAIL)])
            pltpu.sync_copy(batch_hbm.at[pl.ds(row0, TAIL)],
                            idx_a.at[pl.ds(0, TAIL)])
            do_rows(rows_a, idx_a, TAIL // LANES)

        pltpu.sync_copy(acc_v, part_out.at[g].at[:, pl.ds(col0, DH)])

    return sc_pool(feats, batch)


def _combine_body(p_ref, c_ref, o_ref):
    sums = jnp.sum(p_ref[...], axis=0)[0:NSEG, :]
    cnt = jnp.sum(c_ref[...], axis=0)
    o_ref[...] = sums / jnp.maximum(cnt, 1.0)


def kernel(feats, batch):
    batch = batch.astype(jnp.int32)
    (partial,) = _sc_stage(feats, batch)
    cblk = partial[:, NSEG:NSEG + 4, 0:DH] + partial[:, NSEG:NSEG + 4, DH:D]
    counts = jnp.reshape(cblk, (NG, NSEG, 1))
    return pl.pallas_call(
        _combine_body,
        out_shape=jax.ShapeDtypeStruct((NSEG, D), jnp.float32),
    )(partial, counts)

# --- scband reference (transcript-rebuilt; emitter-appended) ---
"""Pipeline reference for scband-pool-mean-71665824301165 (READ-ONLY COPY).

The authoritative reference and input builder live on the scoring server;
editing this copy changes nothing except your own understanding.
"""

import jax, jax.numpy as jnp
import numpy as np

NUM_SEGMENTS = 512

def setup_inputs(seed: int = 0) -> dict:
    key = jax.random.key(seed)
    k1, k2 = jax.random.split(key)
    feats = jax.random.normal(k1, (50000, 256), dtype=jnp.float32)
    batch = jnp.sort(jax.random.randint(k2, (50000,), 0, NUM_SEGMENTS, dtype=jnp.int64))
    return {"feats": feats, "batch": batch}

def reference(feats, batch):
    # scatter_mean(feats, batch, dim=0): per-segment sum divided by per-segment count
    sums = jax.ops.segment_sum(feats, batch, num_segments=NUM_SEGMENTS)
    counts = jax.ops.segment_sum(jnp.ones((feats.shape[0],), dtype=feats.dtype), batch, num_segments=NUM_SEGMENTS)
    counts = jnp.maximum(counts, 1.0)
    return sums / counts[:, None]

if __name__ == "__main__":
    import jax
    _d = setup_inputs()
    print(jax.jit(kernel)(*tuple(_d.values())))

</pallas_src>

<mosaic_0001>
#map = affine_map<(d0, d1) -> (0, 0)>
#map1 = affine_map<(d0, d1) -> (0)>
#map2 = affine_map<(d0, d1) -> (0, 0, 0)>
module attributes {stable_mosaic.version = 14 : i64} {
  func.func @sc_pool(%arg0: i32, %arg1: i32, %arg2: memref<50000x256xf32, #tpu.memory_space<hbm>>, %arg3: memref<50000xi32, #tpu.memory_space<hbm>>, %arg4: memref<16x520x256xf32, #tpu.memory_space<hbm>>, %arg5: memref<128x128xf32, #tpu.memory_space<vmem>>, %arg6: memref<128xi32, #tpu.memory_space<vmem>>, %arg7: memref<128x128xf32, #tpu.memory_space<vmem>>, %arg8: memref<128xi32, #tpu.memory_space<vmem>>, %arg9: memref<520x128xf32, #tpu.memory_space<vmem>>, %arg10: memref<!tpu.dma_semaphore, #tpu.memory_space<semaphore_mem>>, %arg11: memref<!tpu.dma_semaphore, #tpu.memory_space<semaphore_mem>>) attributes {dimension_semantics = [#tpu.dimension_semantics<core_parallel>, #tpu.dimension_semantics<subcore_parallel>], iteration_bounds = array<i64: 2, 16>, scalar_prefetch = 0 : i64, scratch_operands = 7 : i64, tpu.core_type = #tpu.core_type<sc_vector_subcore>, window_params = [{transform_indices = #map}, {transform_indices = #map1}, {transform_indices = #map2}]} {
    %iota3A = tpu.iota {dimensions = array<i32: 0>} : vector<16xi32>
    %broadcast_in_dim3A = arith.constant 0 : i32
    %broadcast_in_dim3A_0 = vector.broadcast %broadcast_in_dim3A : i32 to vector<16xi32>
    %broadcast_in_dim3A_1 = arith.constant 0.000000e+00 : f32
    %broadcast_in_dim3A_2 = vector.broadcast %broadcast_in_dim3A_1 : f32 to vector<16xf32>
    %broadcast_in_dim3A_3 = arith.constant 1.000000e+00 : f32
    %broadcast_in_dim3A_4 = vector.broadcast %broadcast_in_dim3A_3 : f32 to vector<16xf32>
    %eq3A = arith.constant 0 : i32
    %eq3A_5 = vector.broadcast %eq3A : i32 to vector<16xi32>
    %eq3A_6 = arith.cmpi eq, %iota3A, %eq3A_5 : vector<16xi32>
    %mul3A = arith.constant 128 : i32
    %mul3A_7 = arith.muli %arg0, %mul3A : i32
    %scan3A = arith.constant 0 : i32
    %scan3A_8 = arith.constant 0 : i32
    %scan3A_9 = arith.constant 520 : i32
    %scan3A_10 = arith.addi %scan3A_8, %scan3A_9 : i32
    %scan3A_11 = arith.constant 1 : i32
    %scan3A_12 = scf.for %scan3A_42 = %scan3A_8 to %scan3A_10 step %scan3A_11 iter_args(%scan3A_43 = %scan3A) -> (i32)  : i32 {
      %add3A_44 = vector.broadcast %scan3A_42 : i32 to vector<16xi32>
      %add3A_45 = arith.addi %broadcast_in_dim3A_0, %add3A_44 : vector<16xi32>
      %add3A_46 = arith.constant 0 : i32
      %add3A_47 = vector.broadcast %add3A_46 : i32 to vector<16xi32>
      %add3A_48 = arith.addi %iota3A, %add3A_47 : vector<16xi32>
      tpu.vector_store_idx %arg9[%add3A_45, %add3A_48], %broadcast_in_dim3A_2 : memref<520x128xf32, #tpu.memory_space<vmem>>[vector<16xi32>, vector<16xi32>], vector<16xf32>,
      %add3A_49 = arith.constant 16 : i32
      %add3A_50 = vector.broadcast %add3A_49 : i32 to vector<16xi32>
      %add3A_51 = arith.addi %iota3A, %add3A_50 : vector<16xi32>
      tpu.vector_store_idx %arg9[%add3A_45, %add3A_51], %broadcast_in_dim3A_2 : memref<520x128xf32, #tpu.memory_space<vmem>>[vector<16xi32>, vector<16xi32>], vector<16xf32>,
      %add3A_52 = arith.constant 32 : i32
      %add3A_53 = vector.broadcast %add3A_52 : i32 to vector<16xi32>
      %add3A_54 = arith.addi %iota3A, %add3A_53 : vector<16xi32>
      tpu.vector_store_idx %arg9[%add3A_45, %add3A_54], %broadcast_in_dim3A_2 : memref<520x128xf32, #tpu.memory_space<vmem>>[vector<16xi32>, vector<16xi32>], vector<16xf32>,
      %add3A_55 = arith.constant 48 : i32
      %add3A_56 = vector.broadcast %add3A_55 : i32 to vector<16xi32>
      %add3A_57 = arith.addi %iota3A, %add3A_56 : vector<16xi32>
      tpu.vector_store_idx %arg9[%add3A_45, %add3A_57], %broadcast_in_dim3A_2 : memref<520x128xf32, #tpu.memory_space<vmem>>[vector<16xi32>, vector<16xi32>], vector<16xf32>,
      %add3A_58 = arith.constant 64 : i32
      %add3A_59 = vector.broadcast %add3A_58 : i32 to vector<16xi32>
      %add3A_60 = arith.addi %iota3A, %add3A_59 : vector<16xi32>
      tpu.vector_store_idx %arg9[%add3A_45, %add3A_60], %broadcast_in_dim3A_2 : memref<520x128xf32, #tpu.memory_space<vmem>>[vector<16xi32>, vector<16xi32>], vector<16xf32>,
      %add3A_61 = arith.constant 80 : i32
      %add3A_62 = vector.broadcast %add3A_61 : i32 to vector<16xi32>
      %add3A_63 = arith.addi %iota3A, %add3A_62 : vector<16xi32>
      tpu.vector_store_idx %arg9[%add3A_45, %add3A_63], %broadcast_in_dim3A_2 : memref<520x128xf32, #tpu.memory_space<vmem>>[vector<16xi32>, vector<16xi32>], vector<16xf32>,
      %add3A_64 = arith.constant 96 : i32
      %add3A_65 = vector.broadcast %add3A_64 : i32 to vector<16xi32>
      %add3A_66 = arith.addi %iota3A, %add3A_65 : vector<16xi32>
      tpu.vector_store_idx %arg9[%add3A_45, %add3A_66], %broadcast_in_dim3A_2 : memref<520x128xf32, #tpu.memory_space<vmem>>[vector<16xi32>, vector<16xi32>], vector<16xf32>,
      %add3A_67 = arith.constant 112 : i32
      %add3A_68 = vector.broadcast %add3A_67 : i32 to vector<16xi32>
      %add3A_69 = arith.addi %iota3A, %add3A_68 : vector<16xi32>
      tpu.vector_store_idx %arg9[%add3A_45, %add3A_69], %broadcast_in_dim3A_2 : memref<520x128xf32, #tpu.memory_space<vmem>>[vector<16xi32>, vector<16xi32>], vector<16xf32>,
      %scan3A_70 = arith.constant 0 : i32
      scf.yield %scan3A_70 : i32
    }
    %scan3A_13 = arith.constant 520 : i32
    %mul3A_14 = arith.constant 24 : i32
    %mul3A_15 = arith.muli %mul3A_14, %arg1 : i32
    %min3A = arith.constant 6 : i32
    %min3A_16 = arith.minsi %arg1, %min3A : i32
    %add3A = arith.addi %mul3A_15, %min3A_16 : i32
    %lt3A = arith.constant 6 : i32
    %lt3A_17 = arith.cmpi slt, %arg1, %lt3A : i32
    %jit3A = arith.constant 1 : i32
    %jit3A_18 = arith.constant 0 : i32
    %select_n3A = arith.select %lt3A_17, %jit3A, %jit3A_18 : i32
    %add3A_19 = arith.constant 24 : i32
    %add3A_20 = arith.addi %add3A_19, %select_n3A : i32
    %add3A_21 = arith.constant 0 : i32
    %add3A_22 = arith.addi %add3A, %add3A_21 : i32
    %mul3A_23 = arith.constant 128 : i32
    %mul3A_24 = arith.muli %add3A_22, %mul3A_23 : i32
    %multiple_of3A = tpu.assume_multiple %mul3A_24, 128 : i32
    %dma_start3A = tpu.memref_slice %arg2[%multiple_of3A, %mul3A_7] : memref<50000x256xf32, #tpu.memory_space<hbm>> -> memref<128x128xf32, #tpu.memory_space<hbm>>
    %dma_start3A_25 = tpu.memref_slice %arg2[%multiple_of3A, %mul3A_7] : memref<50000x256xf32, #tpu.memory_space<hbm>> -> memref<128x128xf32, #tpu.memory_space<hbm>>
    tpu.enqueue_dma source(%dma_start3A_25 : memref<128x128xf32, #tpu.memory_space<hbm>>) target(%arg5 : memref<128x128xf32, #tpu.memory_space<vmem>>) target_semaphore(%arg10 : memref<!tpu.dma_semaphore, #tpu.memory_space<semaphore_mem>>)
    %dma_start3A_26 = tpu.memref_slice %arg3[%multiple_of3A] : memref<50000xi32, #tpu.memory_space<hbm>> -> memref<128xi32, #tpu.memory_space<hbm>>
    %dma_start3A_27 = tpu.memref_slice %arg3[%multiple_of3A] : memref<50000xi32, #tpu.memory_space<hbm>> -> memref<128xi32, #tpu.memory_space<hbm>>
    tpu.enqueue_dma source(%dma_start3A_27 : memref<128xi32, #tpu.memory_space<hbm>>) target(%arg6 : memref<128xi32, #tpu.memory_space<vmem>>) target_semaphore(%arg10 : memref<!tpu.dma_semaphore, #tpu.memory_space<semaphore_mem>>)
    %while3A = arith.constant 0 : i32
    %while3A_28 = arith.constant 0 : i32
    %while3A_29 = arith.subi %add3A_20, %while3A : i32
    %while3A_30 = arith.addi %while3A, %while3A_29 : i32
    %while3A_31 = arith.constant 1 : i32
    %while3A_32 = arith.divsi %while3A_29, %while3A_31 : i32
    %while3A_33 = arith.muli %while3A_32, %while3A_31 : i32
    %while3A_34 = arith.addi %while3A, %while3A_33 : i32
    %while3A_35 = arith.constant 1 : i32
    %while3A_36 = scf.for %while3A_42 = %while3A to %while3A_34 step %while3A_35 iter_args(%while3A_43 = %while3A_28) -> (i32)  : i32 {
      %rem3A = arith.constant 2 : i32
      %rem3A_44 = arith.remsi %while3A_42, %rem3A : i32
      %eq3A_45 = arith.constant 0 : i32
      %eq3A_46 = arith.cmpi eq, %rem3A_44, %eq3A_45 : i32
      %convert_element_type3A_47 = arith.extui %eq3A_46 : i1 to i32
      %cond3A_48 = arith.constant 0 : i32
      %cond3A_49 = arith.cmpi ne, %convert_element_type3A_47, %cond3A_48 : i32
      scf.if %cond3A_49 {
        %add3A_58 = arith.constant 1 : i32
        %add3A_59 = arith.addi %while3A_42, %add3A_58 : i32
        %lt3A_60 = arith.cmpi slt, %add3A_59, %add3A_20 : i32
        %convert_element_type3A_61 = arith.extui %lt3A_60 : i1 to i32
        %cond3A_62 = arith.constant 0 : i32
        %cond3A_63 = arith.cmpi ne, %convert_element_type3A_61, %cond3A_62 : i32
        scf.if %cond3A_63 {
          %add3A_78 = arith.constant 1 : i32
          %add3A_79 = arith.addi %while3A_42, %add3A_78 : i32
          %add3A_80 = arith.addi %add3A, %add3A_79 : i32
          %mul3A_81 = arith.constant 128 : i32
          %mul3A_82 = arith.muli %add3A_80, %mul3A_81 : i32
          %multiple_of3A_83 = tpu.assume_multiple %mul3A_82, 128 : i32
          %dma_start3A_84 = tpu.memref_slice %arg2[%multiple_of3A_83, %mul3A_7] : memref<50000x256xf32, #tpu.memory_space<hbm>> -> memref<128x128xf32, #tpu.memory_space<hbm>>
          %dma_start3A_85 = tpu.memref_slice %arg2[%multiple_of3A_83, %mul3A_7] : memref<50000x256xf32, #tpu.memory_space<hbm>> -> memref<128x128xf32, #tpu.memory_space<hbm>>
          tpu.enqueue_dma source(%dma_start3A_85 : memref<128x128xf32, #tpu.memory_space<hbm>>) target(%arg7 : memref<128x128xf32, #tpu.memory_space<vmem>>) target_semaphore(%arg11 : memref<!tpu.dma_semaphore, #tpu.memory_space<semaphore_mem>>)
          %dma_start3A_86 = tpu.memref_slice %arg3[%multiple_of3A_83] : memref<50000xi32, #tpu.memory_space<hbm>> -> memref<128xi32, #tpu.memory_space<hbm>>
          %dma_start3A_87 = tpu.memref_slice %arg3[%multiple_of3A_83] : memref<50000xi32, #tpu.memory_space<hbm>> -> memref<128xi32, #tpu.memory_space<hbm>>
          tpu.enqueue_dma source(%dma_start3A_87 : memref<128xi32, #tpu.memory_space<hbm>>) target(%arg8 : memref<128xi32, #tpu.memory_space<vmem>>) target_semaphore(%arg11 : memref<!tpu.dma_semaphore, #tpu.memory_space<semaphore_mem>>)
        } else {
        }
        %add3A_64 = arith.addi %add3A, %while3A_42 : i32
        %mul3A_65 = arith.constant 128 : i32
        %mul3A_66 = arith.muli %add3A_64, %mul3A_65 : i32
        %multiple_of3A_67 = tpu.assume_multiple %mul3A_66, 128 : i32
        %dma_wait3A = tpu.memref_slice %arg2[%multiple_of3A_67, %mul3A_7] : memref<50000x256xf32, #tpu.memory_space<hbm>> -> memref<128x128xf32, #tpu.memory_space<hbm>>
        %dma_wait3A_68 = tpu.memref_slice %arg2[%multiple_of3A_67, %mul3A_7] : memref<50000x256xf32, #tpu.memory_space<hbm>> -> memref<128x128xf32, #tpu.memory_space<hbm>>
        tpu.wait_dma2 semaphore(%arg10 : memref<!tpu.dma_semaphore, #tpu.memory_space<semaphore_mem>>) src(%dma_wait3A_68 : memref<128x128xf32, #tpu.memory_space<hbm>>) dst(%arg5 : memref<128x128xf32, #tpu.memory_space<vmem>>)
        %dma_wait3A_69 = tpu.memref_slice %arg3[%multiple_of3A_67] : memref<50000xi32, #tpu.memory_space<hbm>> -> memref<128xi32, #tpu.memory_space<hbm>>
        %dma_wait3A_70 = tpu.memref_slice %arg3[%multiple_of3A_67] : memref<50000xi32, #tpu.memory_space<hbm>> -> memref<128xi32, #tpu.memory_space<hbm>>
        tpu.wait_dma2 semaphore(%arg10 : memref<!tpu.dma_semaphore, #tpu.memory_space<semaphore_mem>>) src(%dma_wait3A_70 : memref<128xi32, #tpu.memory_space<hbm>>) dst(%arg6 : memref<128xi32, #tpu.memory_space<vmem>>)
        %scan3A_71 = arith.constant 0 : i32
        %scan3A_72 = arith.constant 0 : i32
        %scan3A_73 = arith.constant 8 : i32
        %scan3A_74 = arith.addi %scan3A_72, %scan3A_73 : i32
        %scan3A_75 = arith.constant 1 : i32
        %scan3A_76 = scf.for %scan3A_78 = %scan3A_72 to %scan3A_74 step %scan3A_75 iter_args(%scan3A_79 = %scan3A_71) -> (i32)  : i32 {
          %mul3A_80 = arith.constant 16 : i32
          %mul3A_81 = arith.muli %scan3A_78, %mul3A_80 : i32
          %multiple_of3A_82 = tpu.assume_multiple %mul3A_81, 16 : i32
          %get3A = arith.index_cast %multiple_of3A_82 : i32 to index
          %get3A_83 = tpu.vector_load %arg6[%get3A] {strides = array<i32>} : memref<128xi32, #tpu.memory_space<vmem>>, vector<16xi32>,
          %scan3A_84 = arith.constant 0 : i32
          %scan3A_85 = arith.constant 0 : i32
          %scan3A_86 = arith.constant 4 : i32
          %scan3A_87 = arith.addi %scan3A_85, %scan3A_86 : i32
          %scan3A_88 = arith.constant 1 : i32
          %scan3A_89 = scf.for %scan3A_92 = %scan3A_85 to %scan3A_87 step %scan3A_88 iter_args(%scan3A_93 = %scan3A_84) -> (i32)  : i32 {
            %mul3A_94 = arith.constant 4 : i32
            %mul3A_95 = arith.muli %scan3A_92, %mul3A_94 : i32
            %mul3A_96 = arith.constant 16 : i32
            %mul3A_97 = arith.muli %scan3A_78, %mul3A_96 : i32
            %add3A_98 = arith.addi %mul3A_97, %mul3A_95 : i32
            %add3A_99 = arith.constant 0 : i32
            %add3A_100 = arith.addi %mul3A_95, %add3A_99 : i32
            %add3A_101 = vector.broadcast %add3A_100 : i32 to vector<16xi32>
            %add3A_102 = arith.addi %broadcast_in_dim3A_0, %add3A_101 : vector<16xi32>
            %lt3A_103 = arith.constant 0 : i32
            %lt3A_104 = vector.broadcast %lt3A_103 : i32 to vector<16xi32>
            %lt3A_105 = arith.cmpi slt, %add3A_102, %lt3A_104 : vector<16xi32>
            %add3A_106 = arith.constant 16 : i32
            %add3A_107 = vector.broadcast %add3A_106 : i32 to vector<16xi32>
            %add3A_108 = arith.addi %add3A_102, %add3A_107 : vector<16xi32>
            %select_n3A_109 = arith.select %lt3A_105, %add3A_108, %add3A_102 : vector<16xi1>, vector<16xi32>
            %broadcast_in_dim3A_110 = vector.shape_cast %select_n3A_109 : vector<16xi32> to vector<16x1xi32>
            %gather3A = vector.shape_cast %broadcast_in_dim3A_110 : vector<16x1xi32> to vector<16xi32>
            %gather3A_111 = tpu.dynamic_gather %get3A_83[%gather3A] in [0] : vector<16xi32>, vector<16xi32> -> vector<16xi32>
            %add3A_112 = arith.constant 1 : i32
            %add3A_113 = arith.addi %mul3A_95, %add3A_112 : i32
            %add3A_114 = vector.broadcast %add3A_113 : i32 to vector<16xi32>
            %add3A_115 = arith.addi %broadcast_in_dim3A_0, %add3A_114 : vector<16xi32>
            %lt3A_116 = arith.constant 0 : i32
            %lt3A_117 = vector.broadcast %lt3A_116 : i32 to vector<16xi32>
            %lt3A_118 = arith.cmpi slt, %add3A_115, %lt3A_117 : vector<16xi32>
            %add3A_119 = arith.constant 16 : i32
            %add3A_120 = vector.broadcast %add3A_119 : i32 to vector<16xi32>
            %add3A_121 = arith.addi %add3A_115, %add3A_120 : vector<16xi32>
            %select_n3A_122 = arith.select %lt3A_118, %add3A_121, %add3A_115 : vector<16xi1>, vector<16xi32>
            %broadcast_in_dim3A_123 = vector.shape_cast %select_n3A_122 : vector<16xi32> to vector<16x1xi32>
            %gather3A_124 = vector.shape_cast %broadcast_in_dim3A_123 : vector<16x1xi32> to vector<16xi32>
            %gather3A_125 = tpu.dynamic_gather %get3A_83[%gather3A_124] in [0] : vector<16xi32>, vector<16xi32> -> vector<16xi32>
            %add3A_126 = arith.constant 2 : i32
            %add3A_127 = arith.addi %mul3A_95, %add3A_126 : i32
            %add3A_128 = vector.broadcast %add3A_127 : i32 to vector<16xi32>
            %add3A_129 = arith.addi %broadcast_in_dim3A_0, %add3A_128 : vector<16xi32>
            %lt3A_130 = arith.constant 0 : i32
            %lt3A_131 = vector.broadcast %lt3A_130 : i32 to vector<16xi32>
            %lt3A_132 = arith.cmpi slt, %add3A_129, %lt3A_131 : vector<16xi32>
            %add3A_133 = arith.constant 16 : i32
            %add3A_134 = vector.broadcast %add3A_133 : i32 to vector<16xi32>
            %add3A_135 = arith.addi %add3A_129, %add3A_134 : vector<16xi32>
            %select_n3A_136 = arith.select %lt3A_132, %add3A_135, %add3A_129 : vector<16xi1>, vector<16xi32>
            %broadcast_in_dim3A_137 = vector.shape_cast %select_n3A_136 : vector<16xi32> to vector<16x1xi32>
            %gather3A_138 = vector.shape_cast %broadcast_in_dim3A_137 : vector<16x1xi32> to vector<16xi32>
            %gather3A_139 = tpu.dynamic_gather %get3A_83[%gather3A_138] in [0] : vector<16xi32>, vector<16xi32> -> vector<16xi32>
            %add3A_140 = arith.constant 3 : i32
            %add3A_141 = arith.addi %mul3A_95, %add3A_140 : i32
            %add3A_142 = vector.broadcast %add3A_141 : i32 to vector<16xi32>
            %add3A_143 = arith.addi %broadcast_in_dim3A_0, %add3A_142 : vector<16xi32>
            %lt3A_144 = arith.constant 0 : i32
            %lt3A_145 = vector.broadcast %lt3A_144 : i32 to vector<16xi32>
            %lt3A_146 = arith.cmpi slt, %add3A_143, %lt3A_145 : vector<16xi32>
            %add3A_147 = arith.constant 16 : i32
            %add3A_148 = vector.broadcast %add3A_147 : i32 to vector<16xi32>
            %add3A_149 = arith.addi %add3A_143, %add3A_148 : vector<16xi32>
            %select_n3A_150 = arith.select %lt3A_146, %add3A_149, %add3A_143 : vector<16xi1>, vector<16xi32>
            %broadcast_in_dim3A_151 = vector.shape_cast %select_n3A_150 : vector<16xi32> to vector<16x1xi32>
            %gather3A_152 = vector.shape_cast %broadcast_in_dim3A_151 : vector<16x1xi32> to vector<16xi32>
            %gather3A_153 = tpu.dynamic_gather %get3A_83[%gather3A_152] in [0] : vector<16xi32>, vector<16xi32> -> vector<16xi32>
            %add3A_154 = arith.constant 0 : i32
            %add3A_155 = arith.addi %add3A_98, %add3A_154 : i32
            %get3A_156 = arith.index_cast %add3A_155 : i32 to index
            %get3A_157 = arith.constant 0 : index
            %get3A_158 = tpu.vector_load %arg5[%get3A_156, %get3A_157] {strides = array<i32>} : memref<128x128xf32, #tpu.memory_space<vmem>>, vector<16xf32>,
            %add3A_159 = arith.constant 0 : i32
            %add3A_160 = arith.addi %add3A_98, %add3A_159 : i32
            %get3A_161 = arith.index_cast %add3A_160 : i32 to index
            %get3A_162 = arith.constant 16 : index
            %get3A_163 = tpu.vector_load %arg5[%get3A_161, %get3A_162] {strides = array<i32>} : memref<128x128xf32, #tpu.memory_space<vmem>>, vector<16xf32>,
            %add3A_164 = arith.constant 0 : i32
            %add3A_165 = arith.addi %add3A_98, %add3A_164 : i32
            %get3A_166 = arith.index_cast %add3A_165 : i32 to index
            %get3A_167 = arith.constant 32 : index
            %get3A_168 = tpu.vector_load %arg5[%get3A_166, %get3A_167] {strides = array<i32>} : memref<128x128xf32, #tpu.memory_space<vmem>>, vector<16xf32>,
            %add3A_169 = arith.constant 0 : i32
            %add3A_170 = arith.addi %add3A_98, %add3A_169 : i32
            %get3A_171 = arith.index_cast %add3A_170 : i32 to index
            %get3A_172 = arith.constant 48 : index
            %get3A_173 = tpu.vector_load %arg5[%get3A_171, %get3A_172] {strides = array<i32>} : memref<128x128xf32, #tpu.memory_space<vmem>>, vector<16xf32>,
            %add3A_174 = arith.constant 0 : i32
            %add3A_175 = arith.addi %add3A_98, %add3A_174 : i32
            %get3A_176 = arith.index_cast %add3A_175 : i32 to index
            %get3A_177 = arith.constant 64 : index
            %get3A_178 = tpu.vector_load %arg5[%get3A_176, %get3A_177] {strides = array<i32>} : memref<128x128xf32, #tpu.memory_space<vmem>>, vector<16xf32>,
            %add3A_179 = arith.constant 0 : i32
            %add3A_180 = arith.addi %add3A_98, %add3A_179 : i32
            %get3A_181 = arith.index_cast %add3A_180 : i32 to index
            %get3A_182 = arith.constant 80 : index
            %get3A_183 = tpu.vector_load %arg5[%get3A_181, %get3A_182] {strides = array<i32>} : memref<128x128xf32, #tpu.memory_space<vmem>>, vector<16xf32>,
            %add3A_184 = arith.constant 0 : i32
            %add3A_185 = arith.addi %add3A_98, %add3A_184 : i32
            %get3A_186 = arith.index_cast %add3A_185 : i32 to index
            %get3A_187 = arith.constant 96 : index
            %get3A_188 = tpu.vector_load %arg5[%get3A_186, %get3A_187] {strides = array<i32>} : memref<128x128xf32, #tpu.memory_space<vmem>>, vector<16xf32>,
            %add3A_189 = arith.constant 0 : i32
            %add3A_190 = arith.addi %add3A_98, %add3A_189 : i32
            %get3A_191 = arith.index_cast %add3A_190 : i32 to index
            %get3A_192 = arith.constant 112 : index
            %get3A_193 = tpu.vector_load %arg5[%get3A_191, %get3A_192] {strides = array<i32>} : memref<128x128xf32, #tpu.memory_space<vmem>>, vector<16xf32>,
            %add3A_194 = arith.constant 1 : i32
            %add3A_195 = arith.addi %add3A_98, %add3A_194 : i32
            %get3A_196 = arith.index_cast %add3A_195 : i32 to index
            %get3A_197 = arith.constant 0 : index
            %get3A_198 = tpu.vector_load %arg5[%get3A_196, %get3A_197] {strides = array<i32>} : memref<128x128xf32, #tpu.memory_space<vmem>>, vector<16xf32>,
            %add3A_199 = arith.constant 1 : i32
            %add3A_200 = arith.addi %add3A_98, %add3A_199 : i32
            %get3A_201 = arith.index_cast %add3A_200 : i32 to index
            %get3A_202 = arith.constant 16 : index
            %get3A_203 = tpu.vector_load %arg5[%get3A_201, %get3A_202] {strides = array<i32>} : memref<128x128xf32, #tpu.memory_space<vmem>>, vector<16xf32>,
            %add3A_204 = arith.constant 1 : i32
            %add3A_205 = arith.addi %add3A_98, %add3A_204 : i32
            %get3A_206 = arith.index_cast %add3A_205 : i32 to index
            %get3A_207 = arith.constant 32 : index
            %get3A_208 = tpu.vector_load %arg5[%get3A_206, %get3A_207] {strides = array<i32>} : memref<128x128xf32, #tpu.memory_space<vmem>>, vector<16xf32>,
            %add3A_209 = arith.constant 1 : i32
            %add3A_210 = arith.addi %add3A_98, %add3A_209 : i32
            %get3A_211 = arith.index_cast %add3A_210 : i32 to index
            %get3A_212 = arith.constant 48 : index
            %get3A_213 = tpu.vector_load %arg5[%get3A_211, %get3A_212] {strides = array<i32>} : memref<128x128xf32, #tpu.memory_space<vmem>>, vector<16xf32>,
            %add3A_214 = arith.constant 1 : i32
            %add3A_215 = arith.addi %add3A_98, %add3A_214 : i32
            %get3A_216 = arith.index_cast %add3A_215 : i32 to index
            %get3A_217 = arith.constant 64 : index
            %get3A_218 = tpu.vector_load %arg5[%get3A_216, %get3A_217] {strides = array<i32>} : memref<128x128xf32, #tpu.memory_space<vmem>>, vector<16xf32>,
            %add3A_219 = arith.constant 1 : i32
            %add3A_220 = arith.addi %add3A_98, %add3A_219 : i32
            %get3A_221 = arith.index_cast %add3A_220 : i32 to index
            %get3A_222 = arith.constant 80 : index
            %get3A_223 = tpu.vector_load %arg5[%get3A_221, %get3A_222] {strides = array<i32>} : memref<128x128xf32, #tpu.memory_space<vmem>>, vector<16xf32>,
            %add3A_224 = arith.constant 1 : i32
            %add3A_225 = arith.addi %add3A_98, %add3A_224 : i32
            %get3A_226 = arith.index_cast %add3A_225 : i32 to index
            %get3A_227 = arith.constant 96 : index
            %get3A_228 = tpu.vector_load %arg5[%get3A_226, %get3A_227] {strides = array<i32>} : memref<128x128xf32, #tpu.memory_space<vmem>>, vector<16xf32>,
            %add3A_229 = arith.constant 1 : i32
            %add3A_230 = arith.addi %add3A_98, %add3A_229 : i32
            %get3A_231 = arith.index_cast %add3A_230 : i32 to index
            %get3A_232 = arith.constant 112 : index
            %get3A_233 = tpu.vector_load %arg5[%get3A_231, %get3A_232] {strides = array<i32>} : memref<128x128xf32, #tpu.memory_space<vmem>>, vector<16xf32>,
            %add3A_234 = arith.constant 2 : i32
            %add3A_235 = arith.addi %add3A_98, %add3A_234 : i32
            %get3A_236 = arith.index_cast %add3A_235 : i32 to index
            %get3A_237 = arith.constant 0 : index
            %get3A_238 = tpu.vector_load %arg5[%get3A_236, %get3A_237] {strides = array<i32>} : memref<128x128xf32, #tpu.memory_space<vmem>>, vector<16xf32>,
            %add3A_239 = arith.constant 2 : i32
            %add3A_240 = arith.addi %add3A_98, %add3A_239 : i32
            %get3A_241 = arith.index_cast %add3A_240 : i32 to index
            %get3A_242 = arith.constant 16 : index
            %get3A_243 = tpu.vector_load %arg5[%get3A_241, %get3A_242] {strides = array<i32>} : memref<128x128xf32, #tpu.memory_space<vmem>>, vector<16xf32>,
            %add3A_244 = arith.constant 2 : i32
            %add3A_245 = arith.addi %add3A_98, %add3A_244 : i32
            %get3A_246 = arith.index_cast %add3A_245 : i32 to index
            %get3A_247 = arith.constant 32 : index
            %get3A_248 = tpu.vector_load %arg5[%get3A_246, %get3A_247] {strides = array<i32>} : memref<128x128xf32, #tpu.memory_space<vmem>>, vector<16xf32>,
            %add3A_249 = arith.constant 2 : i32
            %add3A_250 = arith.addi %add3A_98, %add3A_249 : i32
            %get3A_251 = arith.index_cast %add3A_250 : i32 to index
            %get3A_252 = arith.constant 48 : index
            %get3A_253 = tpu.vector_load %arg5[%get3A_251, %get3A_252] {strides = array<i32>} : memref<128x128xf32, #tpu.memory_space<vmem>>, vector<16xf32>,
            %add3A_254 = arith.constant 2 : i32
            %add3A_255 = arith.addi %add3A_98, %add3A_254 : i32
            %get3A_256 = arith.index_cast %add3A_255 : i32 to index
            %get3A_257 = arith.constant 64 : index
            %get3A_258 = tpu.vector_load %arg5[%get3A_256, %get3A_257] {strides = array<i32>} : memref<128x128xf32, #tpu.memory_space<vmem>>, vector<16xf32>,
            %add3A_259 = arith.constant 2 : i32
            %add3A_260 = arith.addi %add3A_98, %add3A_259 : i32
            %get3A_261 = arith.index_cast %add3A_260 : i32 to index
            %get3A_262 = arith.constant 80 : index
            %get3A_263 = tpu.vector_load %arg5[%get3A_261, %get3A_262] {strides = array<i32>} : memref<128x128xf32, #tpu.memory_space<vmem>>, vector<16xf32>,
            %add3A_264 = arith.constant 2 : i32
            %add3A_265 = arith.addi %add3A_98, %add3A_264 : i32
            %get3A_266 = arith.index_cast %add3A_265 : i32 to index
            %get3A_267 = arith.constant 96 : index
            %get3A_268 = tpu.vector_load %arg5[%get3A_266, %get3A_267] {strides = array<i32>} : memref<128x128xf32, #tpu.memory_space<vmem>>, vector<16xf32>,
            %add3A_269 = arith.constant 2 : i32
            %add3A_270 = arith.addi %add3A_98, %add3A_269 : i32
            %get3A_271 = arith.index_cast %add3A_270 : i32 to index
            %get3A_272 = arith.constant 112 : index
            %get3A_273 = tpu.vector_load %arg5[%get3A_271, %get3A_272] {strides = array<i32>} : memref<128x128xf32, #tpu.memory_space<vmem>>, vector<16xf32>,
            %add3A_274 = arith.constant 3 : i32
            %add3A_275 = arith.addi %add3A_98, %add3A_274 : i32
            %get3A_276 = arith.index_cast %add3A_275 : i32 to index
            %get3A_277 = arith.constant 0 : index
            %get3A_278 = tpu.vector_load %arg5[%get3A_276, %get3A_277] {strides = array<i32>} : memref<128x128xf32, #tpu.memory_space<vmem>>, vector<16xf32>,
            %add3A_279 = arith.constant 3 : i32
            %add3A_280 = arith.addi %add3A_98, %add3A_279 : i32
            %get3A_281 = arith.index_cast %add3A_280 : i32 to index
            %get3A_282 = arith.constant 16 : index
            %get3A_283 = tpu.vector_load %arg5[%get3A_281, %get3A_282] {strides = array<i32>} : memref<128x128xf32, #tpu.memory_space<vmem>>, vector<16xf32>,
            %add3A_284 = arith.constant 3 : i32
            %add3A_285 = arith.addi %add3A_98, %add3A_284 : i32
            %get3A_286 = arith.index_cast %add3A_285 : i32 to index
            %get3A_287 = arith.constant 32 : index
            %get3A_288 = tpu.vector_load %arg5[%get3A_286, %get3A_287] {strides = array<i32>} : memref<128x128xf32, #tpu.memory_space<vmem>>, vector<16xf32>,
            %add3A_289 = arith.constant 3 : i32
            %add3A_290 = arith.addi %add3A_98, %add3A_289 : i32
            %get3A_291 = arith.index_cast %add3A_290 : i32 to index
            %get3A_292 = arith.constant 48 : index
            %get3A_293 = tpu.vector_load %arg5[%get3A_291, %get3A_292] {strides = array<i32>} : memref<128x128xf32, #tpu.memory_space<vmem>>, vector<16xf32>,
            %add3A_294 = arith.constant 3 : i32
            %add3A_295 = arith.addi %add3A_98, %add3A_294 : i32
            %get3A_296 = arith.index_cast %add3A_295 : i32 to index
            %get3A_297 = arith.constant 64 : index
            %get3A_298 = tpu.vector_load %arg5[%get3A_296, %get3A_297] {strides = array<i32>} : memref<128x128xf32, #tpu.memory_space<vmem>>, vector<16xf32>,
            %add3A_299 = arith.constant 3 : i32
            %add3A_300 = arith.addi %add3A_98, %add3A_299 : i32
            %get3A_301 = arith.index_cast %add3A_300 : i32 to index
            %get3A_302 = arith.constant 80 : index
            %get3A_303 = tpu.vector_load %arg5[%get3A_301, %get3A_302] {strides = array<i32>} : memref<128x128xf32, #tpu.memory_space<vmem>>, vector<16xf32>,
            %add3A_304 = arith.constant 3 : i32
            %add3A_305 = arith.addi %add3A_98, %add3A_304 : i32
            %get3A_306 = arith.index_cast %add3A_305 : i32 to index
            %get3A_307 = arith.constant 96 : index
            %get3A_308 = tpu.vector_load %arg5[%get3A_306, %get3A_307] {strides = array<i32>} : memref<128x128xf32, #tpu.memory_space<vmem>>, vector<16xf32>,
            %add3A_309 = arith.constant 3 : i32
            %add3A_310 = arith.addi %add3A_98, %add3A_309 : i32
            %get3A_311 = arith.index_cast %add3A_310 : i32 to index
            %get3A_312 = arith.constant 112 : index
            %get3A_313 = tpu.vector_load %arg5[%get3A_311, %get3A_312] {strides = array<i32>} : memref<128x128xf32, #tpu.memory_space<vmem>>, vector<16xf32>,
            %add3A_314 = arith.constant 0 : i32
            %add3A_315 = vector.broadcast %add3A_314 : i32 to vector<16xi32>
            %add3A_316 = arith.addi %iota3A, %add3A_315 : vector<16xi32>
            tpu.vector_store_idx %arg9[%gather3A_111, %add3A_316], %get3A_158 {add = true} : memref<520x128xf32, #tpu.memory_space<vmem>>[vector<16xi32>, vector<16xi32>], vector<16xf32>,
            %add3A_317 = arith.constant 16 : i32
            %add3A_318 = vector.broadcast %add3A_317 : i32 to vector<16xi32>
            %add3A_319 = arith.addi %iota3A, %add3A_318 : vector<16xi32>
            tpu.vector_store_idx %arg9[%gather3A_111, %add3A_319], %get3A_163 {add = true} : memref<520x128xf32, #tpu.memory_space<vmem>>[vector<16xi32>, vector<16xi32>], vector<16xf32>,
            %add3A_320 = arith.constant 32 : i32
            %add3A_321 = vector.broadcast %add3A_320 : i32 to vector<16xi32>
            %add3A_322 = arith.addi %iota3A, %add3A_321 : vector<16xi32>
            tpu.vector_store_idx %arg9[%gather3A_111, %add3A_322], %get3A_168 {add = true} : memref<520x128xf32, #tpu.memory_space<vmem>>[vector<16xi32>, vector<16xi32>], vector<16xf32>,
            %add3A_323 = arith.constant 48 : i32
            %add3A_324 = vector.broadcast %add3A_323 : i32 to vector<16xi32>
            %add3A_325 = arith.addi %iota3A, %add3A_324 : vector<16xi32>
            tpu.vector_store_idx %arg9[%gather3A_111, %add3A_325], %get3A_173 {add = true} : memref<520x128xf32, #tpu.memory_space<vmem>>[vector<16xi32>, vector<16xi32>], vector<16xf32>,
            %add3A_326 = arith.constant 64 : i32
            %add3A_327 = vector.broadcast %add3A_326 : i32 to vector<16xi32>
            %add3A_328 = arith.addi %iota3A, %add3A_327 : vector<16xi32>
            tpu.vector_store_idx %arg9[%gather3A_111, %add3A_328], %get3A_178 {add = true} : memref<520x128xf32, #tpu.memory_space<vmem>>[vector<16xi32>, vector<16xi32>], vector<16xf32>,
            %add3A_329 = arith.constant 80 : i32
            %add3A_330 = vector.broadcast %add3A_329 : i32 to vector<16xi32>
            %add3A_331 = arith.addi %iota3A, %add3A_330 : vector<16xi32>
            tpu.vector_store_idx %arg9[%gather3A_111, %add3A_331], %get3A_183 {add = true} : memref<520x128xf32, #tpu.memory_space<vmem>>[vector<16xi32>, vector<16xi32>], vector<16xf32>,
            %add3A_332 = arith.constant 96 : i32
            %add3A_333 = vector.broadcast %add3A_332 : i32 to vector<16xi32>
            %add3A_334 = arith.addi %iota3A, %add3A_333 : vector<16xi32>
            tpu.vector_store_idx %arg9[%gather3A_111, %add3A_334], %get3A_188 {add = true} : memref<520x128xf32, #tpu.memory_space<vmem>>[vector<16xi32>, vector<16xi32>], vector<16xf32>,
            %add3A_335 = arith.constant 112 : i32
            %add3A_336 = vector.broadcast %add3A_335 : i32 to vector<16xi32>
            %add3A_337 = arith.addi %iota3A, %add3A_336 : vector<16xi32>
            tpu.vector_store_idx %arg9[%gather3A_111, %add3A_337], %get3A_193 {add = true} : memref<520x128xf32, #tpu.memory_space<vmem>>[vector<16xi32>, vector<16xi32>], vector<16xf32>,
            %add3A_338 = arith.constant 0 : i32
            %add3A_339 = vector.broadcast %add3A_338 : i32 to vector<16xi32>
            %add3A_340 = arith.addi %iota3A, %add3A_339 : vector<16xi32>
            tpu.vector_store_idx %arg9[%gather3A_125, %add3A_340], %get3A_198 {add = true} : memref<520x128xf32, #tpu.memory_space<vmem>>[vector<16xi32>, vector<16xi32>], vector<16xf32>,
            %add3A_341 = arith.constant 16 : i32
            %add3A_342 = vector.broadcast %add3A_341 : i32 to vector<16xi32>
            %add3A_343 = arith.addi %iota3A, %add3A_342 : vector<16xi32>
            tpu.vector_store_idx %arg9[%gather3A_125, %add3A_343], %get3A_203 {add = true} : memref<520x128xf32, #tpu.memory_space<vmem>>[vector<16xi32>, vector<16xi32>], vector<16xf32>,
            %add3A_344 = arith.constant 32 : i32
            %add3A_345 = vector.broadcast %add3A_344 : i32 to vector<16xi32>
            %add3A_346 = arith.addi %iota3A, %add3A_345 : vector<16xi32>
            tpu.vector_store_idx %arg9[%gather3A_125, %add3A_346], %get3A_208 {add = true} : memref<520x128xf32, #tpu.memory_space<vmem>>[vector<16xi32>, vector<16xi32>], vector<16xf32>,
            %add3A_347 = arith.constant 48 : i32
            %add3A_348 = vector.broadcast %add3A_347 : i32 to vector<16xi32>
            %add3A_349 = arith.addi %iota3A, %add3A_348 : vector<16xi32>
            tpu.vector_store_idx %arg9[%gather3A_125, %add3A_349], %get3A_213 {add = true} : memref<520x128xf32, #tpu.memory_space<vmem>>[vector<16xi32>, vector<16xi32>], vector<16xf32>,
            %add3A_350 = arith.constant 64 : i32
            %add3A_351 = vector.broadcast %add3A_350 : i32 to vector<16xi32>
            %add3A_352 = arith.addi %iota3A, %add3A_351 : vector<16xi32>
            tpu.vector_store_idx %arg9[%gather3A_125, %add3A_352], %get3A_218 {add = true} : memref<520x128xf32, #tpu.memory_space<vmem>>[vector<16xi32>, vector<16xi32>], vector<16xf32>,
            %add3A_353 = arith.constant 80 : i32
            %add3A_354 = vector.broadcast %add3A_353 : i32 to vector<16xi32>
            %add3A_355 = arith.addi %iota3A, %add3A_354 : vector<16xi32>
            tpu.vector_store_idx %arg9[%gather3A_125, %add3A_355], %get3A_223 {add = true} : memref<520x128xf32, #tpu.memory_space<vmem>>[vector<16xi32>, vector<16xi32>], vector<16xf32>,
            %add3A_356 = arith.constant 96 : i32
            %add3A_357 = vector.broadcast %add3A_356 : i32 to vector<16xi32>
            %add3A_358 = arith.addi %iota3A, %add3A_357 : vector<16xi32>
            tpu.vector_store_idx %arg9[%gather3A_125, %add3A_358], %get3A_228 {add = true} : memref<520x128xf32, #tpu.memory_space<vmem>>[vector<16xi32>, vector<16xi32>], vector<16xf32>,
            %add3A_359 = arith.constant 112 : i32
            %add3A_360 = vector.broadcast %add3A_359 : i32 to vector<16xi32>
            %add3A_361 = arith.addi %iota3A, %add3A_360 : vector<16xi32>
            tpu.vector_store_idx %arg9[%gather3A_125, %add3A_361], %get3A_233 {add = true} : memref<520x128xf32, #tpu.memory_space<vmem>>[vector<16xi32>, vector<16xi32>], vector<16xf32>,
            %add3A_362 = arith.constant 0 : i32
            %add3A_363 = vector.broadcast %add3A_362 : i32 to vector<16xi32>
            %add3A_364 = arith.addi %iota3A, %add3A_363 : vector<16xi32>
            tpu.vector_store_idx %arg9[%gather3A_139, %add3A_364], %get3A_238 {add = true} : memref<520x128xf32, #tpu.memory_space<vmem>>[vector<16xi32>, vector<16xi32>], vector<16xf32>,
            %add3A_365 = arith.constant 16 : i32
            %add3A_366 = vector.broadcast %add3A_365 : i32 to vector<16xi32>
            %add3A_367 = arith.addi %iota3A, %add3A_366 : vector<16xi32>
            tpu.vector_store_idx %arg9[%gather3A_139, %add3A_367], %get3A_243 {add = true} : memref<520x128xf32, #tpu.memory_space<vmem>>[vector<16xi32>, vector<16xi32>], vector<16xf32>,
            %add3A_368 = arith.constant 32 : i32
            %add3A_369 = vector.broadcast %add3A_368 : i32 to vector<16xi32>
            %add3A_370 = arith.addi %iota3A, %add3A_369 : vector<16xi32>
            tpu.vector_store_idx %arg9[%gather3A_139, %add3A_370], %get3A_248 {add = true} : memref<520x128xf32, #tpu.memory_space<vmem>>[vector<16xi32>, vector<16xi32>], vector<16xf32>,
            %add3A_371 = arith.constant 48 : i32
            %add3A_372 = vector.broadcast %add3A_371 : i32 to vector<16xi32>
            %add3A_373 = arith.addi %iota3A, %add3A_372 : vector<16xi32>
            tpu.vector_store_idx %arg9[%gather3A_139, %add3A_373], %get3A_253 {add = true} : memref<520x128xf32, #tpu.memory_space<vmem>>[vector<16xi32>, vector<16xi32>], vector<16xf32>,
            %add3A_374 = arith.constant 64 : i32
            %add3A_375 = vector.broadcast %add3A_374 : i32 to vector<16xi32>
            %add3A_376 = arith.addi %iota3A, %add3A_375 : vector<16xi32>
            tpu.vector_store_idx %arg9[%gather3A_139, %add3A_376], %get3A_258 {add = true} : memref<520x128xf32, #tpu.memory_space<vmem>>[vector<16xi32>, vector<16xi32>], vector<16xf32>,
            %add3A_377 = arith.constant 80 : i32
            %add3A_378 = vector.broadcast %add3A_377 : i32 to vector<16xi32>
            %add3A_379 = arith.addi %iota3A, %add3A_378 : vector<16xi32>
            tpu.vector_store_idx %arg9[%gather3A_139, %add3A_379], %get3A_263 {add = true} : memref<520x128xf32, #tpu.memory_space<vmem>>[vector<16xi32>, vector<16xi32>], vector<16xf32>,
            %add3A_380 = arith.constant 96 : i32
            %add3A_381 = vector.broadcast %add3A_380 : i32 to vector<16xi32>
            %add3A_382 = arith.addi %iota3A, %add3A_381 : vector<16xi32>
            tpu.vector_store_idx %arg9[%gather3A_139, %add3A_382], %get3A_268 {add = true} : memref<520x128xf32, #tpu.memory_space<vmem>>[vector<16xi32>, vector<16xi32>], vector<16xf32>,
            %add3A_383 = arith.constant 112 : i32
            %add3A_384 = vector.broadcast %add3A_383 : i32 to vector<16xi32>
            %add3A_385 = arith.addi %iota3A, %add3A_384 : vector<16xi32>
            tpu.vector_store_idx %arg9[%gather3A_139, %add3A_385], %get3A_273 {add = true} : memref<520x128xf32, #tpu.memory_space<vmem>>[vector<16xi32>, vector<16xi32>], vector<16xf32>,
            %add3A_386 = arith.constant 0 : i32
            %add3A_387 = vector.broadcast %add3A_386 : i32 to vector<16xi32>
            %add3A_388 = arith.addi %iota3A, %add3A_387 : vector<16xi32>
            tpu.vector_store_idx %arg9[%gather3A_153, %add3A_388], %get3A_278 {add = true} : memref<520x128xf32, #tpu.memory_space<vmem>>[vector<16xi32>, vector<16xi32>], vector<16xf32>,
            %add3A_389 = arith.constant 16 : i32
            %add3A_390 = vector.broadcast %add3A_389 : i32 to vector<16xi32>
            %add3A_391 = arith.addi %iota3A, %add3A_390 : vector<16xi32>
            tpu.vector_store_idx %arg9[%gather3A_153, %add3A_391], %get3A_283 {add = true} : memref<520x128xf32, #tpu.memory_space<vmem>>[vector<16xi32>, vector<16xi32>], vector<16xf32>,
            %add3A_392 = arith.constant 32 : i32
            %add3A_393 = vector.broadcast %add3A_392 : i32 to vector<16xi32>
            %add3A_394 = arith.addi %iota3A, %add3A_393 : vector<16xi32>
            tpu.vector_store_idx %arg9[%gather3A_153, %add3A_394], %get3A_288 {add = true} : memref<520x128xf32, #tpu.memory_space<vmem>>[vector<16xi32>, vector<16xi32>], vector<16xf32>,
            %add3A_395 = arith.constant 48 : i32
            %add3A_396 = vector.broadcast %add3A_395 : i32 to vector<16xi32>
            %add3A_397 = arith.addi %iota3A, %add3A_396 : vector<16xi32>
            tpu.vector_store_idx %arg9[%gather3A_153, %add3A_397], %get3A_293 {add = true} : memref<520x128xf32, #tpu.memory_space<vmem>>[vector<16xi32>, vector<16xi32>], vector<16xf32>,
            %add3A_398 = arith.constant 64 : i32
            %add3A_399 = vector.broadcast %add3A_398 : i32 to vector<16xi32>
            %add3A_400 = arith.addi %iota3A, %add3A_399 : vector<16xi32>
            tpu.vector_store_idx %arg9[%gather3A_153, %add3A_400], %get3A_298 {add = true} : memref<520x128xf32, #tpu.memory_space<vmem>>[vector<16xi32>, vector<16xi32>], vector<16xf32>,
            %add3A_401 = arith.constant 80 : i32
            %add3A_402 = vector.broadcast %add3A_401 : i32 to vector<16xi32>
            %add3A_403 = arith.addi %iota3A, %add3A_402 : vector<16xi32>
            tpu.vector_store_idx %arg9[%gather3A_153, %add3A_403], %get3A_303 {add = true} : memref<520x128xf32, #tpu.memory_space<vmem>>[vector<16xi32>, vector<16xi32>], vector<16xf32>,
            %add3A_404 = arith.constant 96 : i32
            %add3A_405 = vector.broadcast %add3A_404 : i32 to vector<16xi32>
            %add3A_406 = arith.addi %iota3A, %add3A_405 : vector<16xi32>
            tpu.vector_store_idx %arg9[%gather3A_153, %add3A_406], %get3A_308 {add = true} : memref<520x128xf32, #tpu.memory_space<vmem>>[vector<16xi32>, vector<16xi32>], vector<16xf32>,
            %add3A_407 = arith.constant 112 : i32
            %add3A_408 = vector.broadcast %add3A_407 : i32 to vector<16xi32>
            %add3A_409 = arith.addi %iota3A, %add3A_408 : vector<16xi32>
            tpu.vector_store_idx %arg9[%gather3A_153, %add3A_409], %get3A_313 {add = true} : memref<520x128xf32, #tpu.memory_space<vmem>>[vector<16xi32>, vector<16xi32>], vector<16xf32>,
            %eq3A_410 = arith.constant 0 : i32
            %eq3A_411 = arith.cmpi eq, %arg0, %eq3A_410 : i32
            %select_n3A_412 = arith.select %eq3A_411, %gather3A_111, %gather3A_125 : vector<16xi32>
            %shift_right_logical3A = arith.constant 7 : i32
            %shift_right_logical3A_413 = vector.broadcast %shift_right_logical3A : i32 to vector<16xi32>
            %shift_right_logical3A_414 = arith.shrui %select_n3A_412, %shift_right_logical3A_413 : vector<16xi32>
            %add3A_415 = arith.constant 512 : i32
            %add3A_416 = vector.broadcast %add3A_415 : i32 to vector<16xi32>
            %add3A_417 = arith.addi %add3A_416, %shift_right_logical3A_414 : vector<16xi32>
            %and3A = arith.constant 127 : i32
            %and3A_418 = vector.broadcast %and3A : i32 to vector<16xi32>
            %and3A_419 = arith.andi %select_n3A_412, %and3A_418 : vector<16xi32>
            tpu.vector_store_idx %arg9[%add3A_417, %and3A_419], %broadcast_in_dim3A_4 masked %eq3A_6 {add = true} : memref<520x128xf32, #tpu.memory_space<vmem>>[vector<16xi32>, vector<16xi32>], vector<16xf32>, vector<16xi1>
            %eq3A_420 = arith.constant 0 : i32
            %eq3A_421 = arith.cmpi eq, %arg0, %eq3A_420 : i32
            %select_n3A_422 = arith.select %eq3A_421, %gather3A_139, %gather3A_153 : vector<16xi32>
            %shift_right_logical3A_423 = arith.constant 7 : i32
            %shift_right_logical3A_424 = vector.broadcast %shift_right_logical3A_423 : i32 to vector<16xi32>
            %shift_right_logical3A_425 = arith.shrui %select_n3A_422, %shift_right_logical3A_424 : vector<16xi32>
            %add3A_426 = arith.constant 512 : i32
            %add3A_427 = vector.broadcast %add3A_426 : i32 to vector<16xi32>
            %add3A_428 = arith.addi %add3A_427, %shift_right_logical3A_425 : vector<16xi32>
            %and3A_429 = arith.constant 127 : i32
            %and3A_430 = vector.broadcast %and3A_429 : i32 to vector<16xi32>
            %and3A_431 = arith.andi %select_n3A_422, %and3A_430 : vector<16xi32>
            tpu.vector_store_idx %arg9[%add3A_428, %and3A_431], %broadcast_in_dim3A_4 masked %eq3A_6 {add = true} : memref<520x128xf32, #tpu.memory_space<vmem>>[vector<16xi32>, vector<16xi32>], vector<16xf32>, vector<16xi1>
            %scan3A_432 = arith.constant 0 : i32
            scf.yield %scan3A_432 : i32
          }
          %scan3A_90 = arith.constant 4 : i32
          %scan3A_91 = arith.constant 0 : i32
          scf.yield %scan3A_91 : i32
        }
        %scan3A_77 = arith.constant 8 : i32
      } else {
      }
      %rem3A_50 = arith.constant 2 : i32
      %rem3A_51 = arith.remsi %while3A_42, %rem3A_50 : i32
      %eq3A_52 = arith.constant 1 : i32
      %eq3A_53 = arith.cmpi eq, %rem3A_51, %eq3A_52 : i32
      %convert_element_type3A_54 = arith.extui %eq3A_53 : i1 to i32
      %cond3A_55 = arith.constant 0 : i32
      %cond3A_56 = arith.cmpi ne, %convert_element_type3A_54, %cond3A_55 : i32
      scf.if %cond3A_56 {
        %add3A_58 = arith.constant 1 : i32
        %add3A_59 = arith.addi %while3A_42, %add3A_58 : i32
        %lt3A_60 = arith.cmpi slt, %add3A_59, %add3A_20 : i32
        %convert_element_type3A_61 = arith.extui %lt3A_60 : i1 to i32
        %cond3A_62 = arith.constant 0 : i32
        %cond3A_63 = arith.cmpi ne, %convert_element_type3A_61, %cond3A_62 : i32
        scf.if %cond3A_63 {
          %add3A_78 = arith.constant 1 : i32
          %add3A_79 = arith.addi %while3A_42, %add3A_78 : i32
          %add3A_80 = arith.addi %add3A, %add3A_79 : i32
          %mul3A_81 = arith.constant 128 : i32
          %mul3A_82 = arith.muli %add3A_80, %mul3A_81 : i32
          %multiple_of3A_83 = tpu.assume_multiple %mul3A_82, 128 : i32
          %dma_start3A_84 = tpu.memref_slice %arg2[%multiple_of3A_83, %mul3A_7] : memref<50000x256xf32, #tpu.memory_space<hbm>> -> memref<128x128xf32, #tpu.memory_space<hbm>>
          %dma_start3A_85 = tpu.memref_slice %arg2[%multiple_of3A_83, %mul3A_7] : memref<50000x256xf32, #tpu.memory_space<hbm>> -> memref<128x128xf32, #tpu.memory_space<hbm>>
          tpu.enqueue_dma source(%dma_start3A_85 : memref<128x128xf32, #tpu.memory_space<hbm>>) target(%arg5 : memref<128x128xf32, #tpu.memory_space<vmem>>) target_semaphore(%arg10 : memref<!tpu.dma_semaphore, #tpu.memory_space<semaphore_mem>>)
          %dma_start3A_86 = tpu.memref_slice %arg3[%multiple_of3A_83] : memref<50000xi32, #tpu.memory_space<hbm>> -> memref<128xi32, #tpu.memory_space<hbm>>
          %dma_start3A_87 = tpu.memref_slice %arg3[%multiple_of3A_83] : memref<50000xi32, #tpu.memory_space<hbm>> -> memref<128xi32, #tpu.memory_space<hbm>>
          tpu.enqueue_dma source(%dma_start3A_87 : memref<128xi32, #tpu.memory_space<hbm>>) target(%arg6 : memref<128xi32, #tpu.memory_space<vmem>>) target_semaphore(%arg10 : memref<!tpu.dma_semaphore, #tpu.memory_space<semaphore_mem>>)
        } else {
        }
        %add3A_64 = arith.addi %add3A, %while3A_42 : i32
        %mul3A_65 = arith.constant 128 : i32
        %mul3A_66 = arith.muli %add3A_64, %mul3A_65 : i32
        %multiple_of3A_67 = tpu.assume_multiple %mul3A_66, 128 : i32
        %dma_wait3A = tpu.memref_slice %arg2[%multiple_of3A_67, %mul3A_7] : memref<50000x256xf32, #tpu.memory_space<hbm>> -> memref<128x128xf32, #tpu.memory_space<hbm>>
        %dma_wait3A_68 = tpu.memref_slice %arg2[%multiple_of3A_67, %mul3A_7] : memref<50000x256xf32, #tpu.memory_space<hbm>> -> memref<128x128xf32, #tpu.memory_space<hbm>>
        tpu.wait_dma2 semaphore(%arg11 : memref<!tpu.dma_semaphore, #tpu.memory_space<semaphore_mem>>) src(%dma_wait3A_68 : memref<128x128xf32, #tpu.memory_space<hbm>>) dst(%arg7 : memref<128x128xf32, #tpu.memory_space<vmem>>)
        %dma_wait3A_69 = tpu.memref_slice %arg3[%multiple_of3A_67] : memref<50000xi32, #tpu.memory_space<hbm>> -> memref<128xi32, #tpu.memory_space<hbm>>
        %dma_wait3A_70 = tpu.memref_slice %arg3[%multiple_of3A_67] : memref<50000xi32, #tpu.memory_space<hbm>> -> memref<128xi32, #tpu.memory_space<hbm>>
        tpu.wait_dma2 semaphore(%arg11 : memref<!tpu.dma_semaphore, #tpu.memory_space<semaphore_mem>>) src(%dma_wait3A_70 : memref<128xi32, #tpu.memory_space<hbm>>) dst(%arg8 : memref<128xi32, #tpu.memory_space<vmem>>)
        %scan3A_71 = arith.constant 0 : i32
        %scan3A_72 = arith.constant 0 : i32
        %scan3A_73 = arith.constant 8 : i32
        %scan3A_74 = arith.addi %scan3A_72, %scan3A_73 : i32
        %scan3A_75 = arith.constant 1 : i32
        %scan3A_76 = scf.for %scan3A_78 = %scan3A_72 to %scan3A_74 step %scan3A_75 iter_args(%scan3A_79 = %scan3A_71) -> (i32)  : i32 {
          %mul3A_80 = arith.constant 16 : i32
          %mul3A_81 = arith.muli %scan3A_78, %mul3A_80 : i32
          %multiple_of3A_82 = tpu.assume_multiple %mul3A_81, 16 : i32
          %get3A = arith.index_cast %multiple_of3A_82 : i32 to index
          %get3A_83 = tpu.vector_load %arg8[%get3A] {strides = array<i32>} : memref<128xi32, #tpu.memory_space<vmem>>, vector<16xi32>,
          %scan3A_84 = arith.constant 0 : i32
          %scan3A_85 = arith.constant 0 : i32
          %scan3A_86 = arith.constant 4 : i32
          %scan3A_87 = arith.addi %scan3A_85, %scan3A_86 : i32
          %scan3A_88 = arith.constant 1 : i32
          %scan3A_89 = scf.for %scan3A_92 = %scan3A_85 to %scan3A_87 step %scan3A_88 iter_args(%scan3A_93 = %scan3A_84) -> (i32)  : i32 {
            %mul3A_94 = arith.constant 4 : i32
            %mul3A_95 = arith.muli %scan3A_92, %mul3A_94 : i32
            %mul3A_96 = arith.constant 16 : i32
            %mul3A_97 = arith.muli %scan3A_78, %mul3A_96 : i32
            %add3A_98 = arith.addi %mul3A_97, %mul3A_95 : i32
            %add3A_99 = arith.constant 0 : i32
            %add3A_100 = arith.addi %mul3A_95, %add3A_99 : i32
            %add3A_101 = vector.broadcast %add3A_100 : i32 to vector<16xi32>
            %add3A_102 = arith.addi %broadcast_in_dim3A_0, %add3A_101 : vector<16xi32>
            %lt3A_103 = arith.constant 0 : i32
            %lt3A_104 = vector.broadcast %lt3A_103 : i32 to vector<16xi32>
            %lt3A_105 = arith.cmpi slt, %add3A_102, %lt3A_104 : vector<16xi32>
            %add3A_106 = arith.constant 16 : i32
            %add3A_107 = vector.broadcast %add3A_106 : i32 to vector<16xi32>
            %add3A_108 = arith.addi %add3A_102, %add3A_107 : vector<16xi32>
            %select_n3A_109 = arith.select %lt3A_105, %add3A_108, %add3A_102 : vector<16xi1>, vector<16xi32>
            %broadcast_in_dim3A_110 = vector.shape_cast %select_n3A_109 : vector<16xi32> to vector<16x1xi32>
            %gather3A = vector.shape_cast %broadcast_in_dim3A_110 : vector<16x1xi32> to vector<16xi32>
            %gather3A_111 = tpu.dynamic_gather %get3A_83[%gather3A] in [0] : vector<16xi32>, vector<16xi32> -> vector<16xi32>
            %add3A_112 = arith.constant 1 : i32
            %add3A_113 = arith.addi %mul3A_95, %add3A_112 : i32
            %add3A_114 = vector.broadcast %add3A_113 : i32 to vector<16xi32>
            %add3A_115 = arith.addi %broadcast_in_dim3A_0, %add3A_114 : vector<16xi32>
            %lt3A_116 = arith.constant 0 : i32
            %lt3A_117 = vector.broadcast %lt3A_116 : i32 to vector<16xi32>
            %lt3A_118 = arith.cmpi slt, %add3A_115, %lt3A_117 : vector<16xi32>
            %add3A_119 = arith.constant 16 : i32
            %add3A_120 = vector.broadcast %add3A_119 : i32 to vector<16xi32>
            %add3A_121 = arith.addi %add3A_115, %add3A_120 : vector<16xi32>
            %select_n3A_122 = arith.select %lt3A_118, %add3A_121, %add3A_115 : vector<16xi1>, vector<16xi32>
            %broadcast_in_dim3A_123 = vector.shape_cast %select_n3A_122 : vector<16xi32> to vector<16x1xi32>
            %gather3A_124 = vector.shape_cast %broadcast_in_dim3A_123 : vector<16x1xi32> to vector<16xi32>
            %gather3A_125 = tpu.dynamic_gather %get3A_83[%gather3A_124] in [0] : vector<16xi32>, vector<16xi32> -> vector<16xi32>
            %add3A_126 = arith.constant 2 : i32
            %add3A_127 = arith.addi %mul3A_95, %add3A_126 : i32
            %add3A_128 = vector.broadcast %add3A_127 : i32 to vector<16xi32>
            %add3A_129 = arith.addi %broadcast_in_dim3A_0, %add3A_128 : vector<16xi32>
            %lt3A_130 = arith.constant 0 : i32
            %lt3A_131 = vector.broadcast %lt3A_130 : i32 to vector<16xi32>
            %lt3A_132 = arith.cmpi slt, %add3A_129, %lt3A_131 : vector<16xi32>
            %add3A_133 = arith.constant 16 : i32
            %add3A_134 = vector.broadcast %add3A_133 : i32 to vector<16xi32>
            %add3A_135 = arith.addi %add3A_129, %add3A_134 : vector<16xi32>
            %select_n3A_136 = arith.select %lt3A_132, %add3A_135, %add3A_129 : vector<16xi1>, vector<16xi32>
            %broadcast_in_dim3A_137 = vector.shape_cast %select_n3A_136 : vector<16xi32> to vector<16x1xi32>
            %gather3A_138 = vector.shape_cast %broadcast_in_dim3A_137 : vector<16x1xi32> to vector<16xi32>
            %gather3A_139 = tpu.dynamic_gather %get3A_83[%gather3A_138] in [0] : vector<16xi32>, vector<16xi32> -> vector<16xi32>
            %add3A_140 = arith.constant 3 : i32
            %add3A_141 = arith.addi %mul3A_95, %add3A_140 : i32
            %add3A_142 = vector.broadcast %add3A_141 : i32 to vector<16xi32>
            %add3A_143 = arith.addi %broadcast_in_dim3A_0, %add3A_142 : vector<16xi32>
            %lt3A_144 = arith.constant 0 : i32
            %lt3A_145 = vector.broadcast %lt3A_144 : i32 to vector<16xi32>
            %lt3A_146 = arith.cmpi slt, %add3A_143, %lt3A_145 : vector<16xi32>
            %add3A_147 = arith.constant 16 : i32
            %add3A_148 = vector.broadcast %add3A_147 : i32 to vector<16xi32>
            %add3A_149 = arith.addi %add3A_143, %add3A_148 : vector<16xi32>
            %select_n3A_150 = arith.select %lt3A_146, %add3A_149, %add3A_143 : vector<16xi1>, vector<16xi32>
            %broadcast_in_dim3A_151 = vector.shape_cast %select_n3A_150 : vector<16xi32> to vector<16x1xi32>
            %gather3A_152 = vector.shape_cast %broadcast_in_dim3A_151 : vector<16x1xi32> to vector<16xi32>
            %gather3A_153 = tpu.dynamic_gather %get3A_83[%gather3A_152] in [0] : vector<16xi32>, vector<16xi32> -> vector<16xi32>
            %add3A_154 = arith.constant 0 : i32
            %add3A_155 = arith.addi %add3A_98, %add3A_154 : i32
            %get3A_156 = arith.index_cast %add3A_155 : i32 to index
            %get3A_157 = arith.constant 0 : index
            %get3A_158 = tpu.vector_load %arg7[%get3A_156, %get3A_157] {strides = array<i32>} : memref<128x128xf32, #tpu.memory_space<vmem>>, vector<16xf32>,
            %add3A_159 = arith.constant 0 : i32
            %add3A_160 = arith.addi %add3A_98, %add3A_159 : i32
            %get3A_161 = arith.index_cast %add3A_160 : i32 to index
            %get3A_162 = arith.constant 16 : index
            %get3A_163 = tpu.vector_load %arg7[%get3A_161, %get3A_162] {strides = array<i32>} : memref<128x128xf32, #tpu.memory_space<vmem>>, vector<16xf32>,
            %add3A_164 = arith.constant 0 : i32
            %add3A_165 = arith.addi %add3A_98, %add3A_164 : i32
            %get3A_166 = arith.index_cast %add3A_165 : i32 to index
            %get3A_167 = arith.constant 32 : index
            %get3A_168 = tpu.vector_load %arg7[%get3A_166, %get3A_167] {strides = array<i32>} : memref<128x128xf32, #tpu.memory_space<vmem>>, vector<16xf32>,
            %add3A_169 = arith.constant 0 : i32
            %add3A_170 = arith.addi %add3A_98, %add3A_169 : i32
            %get3A_171 = arith.index_cast %add3A_170 : i32 to index
            %get3A_172 = arith.constant 48 : index
            %get3A_173 = tpu.vector_load %arg7[%get3A_171, %get3A_172] {strides = array<i32>} : memref<128x128xf32, #tpu.memory_space<vmem>>, vector<16xf32>,
            %add3A_174 = arith.constant 0 : i32
            %add3A_175 = arith.addi %add3A_98, %add3A_174 : i32
            %get3A_176 = arith.index_cast %add3A_175 : i32 to index
            %get3A_177 = arith.constant 64 : index
            %get3A_178 = tpu.vector_load %arg7[%get3A_176, %get3A_177] {strides = array<i32>} : memref<128x128xf32, #tpu.memory_space<vmem>>, vector<16xf32>,
            %add3A_179 = arith.constant 0 : i32
            %add3A_180 = arith.addi %add3A_98, %add3A_179 : i32
            %get3A_181 = arith.index_cast %add3A_180 : i32 to index
            %get3A_182 = arith.constant 80 : index
            %get3A_183 = tpu.vector_load %arg7[%get3A_181, %get3A_182] {strides = array<i32>} : memref<128x128xf32, #tpu.memory_space<vmem>>, vector<16xf32>,
            %add3A_184 = arith.constant 0 : i32
            %add3A_185 = arith.addi %add3A_98, %add3A_184 : i32
            %get3A_186 = arith.index_cast %add3A_185 : i32 to index
            %get3A_187 = arith.constant 96 : index
            %get3A_188 = tpu.vector_load %arg7[%get3A_186, %get3A_187] {strides = array<i32>} : memref<128x128xf32, #tpu.memory_space<vmem>>, vector<16xf32>,
            %add3A_189 = arith.constant 0 : i32
            %add3A_190 = arith.addi %add3A_98, %add3A_189 : i32
            %get3A_191 = arith.index_cast %add3A_190 : i32 to index
            %get3A_192 = arith.constant 112 : index
            %get3A_193 = tpu.vector_load %arg7[%get3A_191, %get3A_192] {strides = array<i32>} : memref<128x128xf32, #tpu.memory_space<vmem>>, vector<16xf32>,
            %add3A_194 = arith.constant 1 : i32
            %add3A_195 = arith.addi %add3A_98, %add3A_194 : i32
            %get3A_196 = arith.index_cast %add3A_195 : i32 to index
            %get3A_197 = arith.constant 0 : index
            %get3A_198 = tpu.vector_load %arg7[%get3A_196, %get3A_197] {strides = array<i32>} : memref<128x128xf32, #tpu.memory_space<vmem>>, vector<16xf32>,
            %add3A_199 = arith.constant 1 : i32
            %add3A_200 = arith.addi %add3A_98, %add3A_199 : i32
            %get3A_201 = arith.index_cast %add3A_200 : i32 to index
            %get3A_202 = arith.constant 16 : index
            %get3A_203 = tpu.vector_load %arg7[%get3A_201, %get3A_202] {strides = array<i32>} : memref<128x128xf32, #tpu.memory_space<vmem>>, vector<16xf32>,
            %add3A_204 = arith.constant 1 : i32
            %add3A_205 = arith.addi %add3A_98, %add3A_204 : i32
            %get3A_206 = arith.index_cast %add3A_205 : i32 to index
            %get3A_207 = arith.constant 32 : index
            %get3A_208 = tpu.vector_load %arg7[%get3A_206, %get3A_207] {strides = array<i32>} : memref<128x128xf32, #tpu.memory_space<vmem>>, vector<16xf32>,
            %add3A_209 = arith.constant 1 : i32
            %add3A_210 = arith.addi %add3A_98, %add3A_209 : i32
            %get3A_211 = arith.index_cast %add3A_210 : i32 to index
            %get3A_212 = arith.constant 48 : index
            %get3A_213 = tpu.vector_load %arg7[%get3A_211, %get3A_212] {strides = array<i32>} : memref<128x128xf32, #tpu.memory_space<vmem>>, vector<16xf32>,
            %add3A_214 = arith.constant 1 : i32
            %add3A_215 = arith.addi %add3A_98, %add3A_214 : i32
            %get3A_216 = arith.index_cast %add3A_215 : i32 to index
            %get3A_217 = arith.constant 64 : index
            %get3A_218 = tpu.vector_load %arg7[%get3A_216, %get3A_217] {strides = array<i32>} : memref<128x128xf32, #tpu.memory_space<vmem>>, vector<16xf32>,
            %add3A_219 = arith.constant 1 : i32
            %add3A_220 = arith.addi %add3A_98, %add3A_219 : i32
            %get3A_221 = arith.index_cast %add3A_220 : i32 to index
            %get3A_222 = arith.constant 80 : index
            %get3A_223 = tpu.vector_load %arg7[%get3A_221, %get3A_222] {strides = array<i32>} : memref<128x128xf32, #tpu.memory_space<vmem>>, vector<16xf32>,
            %add3A_224 = arith.constant 1 : i32
            %add3A_225 = arith.addi %add3A_98, %add3A_224 : i32
            %get3A_226 = arith.index_cast %add3A_225 : i32 to index
            %get3A_227 = arith.constant 96 : index
            %get3A_228 = tpu.vector_load %arg7[%get3A_226, %get3A_227] {strides = array<i32>} : memref<128x128xf32, #tpu.memory_space<vmem>>, vector<16xf32>,
            %add3A_229 = arith.constant 1 : i32
            %add3A_230 = arith.addi %add3A_98, %add3A_229 : i32
            %get3A_231 = arith.index_cast %add3A_230 : i32 to index
            %get3A_232 = arith.constant 112 : index
            %get3A_233 = tpu.vector_load %arg7[%get3A_231, %get3A_232] {strides = array<i32>} : memref<128x128xf32, #tpu.memory_space<vmem>>, vector<16xf32>,
            %add3A_234 = arith.constant 2 : i32
            %add3A_235 = arith.addi %add3A_98, %add3A_234 : i32
            %get3A_236 = arith.index_cast %add3A_235 : i32 to index
            %get3A_237 = arith.constant 0 : index
            %get3A_238 = tpu.vector_load %arg7[%get3A_236, %get3A_237] {strides = array<i32>} : memref<128x128xf32, #tpu.memory_space<vmem>>, vector<16xf32>,
            %add3A_239 = arith.constant 2 : i32
            %add3A_240 = arith.addi %add3A_98, %add3A_239 : i32
            %get3A_241 = arith.index_cast %add3A_240 : i32 to index
            %get3A_242 = arith.constant 16 : index
            %get3A_243 = tpu.vector_load %arg7[%get3A_241, %get3A_242] {strides = array<i32>} : memref<128x128xf32, #tpu.memory_space<vmem>>, vector<16xf32>,
            %add3A_244 = arith.constant 2 : i32
            %add3A_245 = arith.addi %add3A_98, %add3A_244 : i32
            %get3A_246 = arith.index_cast %add3A_245 : i32 to index
            %get3A_247 = arith.constant 32 : index
            %get3A_248 = tpu.vector_load %arg7[%get3A_246, %get3A_247] {strides = array<i32>} : memref<128x128xf32, #tpu.memory_space<vmem>>, vector<16xf32>,
            %add3A_249 = arith.constant 2 : i32
            %add3A_250 = arith.addi %add3A_98, %add3A_249 : i32
            %get3A_251 = arith.index_cast %add3A_250 : i32 to index
            %get3A_252 = arith.constant 48 : index
            %get3A_253 = tpu.vector_load %arg7[%get3A_251, %get3A_252] {strides = array<i32>} : memref<128x128xf32, #tpu.memory_space<vmem>>, vector<16xf32>,
            %add3A_254 = arith.constant 2 : i32
            %add3A_255 = arith.addi %add3A_98, %add3A_254 : i32
            %get3A_256 = arith.index_cast %add3A_255 : i32 to index
            %get3A_257 = arith.constant 64 : index
            %get3A_258 = tpu.vector_load %arg7[%get3A_256, %get3A_257] {strides = array<i32>} : memref<128x128xf32, #tpu.memory_space<vmem>>, vector<16xf32>,
            %add3A_259 = arith.constant 2 : i32
            %add3A_260 = arith.addi %add3A_98, %add3A_259 : i32
            %get3A_261 = arith.index_cast %add3A_260 : i32 to index
            %get3A_262 = arith.constant 80 : index
            %get3A_263 = tpu.vector_load %arg7[%get3A_261, %get3A_262] {strides = array<i32>} : memref<128x128xf32, #tpu.memory_space<vmem>>, vector<16xf32>,
            %add3A_264 = arith.constant 2 : i32
            %add3A_265 = arith.addi %add3A_98, %add3A_264 : i32
            %get3A_266 = arith.index_cast %add3A_265 : i32 to index
            %get3A_267 = arith.constant 96 : index
            %get3A_268 = tpu.vector_load %arg7[%get3A_266, %get3A_267] {strides = array<i32>} : memref<128x128xf32, #tpu.memory_space<vmem>>, vector<16xf32>,
            %add3A_269 = arith.constant 2 : i32
            %add3A_270 = arith.addi %add3A_98, %add3A_269 : i32
            %get3A_271 = arith.index_cast %add3A_270 : i32 to index
            %get3A_272 = arith.constant 112 : index
            %get3A_273 = tpu.vector_load %arg7[%get3A_271, %get3A_272] {strides = array<i32>} : memref<128x128xf32, #tpu.memory_space<vmem>>, vector<16xf32>,
            %add3A_274 = arith.constant 3 : i32
            %add3A_275 = arith.addi %add3A_98, %add3A_274 : i32
            %get3A_276 = arith.index_cast %add3A_275 : i32 to index
            %get3A_277 = arith.constant 0 : index
            %get3A_278 = tpu.vector_load %arg7[%get3A_276, %get3A_277] {strides = array<i32>} : memref<128x128xf32, #tpu.memory_space<vmem>>, vector<16xf32>,
            %add3A_279 = arith.constant 3 : i32
            %add3A_280 = arith.addi %add3A_98, %add3A_279 : i32
            %get3A_281 = arith.index_cast %add3A_280 : i32 to index
            %get3A_282 = arith.constant 16 : index
            %get3A_283 = tpu.vector_load %arg7[%get3A_281, %get3A_282] {strides = array<i32>} : memref<128x128xf32, #tpu.memory_space<vmem>>, vector<16xf32>,
            %add3A_284 = arith.constant 3 : i32
            %add3A_285 = arith.addi %add3A_98, %add3A_284 : i32
            %get3A_286 = arith.index_cast %add3A_285 : i32 to index
            %get3A_287 = arith.constant 32 : index
            %get3A_288 = tpu.vector_load %arg7[%get3A_286, %get3A_287] {strides = array<i32>} : memref<128x128xf32, #tpu.memory_space<vmem>>, vector<16xf32>,
            %add3A_289 = arith.constant 3 : i32
            %add3A_290 = arith.addi %add3A_98, %add3A_289 : i32
            %get3A_291 = arith.index_cast %add3A_290 : i32 to index
            %get3A_292 = arith.constant 48 : index
            %get3A_293 = tpu.vector_load %arg7[%get3A_291, %get3A_292] {strides = array<i32>} : memref<128x128xf32, #tpu.memory_space<vmem>>, vector<16xf32>,
            %add3A_294 = arith.constant 3 : i32
            %add3A_295 = arith.addi %add3A_98, %add3A_294 : i32
            %get3A_296 = arith.index_cast %add3A_295 : i32 to index
            %get3A_297 = arith.constant 64 : index
            %get3A_298 = tpu.vector_load %arg7[%get3A_296, %get3A_297] {strides = array<i32>} : memref<128x128xf32, #tpu.memory_space<vmem>>, vector<16xf32>,
            %add3A_299 = arith.constant 3 : i32
            %add3A_300 = arith.addi %add3A_98, %add3A_299 : i32
            %get3A_301 = arith.index_cast %add3A_300 : i32 to index
            %get3A_302 = arith.constant 80 : index
            %get3A_303 = tpu.vector_load %arg7[%get3A_301, %get3A_302] {strides = array<i32>} : memref<128x128xf32, #tpu.memory_space<vmem>>, vector<16xf32>,
            %add3A_304 = arith.constant 3 : i32
            %add3A_305 = arith.addi %add3A_98, %add3A_304 : i32
            %get3A_306 = arith.index_cast %add3A_305 : i32 to index
            %get3A_307 = arith.constant 96 : index
            %get3A_308 = tpu.vector_load %arg7[%get3A_306, %get3A_307] {strides = array<i32>} : memref<128x128xf32, #tpu.memory_space<vmem>>, vector<16xf32>,
            %add3A_309 = arith.constant 3 : i32
            %add3A_310 = arith.addi %add3A_98, %add3A_309 : i32
            %get3A_311 = arith.index_cast %add3A_310 : i32 to index
            %get3A_312 = arith.constant 112 : index
            %get3A_313 = tpu.vector_load %arg7[%get3A_311, %get3A_312] {strides = array<i32>} : memref<128x128xf32, #tpu.memory_space<vmem>>, vector<16xf32>,
            %add3A_314 = arith.constant 0 : i32
            %add3A_315 = vector.broadcast %add3A_314 : i32 to vector<16xi32>
            %add3A_316 = arith.addi %iota3A, %add3A_315 : vector<16xi32>
            tpu.vector_store_idx %arg9[%gather3A_111, %add3A_316], %get3A_158 {add = true} : memref<520x128xf32, #tpu.memory_space<vmem>>[vector<16xi32>, vector<16xi32>], vector<16xf32>,
            %add3A_317 = arith.constant 16 : i32
            %add3A_318 = vector.broadcast %add3A_317 : i32 to vector<16xi32>
            %add3A_319 = arith.addi %iota3A, %add3A_318 : vector<16xi32>
            tpu.vector_store_idx %arg9[%gather3A_111, %add3A_319], %get3A_163 {add = true} : memref<520x128xf32, #tpu.memory_space<vmem>>[vector<16xi32>, vector<16xi32>], vector<16xf32>,
            %add3A_320 = arith.constant 32 : i32
            %add3A_321 = vector.broadcast %add3A_320 : i32 to vector<16xi32>
            %add3A_322 = arith.addi %iota3A, %add3A_321 : vector<16xi32>
            tpu.vector_store_idx %arg9[%gather3A_111, %add3A_322], %get3A_168 {add = true} : memref<520x128xf32, #tpu.memory_space<vmem>>[vector<16xi32>, vector<16xi32>], vector<16xf32>,
            %add3A_323 = arith.constant 48 : i32
            %add3A_324 = vector.broadcast %add3A_323 : i32 to vector<16xi32>
            %add3A_325 = arith.addi %iota3A, %add3A_324 : vector<16xi32>
            tpu.vector_store_idx %arg9[%gather3A_111, %add3A_325], %get3A_173 {add = true} : memref<520x128xf32, #tpu.memory_space<vmem>>[vector<16xi32>, vector<16xi32>], vector<16xf32>,
            %add3A_326 = arith.constant 64 : i32
            %add3A_327 = vector.broadcast %add3A_326 : i32 to vector<16xi32>
            %add3A_328 = arith.addi %iota3A, %add3A_327 : vector<16xi32>
            tpu.vector_store_idx %arg9[%gather3A_111, %add3A_328], %get3A_178 {add = true} : memref<520x128xf32, #tpu.memory_space<vmem>>[vector<16xi32>, vector<16xi32>], vector<16xf32>,
            %add3A_329 = arith.constant 80 : i32
            %add3A_330 = vector.broadcast %add3A_329 : i32 to vector<16xi32>
            %add3A_331 = arith.addi %iota3A, %add3A_330 : vector<16xi32>
            tpu.vector_store_idx %arg9[%gather3A_111, %add3A_331], %get3A_183 {add = true} : memref<520x128xf32, #tpu.memory_space<vmem>>[vector<16xi32>, vector<16xi32>], vector<16xf32>,
            %add3A_332 = arith.constant 96 : i32
            %add3A_333 = vector.broadcast %add3A_332 : i32 to vector<16xi32>
            %add3A_334 = arith.addi %iota3A, %add3A_333 : vector<16xi32>
            tpu.vector_store_idx %arg9[%gather3A_111, %add3A_334], %get3A_188 {add = true} : memref<520x128xf32, #tpu.memory_space<vmem>>[vector<16xi32>, vector<16xi32>], vector<16xf32>,
            %add3A_335 = arith.constant 112 : i32
            %add3A_336 = vector.broadcast %add3A_335 : i32 to vector<16xi32>
            %add3A_337 = arith.addi %iota3A, %add3A_336 : vector<16xi32>
            tpu.vector_store_idx %arg9[%gather3A_111, %add3A_337], %get3A_193 {add = true} : memref<520x128xf32, #tpu.memory_space<vmem>>[vector<16xi32>, vector<16xi32>], vector<16xf32>,
            %add3A_338 = arith.constant 0 : i32
            %add3A_339 = vector.broadcast %add3A_338 : i32 to vector<16xi32>
            %add3A_340 = arith.addi %iota3A, %add3A_339 : vector<16xi32>
            tpu.vector_store_idx %arg9[%gather3A_125, %add3A_340], %get3A_198 {add = true} : memref<520x128xf32, #tpu.memory_space<vmem>>[vector<16xi32>, vector<16xi32>], vector<16xf32>,
            %add3A_341 = arith.constant 16 : i32
            %add3A_342 = vector.broadcast %add3A_341 : i32 to vector<16xi32>
            %add3A_343 = arith.addi %iota3A, %add3A_342 : vector<16xi32>
            tpu.vector_store_idx %arg9[%gather3A_125, %add3A_343], %get3A_203 {add = true} : memref<520x128xf32, #tpu.memory_space<vmem>>[vector<16xi32>, vector<16xi32>], vector<16xf32>,
            %add3A_344 = arith.constant 32 : i32
            %add3A_345 = vector.broadcast %add3A_344 : i32 to vector<16xi32>
            %add3A_346 = arith.addi %iota3A, %add3A_345 : vector<16xi32>
            tpu.vector_store_idx %arg9[%gather3A_125, %add3A_346], %get3A_208 {add = true} : memref<520x128xf32, #tpu.memory_space<vmem>>[vector<16xi32>, vector<16xi32>], vector<16xf32>,
            %add3A_347 = arith.constant 48 : i32
            %add3A_348 = vector.broadcast %add3A_347 : i32 to vector<16xi32>
            %add3A_349 = arith.addi %iota3A, %add3A_348 : vector<16xi32>
            tpu.vector_store_idx %arg9[%gather3A_125, %add3A_349], %get3A_213 {add = true} : memref<520x128xf32, #tpu.memory_space<vmem>>[vector<16xi32>, vector<16xi32>], vector<16xf32>,
            %add3A_350 = arith.constant 64 : i32
            %add3A_351 = vector.broadcast %add3A_350 : i32 to vector<16xi32>
            %add3A_352 = arith.addi %iota3A, %add3A_351 : vector<16xi32>
            tpu.vector_store_idx %arg9[%gather3A_125, %add3A_352], %get3A_218 {add = true} : memref<520x128xf32, #tpu.memory_space<vmem>>[vector<16xi32>, vector<16xi32>], vector<16xf32>,
            %add3A_353 = arith.constant 80 : i32
            %add3A_354 = vector.broadcast %add3A_353 : i32 to vector<16xi32>
            %add3A_355 = arith.addi %iota3A, %add3A_354 : vector<16xi32>
            tpu.vector_store_idx %arg9[%gather3A_125, %add3A_355], %get3A_223 {add = true} : memref<520x128xf32, #tpu.memory_space<vmem>>[vector<16xi32>, vector<16xi32>], vector<16xf32>,
            %add3A_356 = arith.constant 96 : i32
            %add3A_357 = vector.broadcast %add3A_356 : i32 to vector<16xi32>
            %add3A_358 = arith.addi %iota3A, %add3A_357 : vector<16xi32>
            tpu.vector_store_idx %arg9[%gather3A_125, %add3A_358], %get3A_228 {add = true} : memref<520x128xf32, #tpu.memory_space<vmem>>[vector<16xi32>, vector<16xi32>], vector<16xf32>,
            %add3A_359 = arith.constant 112 : i32
            %add3A_360 = vector.broadcast %add3A_359 : i32 to vector<16xi32>
            %add3A_361 = arith.addi %iota3A, %add3A_360 : vector<16xi32>
            tpu.vector_store_idx %arg9[%gather3A_125, %add3A_361], %get3A_233 {add = true} : memref<520x128xf32, #tpu.memory_space<vmem>>[vector<16xi32>, vector<16xi32>], vector<16xf32>,
            %add3A_362 = arith.constant 0 : i32
            %add3A_363 = vector.broadcast %add3A_362 : i32 to vector<16xi32>
            %add3A_364 = arith.addi %iota3A, %add3A_363 : vector<16xi32>
            tpu.vector_store_idx %arg9[%gather3A_139, %add3A_364], %get3A_238 {add = true} : memref<520x128xf32, #tpu.memory_space<vmem>>[vector<16xi32>, vector<16xi32>], vector<16xf32>,
            %add3A_365 = arith.constant 16 : i32
            %add3A_366 = vector.broadcast %add3A_365 : i32 to vector<16xi32>
            %add3A_367 = arith.addi %iota3A, %add3A_366 : vector<16xi32>
            tpu.vector_store_idx %arg9[%gather3A_139, %add3A_367], %get3A_243 {add = true} : memref<520x128xf32, #tpu.memory_space<vmem>>[vector<16xi32>, vector<16xi32>], vector<16xf32>,
            %add3A_368 = arith.constant 32 : i32
            %add3A_369 = vector.broadcast %add3A_368 : i32 to vector<16xi32>
            %add3A_370 = arith.addi %iota3A, %add3A_369 : vector<16xi32>
            tpu.vector_store_idx %arg9[%gather3A_139, %add3A_370], %get3A_248 {add = true} : memref<520x128xf32, #tpu.memory_space<vmem>>[vector<16xi32>, vector<16xi32>], vector<16xf32>,
            %add3A_371 = arith.constant 48 : i32
            %add3A_372 = vector.broadcast %add3A_371 : i32 to vector<16xi32>
            %add3A_373 = arith.addi %iota3A, %add3A_372 : vector<16xi32>
            tpu.vector_store_idx %arg9[%gather3A_139, %add3A_373], %get3A_253 {add = true} : memref<520x128xf32, #tpu.memory_space<vmem>>[vector<16xi32>, vector<16xi32>], vector<16xf32>,
            %add3A_374 = arith.constant 64 : i32
            %add3A_375 = vector.broadcast %add3A_374 : i32 to vector<16xi32>
            %add3A_376 = arith.addi %iota3A, %add3A_375 : vector<16xi32>
            tpu.vector_store_idx %arg9[%gather3A_139, %add3A_376], %get3A_258 {add = true} : memref<520x128xf32, #tpu.memory_space<vmem>>[vector<16xi32>, vector<16xi32>], vector<16xf32>,
            %add3A_377 = arith.constant 80 : i32
            %add3A_378 = vector.broadcast %add3A_377 : i32 to vector<16xi32>
            %add3A_379 = arith.addi %iota3A, %add3A_378 : vector<16xi32>
            tpu.vector_store_idx %arg9[%gather3A_139, %add3A_379], %get3A_263 {add = true} : memref<520x128xf32, #tpu.memory_space<vmem>>[vector<16xi32>, vector<16xi32>], vector<16xf32>,
            %add3A_380 = arith.constant 96 : i32
            %add3A_381 = vector.broadcast %add3A_380 : i32 to vector<16xi32>
            %add3A_382 = arith.addi %iota3A, %add3A_381 : vector<16xi32>
            tpu.vector_store_idx %arg9[%gather3A_139, %add3A_382], %get3A_268 {add = true} : memref<520x128xf32, #tpu.memory_space<vmem>>[vector<16xi32>, vector<16xi32>], vector<16xf32>,
            %add3A_383 = arith.constant 112 : i32
            %add3A_384 = vector.broadcast %add3A_383 : i32 to vector<16xi32>
            %add3A_385 = arith.addi %iota3A, %add3A_384 : vector<16xi32>
            tpu.vector_store_idx %arg9[%gather3A_139, %add3A_385], %get3A_273 {add = true} : memref<520x128xf32, #tpu.memory_space<vmem>>[vector<16xi32>, vector<16xi32>], vector<16xf32>,
            %add3A_386 = arith.constant 0 : i32
            %add3A_387 = vector.broadcast %add3A_386 : i32 to vector<16xi32>
            %add3A_388 = arith.addi %iota3A, %add3A_387 : vector<16xi32>
            tpu.vector_store_idx %arg9[%gather3A_153, %add3A_388], %get3A_278 {add = true} : memref<520x128xf32, #tpu.memory_space<vmem>>[vector<16xi32>, vector<16xi32>], vector<16xf32>,
            %add3A_389 = arith.constant 16 : i32
            %add3A_390 = vector.broadcast %add3A_389 : i32 to vector<16xi32>
            %add3A_391 = arith.addi %iota3A, %add3A_390 : vector<16xi32>
            tpu.vector_store_idx %arg9[%gather3A_153, %add3A_391], %get3A_283 {add = true} : memref<520x128xf32, #tpu.memory_space<vmem>>[vector<16xi32>, vector<16xi32>], vector<16xf32>,
            %add3A_392 = arith.constant 32 : i32
            %add3A_393 = vector.broadcast %add3A_392 : i32 to vector<16xi32>
            %add3A_394 = arith.addi %iota3A, %add3A_393 : vector<16xi32>
            tpu.vector_store_idx %arg9[%gather3A_153, %add3A_394], %get3A_288 {add = true} : memref<520x128xf32, #tpu.memory_space<vmem>>[vector<16xi32>, vector<16xi32>], vector<16xf32>,
            %add3A_395 = arith.constant 48 : i32
            %add3A_396 = vector.broadcast %add3A_395 : i32 to vector<16xi32>
            %add3A_397 = arith.addi %iota3A, %add3A_396 : vector<16xi32>
            tpu.vector_store_idx %arg9[%gather3A_153, %add3A_397], %get3A_293 {add = true} : memref<520x128xf32, #tpu.memory_space<vmem>>[vector<16xi32>, vector<16xi32>], vector<16xf32>,
            %add3A_398 = arith.constant 64 : i32
            %add3A_399 = vector.broadcast %add3A_398 : i32 to vector<16xi32>
            %add3A_400 = arith.addi %iota3A, %add3A_399 : vector<16xi32>
            tpu.vector_store_idx %arg9[%gather3A_153, %add3A_400], %get3A_298 {add = true} : memref<520x128xf32, #tpu.memory_space<vmem>>[vector<16xi32>, vector<16xi32>], vector<16xf32>,
            %add3A_401 = arith.constant 80 : i32
            %add3A_402 = vector.broadcast %add3A_401 : i32 to vector<16xi32>
            %add3A_403 = arith.addi %iota3A, %add3A_402 : vector<16xi32>
            tpu.vector_store_idx %arg9[%gather3A_153, %add3A_403], %get3A_303 {add = true} : memref<520x128xf32, #tpu.memory_space<vmem>>[vector<16xi32>, vector<16xi32>], vector<16xf32>,
            %add3A_404 = arith.constant 96 : i32
            %add3A_405 = vector.broadcast %add3A_404 : i32 to vector<16xi32>
            %add3A_406 = arith.addi %iota3A, %add3A_405 : vector<16xi32>
            tpu.vector_store_idx %arg9[%gather3A_153, %add3A_406], %get3A_308 {add = true} : memref<520x128xf32, #tpu.memory_space<vmem>>[vector<16xi32>, vector<16xi32>], vector<16xf32>,
            %add3A_407 = arith.constant 112 : i32
            %add3A_408 = vector.broadcast %add3A_407 : i32 to vector<16xi32>
            %add3A_409 = arith.addi %iota3A, %add3A_408 : vector<16xi32>
            tpu.vector_store_idx %arg9[%gather3A_153, %add3A_409], %get3A_313 {add = true} : memref<520x128xf32, #tpu.memory_space<vmem>>[vector<16xi32>, vector<16xi32>], vector<16xf32>,
            %eq3A_410 = arith.constant 0 : i32
            %eq3A_411 = arith.cmpi eq, %arg0, %eq3A_410 : i32
            %select_n3A_412 = arith.select %eq3A_411, %gather3A_111, %gather3A_125 : vector<16xi32>
            %shift_right_logical3A = arith.constant 7 : i32
            %shift_right_logical3A_413 = vector.broadcast %shift_right_logical3A : i32 to vector<16xi32>
            %shift_right_logical3A_414 = arith.shrui %select_n3A_412, %shift_right_logical3A_413 : vector<16xi32>
            %add3A_415 = arith.constant 512 : i32
            %add3A_416 = vector.broadcast %add3A_415 : i32 to vector<16xi32>
            %add3A_417 = arith.addi %add3A_416, %shift_right_logical3A_414 : vector<16xi32>
            %and3A = arith.constant 127 : i32
            %and3A_418 = vector.broadcast %and3A : i32 to vector<16xi32>
            %and3A_419 = arith.andi %select_n3A_412, %and3A_418 : vector<16xi32>
            tpu.vector_store_idx %arg9[%add3A_417, %and3A_419], %broadcast_in_dim3A_4 masked %eq3A_6 {add = true} : memref<520x128xf32, #tpu.memory_space<vmem>>[vector<16xi32>, vector<16xi32>], vector<16xf32>, vector<16xi1>
            %eq3A_420 = arith.constant 0 : i32
            %eq3A_421 = arith.cmpi eq, %arg0, %eq3A_420 : i32
            %select_n3A_422 = arith.select %eq3A_421, %gather3A_139, %gather3A_153 : vector<16xi32>
            %shift_right_logical3A_423 = arith.constant 7 : i32
            %shift_right_logical3A_424 = vector.broadcast %shift_right_logical3A_423 : i32 to vector<16xi32>
            %shift_right_logical3A_425 = arith.shrui %select_n3A_422, %shift_right_logical3A_424 : vector<16xi32>
            %add3A_426 = arith.constant 512 : i32
            %add3A_427 = vector.broadcast %add3A_426 : i32 to vector<16xi32>
            %add3A_428 = arith.addi %add3A_427, %shift_right_logical3A_425 : vector<16xi32>
            %and3A_429 = arith.constant 127 : i32
            %and3A_430 = vector.broadcast %and3A_429 : i32 to vector<16xi32>
            %and3A_431 = arith.andi %select_n3A_422, %and3A_430 : vector<16xi32>
            tpu.vector_store_idx %arg9[%add3A_428, %and3A_431], %broadcast_in_dim3A_4 masked %eq3A_6 {add = true} : memref<520x128xf32, #tpu.memory_space<vmem>>[vector<16xi32>, vector<16xi32>], vector<16xf32>, vector<16xi1>
            %scan3A_432 = arith.constant 0 : i32
            scf.yield %scan3A_432 : i32
          }
          %scan3A_90 = arith.constant 4 : i32
          %scan3A_91 = arith.constant 0 : i32
          scf.yield %scan3A_91 : i32
        }
        %scan3A_77 = arith.constant 8 : i32
      } else {
      }
      %while3A_57 = arith.constant 0 : i32
      scf.yield %while3A_57 : i32
    }
    %while3A_37 = arith.constant 1 : i32
    %while3A_38 = scf.for %while3A_42 = %while3A_34 to %while3A_30 step %while3A_37 iter_args(%while3A_43 = %while3A_36) -> (i32)  : i32 {
      %rem3A = arith.constant 2 : i32
      %rem3A_44 = arith.remsi %while3A_42, %rem3A : i32
      %eq3A_45 = arith.constant 0 : i32
      %eq3A_46 = arith.cmpi eq, %rem3A_44, %eq3A_45 : i32
      %convert_element_type3A_47 = arith.extui %eq3A_46 : i1 to i32
      %cond3A_48 = arith.constant 0 : i32
      %cond3A_49 = arith.cmpi ne, %convert_element_type3A_47, %cond3A_48 : i32
      scf.if %cond3A_49 {
        %add3A_58 = arith.constant 1 : i32
        %add3A_59 = arith.addi %while3A_42, %add3A_58 : i32
        %lt3A_60 = arith.cmpi slt, %add3A_59, %add3A_20 : i32
        %convert_element_type3A_61 = arith.extui %lt3A_60 : i1 to i32
        %cond3A_62 = arith.constant 0 : i32
        %cond3A_63 = arith.cmpi ne, %convert_element_type3A_61, %cond3A_62 : i32
        scf.if %cond3A_63 {
          %add3A_78 = arith.constant 1 : i32
          %add3A_79 = arith.addi %while3A_42, %add3A_78 : i32
          %add3A_80 = arith.addi %add3A, %add3A_79 : i32
          %mul3A_81 = arith.constant 128 : i32
          %mul3A_82 = arith.muli %add3A_80, %mul3A_81 : i32
          %multiple_of3A_83 = tpu.assume_multiple %mul3A_82, 128 : i32
          %dma_start3A_84 = tpu.memref_slice %arg2[%multiple_of3A_83, %mul3A_7] : memref<50000x256xf32, #tpu.memory_space<hbm>> -> memref<128x128xf32, #tpu.memory_space<hbm>>
          %dma_start3A_85 = tpu.memref_slice %arg2[%multiple_of3A_83, %mul3A_7] : memref<50000x256xf32, #tpu.memory_space<hbm>> -> memref<128x128xf32, #tpu.memory_space<hbm>>
          tpu.enqueue_dma source(%dma_start3A_85 : memref<128x128xf32, #tpu.memory_space<hbm>>) target(%arg7 : memref<128x128xf32, #tpu.memory_space<vmem>>) target_semaphore(%arg11 : memref<!tpu.dma_semaphore, #tpu.memory_space<semaphore_mem>>)
          %dma_start3A_86 = tpu.memref_slice %arg3[%multiple_of3A_83] : memref<50000xi32, #tpu.memory_space<hbm>> -> memref<128xi32, #tpu.memory_space<hbm>>
          %dma_start3A_87 = tpu.memref_slice %arg3[%multiple_of3A_83] : memref<50000xi32, #tpu.memory_space<hbm>> -> memref<128xi32, #tpu.memory_space<hbm>>
          tpu.enqueue_dma source(%dma_start3A_87 : memref<128xi32, #tpu.memory_space<hbm>>) target(%arg8 : memref<128xi32, #tpu.memory_space<vmem>>) target_semaphore(%arg11 : memref<!tpu.dma_semaphore, #tpu.memory_space<semaphore_mem>>)
        } else {
        }
        %add3A_64 = arith.addi %add3A, %while3A_42 : i32
        %mul3A_65 = arith.constant 128 : i32
        %mul3A_66 = arith.muli %add3A_64, %mul3A_65 : i32
        %multiple_of3A_67 = tpu.assume_multiple %mul3A_66, 128 : i32
        %dma_wait3A = tpu.memref_slice %arg2[%multiple_of3A_67, %mul3A_7] : memref<50000x256xf32, #tpu.memory_space<hbm>> -> memref<128x128xf32, #tpu.memory_space<hbm>>
        %dma_wait3A_68 = tpu.memref_slice %arg2[%multiple_of3A_67, %mul3A_7] : memref<50000x256xf32, #tpu.memory_space<hbm>> -> memref<128x128xf32, #tpu.memory_space<hbm>>
        tpu.wait_dma2 semaphore(%arg10 : memref<!tpu.dma_semaphore, #tpu.memory_space<semaphore_mem>>) src(%dma_wait3A_68 : memref<128x128xf32, #tpu.memory_space<hbm>>) dst(%arg5 : memref<128x128xf32, #tpu.memory_space<vmem>>)
        %dma_wait3A_69 = tpu.memref_slice %arg3[%multiple_of3A_67] : memref<50000xi32, #tpu.memory_space<hbm>> -> memref<128xi32, #tpu.memory_space<hbm>>
        %dma_wait3A_70 = tpu.memref_slice %arg3[%multiple_of3A_67] : memref<50000xi32, #tpu.memory_space<hbm>> -> memref<128xi32, #tpu.memory_space<hbm>>
        tpu.wait_dma2 semaphore(%arg10 : memref<!tpu.dma_semaphore, #tpu.memory_space<semaphore_mem>>) src(%dma_wait3A_70 : memref<128xi32, #tpu.memory_space<hbm>>) dst(%arg6 : memref<128xi32, #tpu.memory_space<vmem>>)
        %scan3A_71 = arith.constant 0 : i32
        %scan3A_72 = arith.constant 0 : i32
        %scan3A_73 = arith.constant 8 : i32
        %scan3A_74 = arith.addi %scan3A_72, %scan3A_73 : i32
        %scan3A_75 = arith.constant 1 : i32
        %scan3A_76 = scf.for %scan3A_78 = %scan3A_72 to %scan3A_74 step %scan3A_75 iter_args(%scan3A_79 = %scan3A_71) -> (i32)  : i32 {
          %mul3A_80 = arith.constant 16 : i32
          %mul3A_81 = arith.muli %scan3A_78, %mul3A_80 : i32
          %multiple_of3A_82 = tpu.assume_multiple %mul3A_81, 16 : i32
          %get3A = arith.index_cast %multiple_of3A_82 : i32 to index
          %get3A_83 = tpu.vector_load %arg6[%get3A] {strides = array<i32>} : memref<128xi32, #tpu.memory_space<vmem>>, vector<16xi32>,
          %scan3A_84 = arith.constant 0 : i32
          %scan3A_85 = arith.constant 0 : i32
          %scan3A_86 = arith.constant 4 : i32
          %scan3A_87 = arith.addi %scan3A_85, %scan3A_86 : i32
          %scan3A_88 = arith.constant 1 : i32
          %scan3A_89 = scf.for %scan3A_92 = %scan3A_85 to %scan3A_87 step %scan3A_88 iter_args(%scan3A_93 = %scan3A_84) -> (i32)  : i32 {
            %mul3A_94 = arith.constant 4 : i32
            %mul3A_95 = arith.muli %scan3A_92, %mul3A_94 : i32
            %mul3A_96 = arith.constant 16 : i32
            %mul3A_97 = arith.muli %scan3A_78, %mul3A_96 : i32
            %add3A_98 = arith.addi %mul3A_97, %mul3A_95 : i32
            %add3A_99 = arith.constant 0 : i32
            %add3A_100 = arith.addi %mul3A_95, %add3A_99 : i32
            %add3A_101 = vector.broadcast %add3A_100 : i32 to vector<16xi32>
            %add3A_102 = arith.addi %broadcast_in_dim3A_0, %add3A_101 : vector<16xi32>
            %lt3A_103 = arith.constant 0 : i32
            %lt3A_104 = vector.broadcast %lt3A_103 : i32 to vector<16xi32>
            %lt3A_105 = arith.cmpi slt, %add3A_102, %lt3A_104 : vector<16xi32>
            %add3A_106 = arith.constant 16 : i32
            %add3A_107 = vector.broadcast %add3A_106 : i32 to vector<16xi32>
            %add3A_108 = arith.addi %add3A_102, %add3A_107 : vector<16xi32>
            %select_n3A_109 = arith.select %lt3A_105, %add3A_108, %add3A_102 : vector<16xi1>, vector<16xi32>
            %broadcast_in_dim3A_110 = vector.shape_cast %select_n3A_109 : vector<16xi32> to vector<16x1xi32>
            %gather3A = vector.shape_cast %broadcast_in_dim3A_110 : vector<16x1xi32> to vector<16xi32>
            %gather3A_111 = tpu.dynamic_gather %get3A_83[%gather3A] in [0] : vector<16xi32>, vector<16xi32> -> vector<16xi32>
            %add3A_112 = arith.constant 1 : i32
            %add3A_113 = arith.addi %mul3A_95, %add3A_112 : i32
            %add3A_114 = vector.broadcast %add3A_113 : i32 to vector<16xi32>
            %add3A_115 = arith.addi %broadcast_in_dim3A_0, %add3A_114 : vector<16xi32>
            %lt3A_116 = arith.constant 0 : i32
            %lt3A_117 = vector.broadcast %lt3A_116 : i32 to vector<16xi32>
            %lt3A_118 = arith.cmpi slt, %add3A_115, %lt3A_117 : vector<16xi32>
            %add3A_119 = arith.constant 16 : i32
            %add3A_120 = vector.broadcast %add3A_119 : i32 to vector<16xi32>
            %add3A_121 = arith.addi %add3A_115, %add3A_120 : vector<16xi32>
            %select_n3A_122 = arith.select %lt3A_118, %add3A_121, %add3A_115 : vector<16xi1>, vector<16xi32>
            %broadcast_in_dim3A_123 = vector.shape_cast %select_n3A_122 : vector<16xi32> to vector<16x1xi32>
            %gather3A_124 = vector.shape_cast %broadcast_in_dim3A_123 : vector<16x1xi32> to vector<16xi32>
            %gather3A_125 = tpu.dynamic_gather %get3A_83[%gather3A_124] in [0] : vector<16xi32>, vector<16xi32> -> vector<16xi32>
            %add3A_126 = arith.constant 2 : i32
            %add3A_127 = arith.addi %mul3A_95, %add3A_126 : i32
            %add3A_128 = vector.broadcast %add3A_127 : i32 to vector<16xi32>
            %add3A_129 = arith.addi %broadcast_in_dim3A_0, %add3A_128 : vector<16xi32>
            %lt3A_130 = arith.constant 0 : i32
            %lt3A_131 = vector.broadcast %lt3A_130 : i32 to vector<16xi32>
            %lt3A_132 = arith.cmpi slt, %add3A_129, %lt3A_131 : vector<16xi32>
            %add3A_133 = arith.constant 16 : i32
            %add3A_134 = vector.broadcast %add3A_133 : i32 to vector<16xi32>
            %add3A_135 = arith.addi %add3A_129, %add3A_134 : vector<16xi32>
            %select_n3A_136 = arith.select %lt3A_132, %add3A_135, %add3A_129 : vector<16xi1>, vector<16xi32>
            %broadcast_in_dim3A_137 = vector.shape_cast %select_n3A_136 : vector<16xi32> to vector<16x1xi32>
            %gather3A_138 = vector.shape_cast %broadcast_in_dim3A_137 : vector<16x1xi32> to vector<16xi32>
            %gather3A_139 = tpu.dynamic_gather %get3A_83[%gather3A_138] in [0] : vector<16xi32>, vector<16xi32> -> vector<16xi32>
            %add3A_140 = arith.constant 3 : i32
            %add3A_141 = arith.addi %mul3A_95, %add3A_140 : i32
            %add3A_142 = vector.broadcast %add3A_141 : i32 to vector<16xi32>
            %add3A_143 = arith.addi %broadcast_in_dim3A_0, %add3A_142 : vector<16xi32>
            %lt3A_144 = arith.constant 0 : i32
            %lt3A_145 = vector.broadcast %lt3A_144 : i32 to vector<16xi32>
            %lt3A_146 = arith.cmpi slt, %add3A_143, %lt3A_145 : vector<16xi32>
            %add3A_147 = arith.constant 16 : i32
            %add3A_148 = vector.broadcast %add3A_147 : i32 to vector<16xi32>
            %add3A_149 = arith.addi %add3A_143, %add3A_148 : vector<16xi32>
            %select_n3A_150 = arith.select %lt3A_146, %add3A_149, %add3A_143 : vector<16xi1>, vector<16xi32>
            %broadcast_in_dim3A_151 = vector.shape_cast %select_n3A_150 : vector<16xi32> to vector<16x1xi32>
            %gather3A_152 = vector.shape_cast %broadcast_in_dim3A_151 : vector<16x1xi32> to vector<16xi32>
            %gather3A_153 = tpu.dynamic_gather %get3A_83[%gather3A_152] in [0] : vector<16xi32>, vector<16xi32> -> vector<16xi32>
            %add3A_154 = arith.constant 0 : i32
            %add3A_155 = arith.addi %add3A_98, %add3A_154 : i32
            %get3A_156 = arith.index_cast %add3A_155 : i32 to index
            %get3A_157 = arith.constant 0 : index
            %get3A_158 = tpu.vector_load %arg5[%get3A_156, %get3A_157] {strides = array<i32>} : memref<128x128xf32, #tpu.memory_space<vmem>>, vector<16xf32>,
            %add3A_159 = arith.constant 0 : i32
            %add3A_160 = arith.addi %add3A_98, %add3A_159 : i32
            %get3A_161 = arith.index_cast %add3A_160 : i32 to index
            %get3A_162 = arith.constant 16 : index
            %get3A_163 = tpu.vector_load %arg5[%get3A_161, %get3A_162] {strides = array<i32>} : memref<128x128xf32, #tpu.memory_space<vmem>>, vector<16xf32>,
            %add3A_164 = arith.constant 0 : i32
            %add3A_165 = arith.addi %add3A_98, %add3A_164 : i32
            %get3A_166 = arith.index_cast %add3A_165 : i32 to index
            %get3A_167 = arith.constant 32 : index
            %get3A_168 = tpu.vector_load %arg5[%get3A_166, %get3A_167] {strides = array<i32>} : memref<128x128xf32, #tpu.memory_space<vmem>>, vector<16xf32>,
            %add3A_169 = arith.constant 0 : i32
            %add3A_170 = arith.addi %add3A_98, %add3A_169 : i32
            %get3A_171 = arith.index_cast %add3A_170 : i32 to index
            %get3A_172 = arith.constant 48 : index
            %get3A_173 = tpu.vector_load %arg5[%get3A_171, %get3A_172] {strides = array<i32>} : memref<128x128xf32, #tpu.memory_space<vmem>>, vector<16xf32>,
            %add3A_174 = arith.constant 0 : i32
            %add3A_175 = arith.addi %add3A_98, %add3A_174 : i32
            %get3A_176 = arith.index_cast %add3A_175 : i32 to index
            %get3A_177 = arith.constant 64 : index
            %get3A_178 = tpu.vector_load %arg5[%get3A_176, %get3A_177] {strides = array<i32>} : memref<128x128xf32, #tpu.memory_space<vmem>>, vector<16xf32>,
            %add3A_179 = arith.constant 0 : i32
            %add3A_180 = arith.addi %add3A_98, %add3A_179 : i32
            %get3A_181 = arith.index_cast %add3A_180 : i32 to index
            %get3A_182 = arith.constant 80 : index
            %get3A_183 = tpu.vector_load %arg5[%get3A_181, %get3A_182] {strides = array<i32>} : memref<128x128xf32, #tpu.memory_space<vmem>>, vector<16xf32>,
            %add3A_184 = arith.constant 0 : i32
            %add3A_185 = arith.addi %add3A_98, %add3A_184 : i32
            %get3A_186 = arith.index_cast %add3A_185 : i32 to index
            %get3A_187 = arith.constant 96 : index
            %get3A_188 = tpu.vector_load %arg5[%get3A_186, %get3A_187] {strides = array<i32>} : memref<128x128xf32, #tpu.memory_space<vmem>>, vector<16xf32>,
            %add3A_189 = arith.constant 0 : i32
            %add3A_190 = arith.addi %add3A_98, %add3A_189 : i32
            %get3A_191 = arith.index_cast %add3A_190 : i32 to index
            %get3A_192 = arith.constant 112 : index
            %get3A_193 = tpu.vector_load %arg5[%get3A_191, %get3A_192] {strides = array<i32>} : memref<128x128xf32, #tpu.memory_space<vmem>>, vector<16xf32>,
            %add3A_194 = arith.constant 1 : i32
            %add3A_195 = arith.addi %add3A_98, %add3A_194 : i32
            %get3A_196 = arith.index_cast %add3A_195 : i32 to index
            %get3A_197 = arith.constant 0 : index
            %get3A_198 = tpu.vector_load %arg5[%get3A_196, %get3A_197] {strides = array<i32>} : memref<128x128xf32, #tpu.memory_space<vmem>>, vector<16xf32>,
            %add3A_199 = arith.constant 1 : i32
            %add3A_200 = arith.addi %add3A_98, %add3A_199 : i32
            %get3A_201 = arith.index_cast %add3A_200 : i32 to index
            %get3A_202 = arith.constant 16 : index
            %get3A_203 = tpu.vector_load %arg5[%get3A_201, %get3A_202] {strides = array<i32>} : memref<128x128xf32, #tpu.memory_space<vmem>>, vector<16xf32>,
            %add3A_204 = arith.constant 1 : i32
            %add3A_205 = arith.addi %add3A_98, %add3A_204 : i32
            %get3A_206 = arith.index_cast %add3A_205 : i32 to index
            %get3A_207 = arith.constant 32 : index
            %get3A_208 = tpu.vector_load %arg5[%get3A_206, %get3A_207] {strides = array<i32>} : memref<128x128xf32, #tpu.memory_space<vmem>>, vector<16xf32>,
            %add3A_209 = arith.constant 1 : i32
            %add3A_210 = arith.addi %add3A_98, %add3A_209 : i32
            %get3A_211 = arith.index_cast %add3A_210 : i32 to index
            %get3A_212 = arith.constant 48 : index
            %get3A_213 = tpu.vector_load %arg5[%get3A_211, %get3A_212] {strides = array<i32>} : memref<128x128xf32, #tpu.memory_space<vmem>>, vector<16xf32>,
            %add3A_214 = arith.constant 1 : i32
            %add3A_215 = arith.addi %add3A_98, %add3A_214 : i32
            %get3A_216 = arith.index_cast %add3A_215 : i32 to index
            %get3A_217 = arith.constant 64 : index
            %get3A_218 = tpu.vector_load %arg5[%get3A_216, %get3A_217] {strides = array<i32>} : memref<128x128xf32, #tpu.memory_space<vmem>>, vector<16xf32>,
            %add3A_219 = arith.constant 1 : i32
            %add3A_220 = arith.addi %add3A_98, %add3A_219 : i32
            %get3A_221 = arith.index_cast %add3A_220 : i32 to index
            %get3A_222 = arith.constant 80 : index
            %get3A_223 = tpu.vector_load %arg5[%get3A_221, %get3A_222] {strides = array<i32>} : memref<128x128xf32, #tpu.memory_space<vmem>>, vector<16xf32>,
            %add3A_224 = arith.constant 1 : i32
            %add3A_225 = arith.addi %add3A_98, %add3A_224 : i32
            %get3A_226 = arith.index_cast %add3A_225 : i32 to index
            %get3A_227 = arith.constant 96 : index
            %get3A_228 = tpu.vector_load %arg5[%get3A_226, %get3A_227] {strides = array<i32>} : memref<128x128xf32, #tpu.memory_space<vmem>>, vector<16xf32>,
            %add3A_229 = arith.constant 1 : i32
            %add3A_230 = arith.addi %add3A_98, %add3A_229 : i32
            %get3A_231 = arith.index_cast %add3A_230 : i32 to index
            %get3A_232 = arith.constant 112 : index
            %get3A_233 = tpu.vector_load %arg5[%get3A_231, %get3A_232] {strides = array<i32>} : memref<128x128xf32, #tpu.memory_space<vmem>>, vector<16xf32>,
            %add3A_234 = arith.constant 2 : i32
            %add3A_235 = arith.addi %add3A_98, %add3A_234 : i32
            %get3A_236 = arith.index_cast %add3A_235 : i32 to index
            %get3A_237 = arith.constant 0 : index
            %get3A_238 = tpu.vector_load %arg5[%get3A_236, %get3A_237] {strides = array<i32>} : memref<128x128xf32, #tpu.memory_space<vmem>>, vector<16xf32>,
            %add3A_239 = arith.constant 2 : i32
            %add3A_240 = arith.addi %add3A_98, %add3A_239 : i32
            %get3A_241 = arith.index_cast %add3A_240 : i32 to index
            %get3A_242 = arith.constant 16 : index
            %get3A_243 = tpu.vector_load %arg5[%get3A_241, %get3A_242] {strides = array<i32>} : memref<128x128xf32, #tpu.memory_space<vmem>>, vector<16xf32>,
            %add3A_244 = arith.constant 2 : i32
            %add3A_245 = arith.addi %add3A_98, %add3A_244 : i32
            %get3A_246 = arith.index_cast %add3A_245 : i32 to index
            %get3A_247 = arith.constant 32 : index
            %get3A_248 = tpu.vector_load %arg5[%get3A_246, %get3A_247] {strides = array<i32>} : memref<128x128xf32, #tpu.memory_space<vmem>>, vector<16xf32>,
            %add3A_249 = arith.constant 2 : i32
            %add3A_250 = arith.addi %add3A_98, %add3A_249 : i32
            %get3A_251 = arith.index_cast %add3A_250 : i32 to index
            %get3A_252 = arith.constant 48 : index
            %get3A_253 = tpu.vector_load %arg5[%get3A_251, %get3A_252] {strides = array<i32>} : memref<128x128xf32, #tpu.memory_space<vmem>>, vector<16xf32>,
            %add3A_254 = arith.constant 2 : i32
            %add3A_255 = arith.addi %add3A_98, %add3A_254 : i32
            %get3A_256 = arith.index_cast %add3A_255 : i32 to index
            %get3A_257 = arith.constant 64 : index
            %get3A_258 = tpu.vector_load %arg5[%get3A_256, %get3A_257] {strides = array<i32>} : memref<128x128xf32, #tpu.memory_space<vmem>>, vector<16xf32>,
            %add3A_259 = arith.constant 2 : i32
            %add3A_260 = arith.addi %add3A_98, %add3A_259 : i32
            %get3A_261 = arith.index_cast %add3A_260 : i32 to index
            %get3A_262 = arith.constant 80 : index
            %get3A_263 = tpu.vector_load %arg5[%get3A_261, %get3A_262] {strides = array<i32>} : memref<128x128xf32, #tpu.memory_space<vmem>>, vector<16xf32>,
            %add3A_264 = arith.constant 2 : i32
            %add3A_265 = arith.addi %add3A_98, %add3A_264 : i32
            %get3A_266 = arith.index_cast %add3A_265 : i32 to index
            %get3A_267 = arith.constant 96 : index
            %get3A_268 = tpu.vector_load %arg5[%get3A_266, %get3A_267] {strides = array<i32>} : memref<128x128xf32, #tpu.memory_space<vmem>>, vector<16xf32>,
            %add3A_269 = arith.constant 2 : i32
            %add3A_270 = arith.addi %add3A_98, %add3A_269 : i32
            %get3A_271 = arith.index_cast %add3A_270 : i32 to index
            %get3A_272 = arith.constant 112 : index
            %get3A_273 = tpu.vector_load %arg5[%get3A_271, %get3A_272] {strides = array<i32>} : memref<128x128xf32, #tpu.memory_space<vmem>>, vector<16xf32>,
            %add3A_274 = arith.constant 3 : i32
            %add3A_275 = arith.addi %add3A_98, %add3A_274 : i32
            %get3A_276 = arith.index_cast %add3A_275 : i32 to index
            %get3A_277 = arith.constant 0 : index
            %get3A_278 = tpu.vector_load %arg5[%get3A_276, %get3A_277] {strides = array<i32>} : memref<128x128xf32, #tpu.memory_space<vmem>>, vector<16xf32>,
            %add3A_279 = arith.constant 3 : i32
            %add3A_280 = arith.addi %add3A_98, %add3A_279 : i32
            %get3A_281 = arith.index_cast %add3A_280 : i32 to index
            %get3A_282 = arith.constant 16 : index
            %get3A_283 = tpu.vector_load %arg5[%get3A_281, %get3A_282] {strides = array<i32>} : memref<128x128xf32, #tpu.memory_space<vmem>>, vector<16xf32>,
            %add3A_284 = arith.constant 3 : i32
            %add3A_285 = arith.addi %add3A_98, %add3A_284 : i32
            %get3A_286 = arith.index_cast %add3A_285 : i32 to index
            %get3A_287 = arith.constant 32 : index
            %get3A_288 = tpu.vector_load %arg5[%get3A_286, %get3A_287] {strides = array<i32>} : memref<128x128xf32, #tpu.memory_space<vmem>>, vector<16xf32>,
            %add3A_289 = arith.constant 3 : i32
            %add3A_290 = arith.addi %add3A_98, %add3A_289 : i32
            %get3A_291 = arith.index_cast %add3A_290 : i32 to index
            %get3A_292 = arith.constant 48 : index
            %get3A_293 = tpu.vector_load %arg5[%get3A_291, %get3A_292] {strides = array<i32>} : memref<128x128xf32, #tpu.memory_space<vmem>>, vector<16xf32>,
            %add3A_294 = arith.constant 3 : i32
            %add3A_295 = arith.addi %add3A_98, %add3A_294 : i32
            %get3A_296 = arith.index_cast %add3A_295 : i32 to index
            %get3A_297 = arith.constant 64 : index
            %get3A_298 = tpu.vector_load %arg5[%get3A_296, %get3A_297] {strides = array<i32>} : memref<128x128xf32, #tpu.memory_space<vmem>>, vector<16xf32>,
            %add3A_299 = arith.constant 3 : i32
            %add3A_300 = arith.addi %add3A_98, %add3A_299 : i32
            %get3A_301 = arith.index_cast %add3A_300 : i32 to index
            %get3A_302 = arith.constant 80 : index
            %get3A_303 = tpu.vector_load %arg5[%get3A_301, %get3A_302] {strides = array<i32>} : memref<128x128xf32, #tpu.memory_space<vmem>>, vector<16xf32>,
            %add3A_304 = arith.constant 3 : i32
            %add3A_305 = arith.addi %add3A_98, %add3A_304 : i32
            %get3A_306 = arith.index_cast %add3A_305 : i32 to index
            %get3A_307 = arith.constant 96 : index
            %get3A_308 = tpu.vector_load %arg5[%get3A_306, %get3A_307] {strides = array<i32>} : memref<128x128xf32, #tpu.memory_space<vmem>>, vector<16xf32>,
            %add3A_309 = arith.constant 3 : i32
            %add3A_310 = arith.addi %add3A_98, %add3A_309 : i32
            %get3A_311 = arith.index_cast %add3A_310 : i32 to index
            %get3A_312 = arith.constant 112 : index
            %get3A_313 = tpu.vector_load %arg5[%get3A_311, %get3A_312] {strides = array<i32>} : memref<128x128xf32, #tpu.memory_space<vmem>>, vector<16xf32>,
            %add3A_314 = arith.constant 0 : i32
            %add3A_315 = vector.broadcast %add3A_314 : i32 to vector<16xi32>
            %add3A_316 = arith.addi %iota3A, %add3A_315 : vector<16xi32>
            tpu.vector_store_idx %arg9[%gather3A_111, %add3A_316], %get3A_158 {add = true} : memref<520x128xf32, #tpu.memory_space<vmem>>[vector<16xi32>, vector<16xi32>], vector<16xf32>,
            %add3A_317 = arith.constant 16 : i32
            %add3A_318 = vector.broadcast %add3A_317 : i32 to vector<16xi32>
            %add3A_319 = arith.addi %iota3A, %add3A_318 : vector<16xi32>
            tpu.vector_store_idx %arg9[%gather3A_111, %add3A_319], %get3A_163 {add = true} : memref<520x128xf32, #tpu.memory_space<vmem>>[vector<16xi32>, vector<16xi32>], vector<16xf32>,
            %add3A_320 = arith.constant 32 : i32
            %add3A_321 = vector.broadcast %add3A_320 : i32 to vector<16xi32>
            %add3A_322 = arith.addi %iota3A, %add3A_321 : vector<16xi32>
            tpu.vector_store_idx %arg9[%gather3A_111, %add3A_322], %get3A_168 {add = true} : memref<520x128xf32, #tpu.memory_space<vmem>>[vector<16xi32>, vector<16xi32>], vector<16xf32>,
            %add3A_323 = arith.constant 48 : i32
            %add3A_324 = vector.broadcast %add3A_323 : i32 to vector<16xi32>
            %add3A_325 = arith.addi %iota3A, %add3A_324 : vector<16xi32>
            tpu.vector_store_idx %arg9[%gather3A_111, %add3A_325], %get3A_173 {add = true} : memref<520x128xf32, #tpu.memory_space<vmem>>[vector<16xi32>, vector<16xi32>], vector<16xf32>,
            %add3A_326 = arith.constant 64 : i32
            %add3A_327 = vector.broadcast %add3A_326 : i32 to vector<16xi32>
            %add3A_328 = arith.addi %iota3A, %add3A_327 : vector<16xi32>
            tpu.vector_store_idx %arg9[%gather3A_111, %add3A_328], %get3A_178 {add = true} : memref<520x128xf32, #tpu.memory_space<vmem>>[vector<16xi32>, vector<16xi32>], vector<16xf32>,
            %add3A_329 = arith.constant 80 : i32
            %add3A_330 = vector.broadcast %add3A_329 : i32 to vector<16xi32>
            %add3A_331 = arith.addi %iota3A, %add3A_330 : vector<16xi32>
            tpu.vector_store_idx %arg9[%gather3A_111, %add3A_331], %get3A_183 {add = true} : memref<520x128xf32, #tpu.memory_space<vmem>>[vector<16xi32>, vector<16xi32>], vector<16xf32>,
            %add3A_332 = arith.constant 96 : i32
            %add3A_333 = vector.broadcast %add3A_332 : i32 to vector<16xi32>
            %add3A_334 = arith.addi %iota3A, %add3A_333 : vector<16xi32>
            tpu.vector_store_idx %arg9[%gather3A_111, %add3A_334], %get3A_188 {add = true} : memref<520x128xf32, #tpu.memory_space<vmem>>[vector<16xi32>, vector<16xi32>], vector<16xf32>,
            %add3A_335 = arith.constant 112 : i32
            %add3A_336 = vector.broadcast %add3A_335 : i32 to vector<16xi32>
            %add3A_337 = arith.addi %iota3A, %add3A_336 : vector<16xi32>
            tpu.vector_store_idx %arg9[%gather3A_111, %add3A_337], %get3A_193 {add = true} : memref<520x128xf32, #tpu.memory_space<vmem>>[vector<16xi32>, vector<16xi32>], vector<16xf32>,
            %add3A_338 = arith.constant 0 : i32
            %add3A_339 = vector.broadcast %add3A_338 : i32 to vector<16xi32>
            %add3A_340 = arith.addi %iota3A, %add3A_339 : vector<16xi32>
            tpu.vector_store_idx %arg9[%gather3A_125, %add3A_340], %get3A_198 {add = true} : memref<520x128xf32, #tpu.memory_space<vmem>>[vector<16xi32>, vector<16xi32>], vector<16xf32>,
            %add3A_341 = arith.constant 16 : i32
            %add3A_342 = vector.broadcast %add3A_341 : i32 to vector<16xi32>
            %add3A_343 = arith.addi %iota3A, %add3A_342 : vector<16xi32>
            tpu.vector_store_idx %arg9[%gather3A_125, %add3A_343], %get3A_203 {add = true} : memref<520x128xf32, #tpu.memory_space<vmem>>[vector<16xi32>, vector<16xi32>], vector<16xf32>,
            %add3A_344 = arith.constant 32 : i32
            %add3A_345 = vector.broadcast %add3A_344 : i32 to vector<16xi32>
            %add3A_346 = arith.addi %iota3A, %add3A_345 : vector<16xi32>
            tpu.vector_store_idx %arg9[%gather3A_125, %add3A_346], %get3A_208 {add = true} : memref<520x128xf32, #tpu.memory_space<vmem>>[vector<16xi32>, vector<16xi32>], vector<16xf32>,
            %add3A_347 = arith.constant 48 : i32
            %add3A_348 = vector.broadcast %add3A_347 : i32 to vector<16xi32>
            %add3A_349 = arith.addi %iota3A, %add3A_348 : vector<16xi32>
            tpu.vector_store_idx %arg9[%gather3A_125, %add3A_349], %get3A_213 {add = true} : memref<520x128xf32, #tpu.memory_space<vmem>>[vector<16xi32>, vector<16xi32>], vector<16xf32>,
            %add3A_350 = arith.constant 64 : i32
            %add3A_351 = vector.broadcast %add3A_350 : i32 to vector<16xi32>
            %add3A_352 = arith.addi %iota3A, %add3A_351 : vector<16xi32>
            tpu.vector_store_idx %arg9[%gather3A_125, %add3A_352], %get3A_218 {add = true} : memref<520x128xf32, #tpu.memory_space<vmem>>[vector<16xi32>, vector<16xi32>], vector<16xf32>,
            %add3A_353 = arith.constant 80 : i32
            %add3A_354 = vector.broadcast %add3A_353 : i32 to vector<16xi32>
            %add3A_355 = arith.addi %iota3A, %add3A_354 : vector<16xi32>
            tpu.vector_store_idx %arg9[%gather3A_125, %add3A_355], %get3A_223 {add = true} : memref<520x128xf32, #tpu.memory_space<vmem>>[vector<16xi32>, vector<16xi32>], vector<16xf32>,
            %add3A_356 = arith.constant 96 : i32
            %add3A_357 = vector.broadcast %add3A_356 : i32 to vector<16xi32>
            %add3A_358 = arith.addi %iota3A, %add3A_357 : vector<16xi32>
            tpu.vector_store_idx %arg9[%gather3A_125, %add3A_358], %get3A_228 {add = true} : memref<520x128xf32, #tpu.memory_space<vmem>>[vector<16xi32>, vector<16xi32>], vector<16xf32>,
            %add3A_359 = arith.constant 112 : i32
            %add3A_360 = vector.broadcast %add3A_359 : i32 to vector<16xi32>
            %add3A_361 = arith.addi %iota3A, %add3A_360 : vector<16xi32>
            tpu.vector_store_idx %arg9[%gather3A_125, %add3A_361], %get3A_233 {add = true} : memref<520x128xf32, #tpu.memory_space<vmem>>[vector<16xi32>, vector<16xi32>], vector<16xf32>,
            %add3A_362 = arith.constant 0 : i32
            %add3A_363 = vector.broadcast %add3A_362 : i32 to vector<16xi32>
            %add3A_364 = arith.addi %iota3A, %add3A_363 : vector<16xi32>
            tpu.vector_store_idx %arg9[%gather3A_139, %add3A_364], %get3A_238 {add = true} : memref<520x128xf32, #tpu.memory_space<vmem>>[vector<16xi32>, vector<16xi32>], vector<16xf32>,
            %add3A_365 = arith.constant 16 : i32
            %add3A_366 = vector.broadcast %add3A_365 : i32 to vector<16xi32>
            %add3A_367 = arith.addi %iota3A, %add3A_366 : vector<16xi32>
            tpu.vector_store_idx %arg9[%gather3A_139, %add3A_367], %get3A_243 {add = true} : memref<520x128xf32, #tpu.memory_space<vmem>>[vector<16xi32>, vector<16xi32>], vector<16xf32>,
            %add3A_368 = arith.constant 32 : i32
            %add3A_369 = vector.broadcast %add3A_368 : i32 to vector<16xi32>
            %add3A_370 = arith.addi %iota3A, %add3A_369 : vector<16xi32>
            tpu.vector_store_idx %arg9[%gather3A_139, %add3A_370], %get3A_248 {add = true} : memref<520x128xf32, #tpu.memory_space<vmem>>[vector<16xi32>, vector<16xi32>], vector<16xf32>,
            %add3A_371 = arith.constant 48 : i32
            %add3A_372 = vector.broadcast %add3A_371 : i32 to vector<16xi32>
            %add3A_373 = arith.addi %iota3A, %add3A_372 : vector<16xi32>
            tpu.vector_store_idx %arg9[%gather3A_139, %add3A_373], %get3A_253 {add = true} : memref<520x128xf32, #tpu.memory_space<vmem>>[vector<16xi32>, vector<16xi32>], vector<16xf32>,
            %add3A_374 = arith.constant 64 : i32
            %add3A_375 = vector.broadcast %add3A_374 : i32 to vector<16xi32>
            %add3A_376 = arith.addi %iota3A, %add3A_375 : vector<16xi32>
            tpu.vector_store_idx %arg9[%gather3A_139, %add3A_376], %get3A_258 {add = true} : memref<520x128xf32, #tpu.memory_space<vmem>>[vector<16xi32>, vector<16xi32>], vector<16xf32>,
            %add3A_377 = arith.constant 80 : i32
            %add3A_378 = vector.broadcast %add3A_377 : i32 to vector<16xi32>
            %add3A_379 = arith.addi %iota3A, %add3A_378 : vector<16xi32>
            tpu.vector_store_idx %arg9[%gather3A_139, %add3A_379], %get3A_263 {add = true} : memref<520x128xf32, #tpu.memory_space<vmem>>[vector<16xi32>, vector<16xi32>], vector<16xf32>,
            %add3A_380 = arith.constant 96 : i32
            %add3A_381 = vector.broadcast %add3A_380 : i32 to vector<16xi32>
            %add3A_382 = arith.addi %iota3A, %add3A_381 : vector<16xi32>
            tpu.vector_store_idx %arg9[%gather3A_139, %add3A_382], %get3A_268 {add = true} : memref<520x128xf32, #tpu.memory_space<vmem>>[vector<16xi32>, vector<16xi32>], vector<16xf32>,
            %add3A_383 = arith.constant 112 : i32
            %add3A_384 = vector.broadcast %add3A_383 : i32 to vector<16xi32>
            %add3A_385 = arith.addi %iota3A, %add3A_384 : vector<16xi32>
            tpu.vector_store_idx %arg9[%gather3A_139, %add3A_385], %get3A_273 {add = true} : memref<520x128xf32, #tpu.memory_space<vmem>>[vector<16xi32>, vector<16xi32>], vector<16xf32>,
            %add3A_386 = arith.constant 0 : i32
            %add3A_387 = vector.broadcast %add3A_386 : i32 to vector<16xi32>
            %add3A_388 = arith.addi %iota3A, %add3A_387 : vector<16xi32>
            tpu.vector_store_idx %arg9[%gather3A_153, %add3A_388], %get3A_278 {add = true} : memref<520x128xf32, #tpu.memory_space<vmem>>[vector<16xi32>, vector<16xi32>], vector<16xf32>,
            %add3A_389 = arith.constant 16 : i32
            %add3A_390 = vector.broadcast %add3A_389 : i32 to vector<16xi32>
            %add3A_391 = arith.addi %iota3A, %add3A_390 : vector<16xi32>
            tpu.vector_store_idx %arg9[%gather3A_153, %add3A_391], %get3A_283 {add = true} : memref<520x128xf32, #tpu.memory_space<vmem>>[vector<16xi32>, vector<16xi32>], vector<16xf32>,
            %add3A_392 = arith.constant 32 : i32
            %add3A_393 = vector.broadcast %add3A_392 : i32 to vector<16xi32>
            %add3A_394 = arith.addi %iota3A, %add3A_393 : vector<16xi32>
            tpu.vector_store_idx %arg9[%gather3A_153, %add3A_394], %get3A_288 {add = true} : memref<520x128xf32, #tpu.memory_space<vmem>>[vector<16xi32>, vector<16xi32>], vector<16xf32>,
            %add3A_395 = arith.constant 48 : i32
            %add3A_396 = vector.broadcast %add3A_395 : i32 to vector<16xi32>
            %add3A_397 = arith.addi %iota3A, %add3A_396 : vector<16xi32>
            tpu.vector_store_idx %arg9[%gather3A_153, %add3A_397], %get3A_293 {add = true} : memref<520x128xf32, #tpu.memory_space<vmem>>[vector<16xi32>, vector<16xi32>], vector<16xf32>,
            %add3A_398 = arith.constant 64 : i32
            %add3A_399 = vector.broadcast %add3A_398 : i32 to vector<16xi32>
            %add3A_400 = arith.addi %iota3A, %add3A_399 : vector<16xi32>
            tpu.vector_store_idx %arg9[%gather3A_153, %add3A_400], %get3A_298 {add = true} : memref<520x128xf32, #tpu.memory_space<vmem>>[vector<16xi32>, vector<16xi32>], vector<16xf32>,
            %add3A_401 = arith.constant 80 : i32
            %add3A_402 = vector.broadcast %add3A_401 : i32 to vector<16xi32>
            %add3A_403 = arith.addi %iota3A, %add3A_402 : vector<16xi32>
            tpu.vector_store_idx %arg9[%gather3A_153, %add3A_403], %get3A_303 {add = true} : memref<520x128xf32, #tpu.memory_space<vmem>>[vector<16xi32>, vector<16xi32>], vector<16xf32>,
            %add3A_404 = arith.constant 96 : i32
            %add3A_405 = vector.broadcast %add3A_404 : i32 to vector<16xi32>
            %add3A_406 = arith.addi %iota3A, %add3A_405 : vector<16xi32>
            tpu.vector_store_idx %arg9[%gather3A_153, %add3A_406], %get3A_308 {add = true} : memref<520x128xf32, #tpu.memory_space<vmem>>[vector<16xi32>, vector<16xi32>], vector<16xf32>,
            %add3A_407 = arith.constant 112 : i32
            %add3A_408 = vector.broadcast %add3A_407 : i32 to vector<16xi32>
            %add3A_409 = arith.addi %iota3A, %add3A_408 : vector<16xi32>
            tpu.vector_store_idx %arg9[%gather3A_153, %add3A_409], %get3A_313 {add = true} : memref<520x128xf32, #tpu.memory_space<vmem>>[vector<16xi32>, vector<16xi32>], vector<16xf32>,
            %eq3A_410 = arith.constant 0 : i32
            %eq3A_411 = arith.cmpi eq, %arg0, %eq3A_410 : i32
            %select_n3A_412 = arith.select %eq3A_411, %gather3A_111, %gather3A_125 : vector<16xi32>
            %shift_right_logical3A = arith.constant 7 : i32
            %shift_right_logical3A_413 = vector.broadcast %shift_right_logical3A : i32 to vector<16xi32>
            %shift_right_logical3A_414 = arith.shrui %select_n3A_412, %shift_right_logical3A_413 : vector<16xi32>
            %add3A_415 = arith.constant 512 : i32
            %add3A_416 = vector.broadcast %add3A_415 : i32 to vector<16xi32>
            %add3A_417 = arith.addi %add3A_416, %shift_right_logical3A_414 : vector<16xi32>
            %and3A = arith.constant 127 : i32
            %and3A_418 = vector.broadcast %and3A : i32 to vector<16xi32>
            %and3A_419 = arith.andi %select_n3A_412, %and3A_418 : vector<16xi32>
            tpu.vector_store_idx %arg9[%add3A_417, %and3A_419], %broadcast_in_dim3A_4 masked %eq3A_6 {add = true} : memref<520x128xf32, #tpu.memory_space<vmem>>[vector<16xi32>, vector<16xi32>], vector<16xf32>, vector<16xi1>
            %eq3A_420 = arith.constant 0 : i32
            %eq3A_421 = arith.cmpi eq, %arg0, %eq3A_420 : i32
            %select_n3A_422 = arith.select %eq3A_421, %gather3A_139, %gather3A_153 : vector<16xi32>
            %shift_right_logical3A_423 = arith.constant 7 : i32
            %shift_right_logical3A_424 = vector.broadcast %shift_right_logical3A_423 : i32 to vector<16xi32>
            %shift_right_logical3A_425 = arith.shrui %select_n3A_422, %shift_right_logical3A_424 : vector<16xi32>
            %add3A_426 = arith.constant 512 : i32
            %add3A_427 = vector.broadcast %add3A_426 : i32 to vector<16xi32>
            %add3A_428 = arith.addi %add3A_427, %shift_right_logical3A_425 : vector<16xi32>
            %and3A_429 = arith.constant 127 : i32
            %and3A_430 = vector.broadcast %and3A_429 : i32 to vector<16xi32>
            %and3A_431 = arith.andi %select_n3A_422, %and3A_430 : vector<16xi32>
            tpu.vector_store_idx %arg9[%add3A_428, %and3A_431], %broadcast_in_dim3A_4 masked %eq3A_6 {add = true} : memref<520x128xf32, #tpu.memory_space<vmem>>[vector<16xi32>, vector<16xi32>], vector<16xf32>, vector<16xi1>
            %scan3A_432 = arith.constant 0 : i32
            scf.yield %scan3A_432 : i32
          }
          %scan3A_90 = arith.constant 4 : i32
          %scan3A_91 = arith.constant 0 : i32
          scf.yield %scan3A_91 : i32
        }
        %scan3A_77 = arith.constant 8 : i32
      } else {
      }
      %rem3A_50 = arith.constant 2 : i32
      %rem3A_51 = arith.remsi %while3A_42, %rem3A_50 : i32
      %eq3A_52 = arith.constant 1 : i32
      %eq3A_53 = arith.cmpi eq, %rem3A_51, %eq3A_52 : i32
      %convert_element_type3A_54 = arith.extui %eq3A_53 : i1 to i32
      %cond3A_55 = arith.constant 0 : i32
      %cond3A_56 = arith.cmpi ne, %convert_element_type3A_54, %cond3A_55 : i32
      scf.if %cond3A_56 {
        %add3A_58 = arith.constant 1 : i32
        %add3A_59 = arith.addi %while3A_42, %add3A_58 : i32
        %lt3A_60 = arith.cmpi slt, %add3A_59, %add3A_20 : i32
        %convert_element_type3A_61 = arith.extui %lt3A_60 : i1 to i32
        %cond3A_62 = arith.constant 0 : i32
        %cond3A_63 = arith.cmpi ne, %convert_element_type3A_61, %cond3A_62 : i32
        scf.if %cond3A_63 {
          %add3A_78 = arith.constant 1 : i32
          %add3A_79 = arith.addi %while3A_42, %add3A_78 : i32
          %add3A_80 = arith.addi %add3A, %add3A_79 : i32
          %mul3A_81 = arith.constant 128 : i32
          %mul3A_82 = arith.muli %add3A_80, %mul3A_81 : i32
          %multiple_of3A_83 = tpu.assume_multiple %mul3A_82, 128 : i32
          %dma_start3A_84 = tpu.memref_slice %arg2[%multiple_of3A_83, %mul3A_7] : memref<50000x256xf32, #tpu.memory_space<hbm>> -> memref<128x128xf32, #tpu.memory_space<hbm>>
          %dma_start3A_85 = tpu.memref_slice %arg2[%multiple_of3A_83, %mul3A_7] : memref<50000x256xf32, #tpu.memory_space<hbm>> -> memref<128x128xf32, #tpu.memory_space<hbm>>
          tpu.enqueue_dma source(%dma_start3A_85 : memref<128x128xf32, #tpu.memory_space<hbm>>) target(%arg5 : memref<128x128xf32, #tpu.memory_space<vmem>>) target_semaphore(%arg10 : memref<!tpu.dma_semaphore, #tpu.memory_space<semaphore_mem>>)
          %dma_start3A_86 = tpu.memref_slice %arg3[%multiple_of3A_83] : memref<50000xi32, #tpu.memory_space<hbm>> -> memref<128xi32, #tpu.memory_space<hbm>>
          %dma_start3A_87 = tpu.memref_slice %arg3[%multiple_of3A_83] : memref<50000xi32, #tpu.memory_space<hbm>> -> memref<128xi32, #tpu.memory_space<hbm>>
          tpu.enqueue_dma source(%dma_start3A_87 : memref<128xi32, #tpu.memory_space<hbm>>) target(%arg6 : memref<128xi32, #tpu.memory_space<vmem>>) target_semaphore(%arg10 : memref<!tpu.dma_semaphore, #tpu.memory_space<semaphore_mem>>)
        } else {
        }
        %add3A_64 = arith.addi %add3A, %while3A_42 : i32
        %mul3A_65 = arith.constant 128 : i32
        %mul3A_66 = arith.muli %add3A_64, %mul3A_65 : i32
        %multiple_of3A_67 = tpu.assume_multiple %mul3A_66, 128 : i32
        %dma_wait3A = tpu.memref_slice %arg2[%multiple_of3A_67, %mul3A_7] : memref<50000x256xf32, #tpu.memory_space<hbm>> -> memref<128x128xf32, #tpu.memory_space<hbm>>
        %dma_wait3A_68 = tpu.memref_slice %arg2[%multiple_of3A_67, %mul3A_7] : memref<50000x256xf32, #tpu.memory_space<hbm>> -> memref<128x128xf32, #tpu.memory_space<hbm>>
        tpu.wait_dma2 semaphore(%arg11 : memref<!tpu.dma_semaphore, #tpu.memory_space<semaphore_mem>>) src(%dma_wait3A_68 : memref<128x128xf32, #tpu.memory_space<hbm>>) dst(%arg7 : memref<128x128xf32, #tpu.memory_space<vmem>>)
        %dma_wait3A_69 = tpu.memref_slice %arg3[%multiple_of3A_67] : memref<50000xi32, #tpu.memory_space<hbm>> -> memref<128xi32, #tpu.memory_space<hbm>>
        %dma_wait3A_70 = tpu.memref_slice %arg3[%multiple_of3A_67] : memref<50000xi32, #tpu.memory_space<hbm>> -> memref<128xi32, #tpu.memory_space<hbm>>
        tpu.wait_dma2 semaphore(%arg11 : memref<!tpu.dma_semaphore, #tpu.memory_space<semaphore_mem>>) src(%dma_wait3A_70 : memref<128xi32, #tpu.memory_space<hbm>>) dst(%arg8 : memref<128xi32, #tpu.memory_space<vmem>>)
        %scan3A_71 = arith.constant 0 : i32
        %scan3A_72 = arith.constant 0 : i32
        %scan3A_73 = arith.constant 8 : i32
        %scan3A_74 = arith.addi %scan3A_72, %scan3A_73 : i32
        %scan3A_75 = arith.constant 1 : i32
        %scan3A_76 = scf.for %scan3A_78 = %scan3A_72 to %scan3A_74 step %scan3A_75 iter_args(%scan3A_79 = %scan3A_71) -> (i32)  : i32 {
          %mul3A_80 = arith.constant 16 : i32
          %mul3A_81 = arith.muli %scan3A_78, %mul3A_80 : i32
          %multiple_of3A_82 = tpu.assume_multiple %mul3A_81, 16 : i32
          %get3A = arith.index_cast %multiple_of3A_82 : i32 to index
          %get3A_83 = tpu.vector_load %arg8[%get3A] {strides = array<i32>} : memref<128xi32, #tpu.memory_space<vmem>>, vector<16xi32>,
          %scan3A_84 = arith.constant 0 : i32
          %scan3A_85 = arith.constant 0 : i32
          %scan3A_86 = arith.constant 4 : i32
          %scan3A_87 = arith.addi %scan3A_85, %scan3A_86 : i32
          %scan3A_88 = arith.constant 1 : i32
          %scan3A_89 = scf.for %scan3A_92 = %scan3A_85 to %scan3A_87 step %scan3A_88 iter_args(%scan3A_93 = %scan3A_84) -> (i32)  : i32 {
            %mul3A_94 = arith.constant 4 : i32
            %mul3A_95 = arith.muli %scan3A_92, %mul3A_94 : i32
            %mul3A_96 = arith.constant 16 : i32
            %mul3A_97 = arith.muli %scan3A_78, %mul3A_96 : i32
            %add3A_98 = arith.addi %mul3A_97, %mul3A_95 : i32
            %add3A_99 = arith.constant 0 : i32
            %add3A_100 = arith.addi %mul3A_95, %add3A_99 : i32
            %add3A_101 = vector.broadcast %add3A_100 : i32 to vector<16xi32>
            %add3A_102 = arith.addi %broadcast_in_dim3A_0, %add3A_101 : vector<16xi32>
            %lt3A_103 = arith.constant 0 : i32
            %lt3A_104 = vector.broadcast %lt3A_103 : i32 to vector<16xi32>
            %lt3A_105 = arith.cmpi slt, %add3A_102, %lt3A_104 : vector<16xi32>
            %add3A_106 = arith.constant 16 : i32
            %add3A_107 = vector.broadcast %add3A_106 : i32 to vector<16xi32>
            %add3A_108 = arith.addi %add3A_102, %add3A_107 : vector<16xi32>
            %select_n3A_109 = arith.select %lt3A_105, %add3A_108, %add3A_102 : vector<16xi1>, vector<16xi32>
            %broadcast_in_dim3A_110 = vector.shape_cast %select_n3A_109 : vector<16xi32> to vector<16x1xi32>
            %gather3A = vector.shape_cast %broadcast_in_dim3A_110 : vector<16x1xi32> to vector<16xi32>
            %gather3A_111 = tpu.dynamic_gather %get3A_83[%gather3A] in [0] : vector<16xi32>, vector<16xi32> -> vector<16xi32>
            %add3A_112 = arith.constant 1 : i32
            %add3A_113 = arith.addi %mul3A_95, %add3A_112 : i32
            %add3A_114 = vector.broadcast %add3A_113 : i32 to vector<16xi32>
            %add3A_115 = arith.addi %broadcast_in_dim3A_0, %add3A_114 : vector<16xi32>
            %lt3A_116 = arith.constant 0 : i32
            %lt3A_117 = vector.broadcast %lt3A_116 : i32 to vector<16xi32>
            %lt3A_118 = arith.cmpi slt, %add3A_115, %lt3A_117 : vector<16xi32>
            %add3A_119 = arith.constant 16 : i32
            %add3A_120 = vector.broadcast %add3A_119 : i32 to vector<16xi32>
            %add3A_121 = arith.addi %add3A_115, %add3A_120 : vector<16xi32>
            %select_n3A_122 = arith.select %lt3A_118, %add3A_121, %add3A_115 : vector<16xi1>, vector<16xi32>
            %broadcast_in_dim3A_123 = vector.shape_cast %select_n3A_122 : vector<16xi32> to vector<16x1xi32>
            %gather3A_124 = vector.shape_cast %broadcast_in_dim3A_123 : vector<16x1xi32> to vector<16xi32>
            %gather3A_125 = tpu.dynamic_gather %get3A_83[%gather3A_124] in [0] : vector<16xi32>, vector<16xi32> -> vector<16xi32>
            %add3A_126 = arith.constant 2 : i32
            %add3A_127 = arith.addi %mul3A_95, %add3A_126 : i32
            %add3A_128 = vector.broadcast %add3A_127 : i32 to vector<16xi32>
            %add3A_129 = arith.addi %broadcast_in_dim3A_0, %add3A_128 : vector<16xi32>
            %lt3A_130 = arith.constant 0 : i32
            %lt3A_131 = vector.broadcast %lt3A_130 : i32 to vector<16xi32>
            %lt3A_132 = arith.cmpi slt, %add3A_129, %lt3A_131 : vector<16xi32>
            %add3A_133 = arith.constant 16 : i32
            %add3A_134 = vector.broadcast %add3A_133 : i32 to vector<16xi32>
            %add3A_135 = arith.addi %add3A_129, %add3A_134 : vector<16xi32>
            %select_n3A_136 = arith.select %lt3A_132, %add3A_135, %add3A_129 : vector<16xi1>, vector<16xi32>
            %broadcast_in_dim3A_137 = vector.shape_cast %select_n3A_136 : vector<16xi32> to vector<16x1xi32>
            %gather3A_138 = vector.shape_cast %broadcast_in_dim3A_137 : vector<16x1xi32> to vector<16xi32>
            %gather3A_139 = tpu.dynamic_gather %get3A_83[%gather3A_138] in [0] : vector<16xi32>, vector<16xi32> -> vector<16xi32>
            %add3A_140 = arith.constant 3 : i32
            %add3A_141 = arith.addi %mul3A_95, %add3A_140 : i32
            %add3A_142 = vector.broadcast %add3A_141 : i32 to vector<16xi32>
            %add3A_143 = arith.addi %broadcast_in_dim3A_0, %add3A_142 : vector<16xi32>
            %lt3A_144 = arith.constant 0 : i32
            %lt3A_145 = vector.broadcast %lt3A_144 : i32 to vector<16xi32>
            %lt3A_146 = arith.cmpi slt, %add3A_143, %lt3A_145 : vector<16xi32>
            %add3A_147 = arith.constant 16 : i32
            %add3A_148 = vector.broadcast %add3A_147 : i32 to vector<16xi32>
            %add3A_149 = arith.addi %add3A_143, %add3A_148 : vector<16xi32>
            %select_n3A_150 = arith.select %lt3A_146, %add3A_149, %add3A_143 : vector<16xi1>, vector<16xi32>
            %broadcast_in_dim3A_151 = vector.shape_cast %select_n3A_150 : vector<16xi32> to vector<16x1xi32>
            %gather3A_152 = vector.shape_cast %broadcast_in_dim3A_151 : vector<16x1xi32> to vector<16xi32>
            %gather3A_153 = tpu.dynamic_gather %get3A_83[%gather3A_152] in [0] : vector<16xi32>, vector<16xi32> -> vector<16xi32>
            %add3A_154 = arith.constant 0 : i32
            %add3A_155 = arith.addi %add3A_98, %add3A_154 : i32
            %get3A_156 = arith.index_cast %add3A_155 : i32 to index
            %get3A_157 = arith.constant 0 : index
            %get3A_158 = tpu.vector_load %arg7[%get3A_156, %get3A_157] {strides = array<i32>} : memref<128x128xf32, #tpu.memory_space<vmem>>, vector<16xf32>,
            %add3A_159 = arith.constant 0 : i32
            %add3A_160 = arith.addi %add3A_98, %add3A_159 : i32
            %get3A_161 = arith.index_cast %add3A_160 : i32 to index
            %get3A_162 = arith.constant 16 : index
            %get3A_163 = tpu.vector_load %arg7[%get3A_161, %get3A_162] {strides = array<i32>} : memref<128x128xf32, #tpu.memory_space<vmem>>, vector<16xf32>,
            %add3A_164 = arith.constant 0 : i32
            %add3A_165 = arith.addi %add3A_98, %add3A_164 : i32
            %get3A_166 = arith.index_cast %add3A_165 : i32 to index
            %get3A_167 = arith.constant 32 : index
            %get3A_168 = tpu.vector_load %arg7[%get3A_166, %get3A_167] {strides = array<i32>} : memref<128x128xf32, #tpu.memory_space<vmem>>, vector<16xf32>,
            %add3A_169 = arith.constant 0 : i32
            %add3A_170 = arith.addi %add3A_98, %add3A_169 : i32
            %get3A_171 = arith.index_cast %add3A_170 : i32 to index
            %get3A_172 = arith.constant 48 : index
            %get3A_173 = tpu.vector_load %arg7[%get3A_171, %get3A_172] {strides = array<i32>} : memref<128x128xf32, #tpu.memory_space<vmem>>, vector<16xf32>,
            %add3A_174 = arith.constant 0 : i32
            %add3A_175 = arith.addi %add3A_98, %add3A_174 : i32
            %get3A_176 = arith.index_cast %add3A_175 : i32 to index
            %get3A_177 = arith.constant 64 : index
            %get3A_178 = tpu.vector_load %arg7[%get3A_176, %get3A_177] {strides = array<i32>} : memref<128x128xf32, #tpu.memory_space<vmem>>, vector<16xf32>,
            %add3A_179 = arith.constant 0 : i32
            %add3A_180 = arith.addi %add3A_98, %add3A_179 : i32
            %get3A_181 = arith.index_cast %add3A_180 : i32 to index
            %get3A_182 = arith.constant 80 : index
            %get3A_183 = tpu.vector_load %arg7[%get3A_181, %get3A_182] {strides = array<i32>} : memref<128x128xf32, #tpu.memory_space<vmem>>, vector<16xf32>,
            %add3A_184 = arith.constant 0 : i32
            %add3A_185 = arith.addi %add3A_98, %add3A_184 : i32
            %get3A_186 = arith.index_cast %add3A_185 : i32 to index
            %get3A_187 = arith.constant 96 : index
            %get3A_188 = tpu.vector_load %arg7[%get3A_186, %get3A_187] {strides = array<i32>} : memref<128x128xf32, #tpu.memory_space<vmem>>, vector<16xf32>,
            %add3A_189 = arith.constant 0 : i32
            %add3A_190 = arith.addi %add3A_98, %add3A_189 : i32
            %get3A_191 = arith.index_cast %add3A_190 : i32 to index
            %get3A_192 = arith.constant 112 : index
            %get3A_193 = tpu.vector_load %arg7[%get3A_191, %get3A_192] {strides = array<i32>} : memref<128x128xf32, #tpu.memory_space<vmem>>, vector<16xf32>,
            %add3A_194 = arith.constant 1 : i32
            %add3A_195 = arith.addi %add3A_98, %add3A_194 : i32
            %get3A_196 = arith.index_cast %add3A_195 : i32 to index
            %get3A_197 = arith.constant 0 : index
            %get3A_198 = tpu.vector_load %arg7[%get3A_196, %get3A_197] {strides = array<i32>} : memref<128x128xf32, #tpu.memory_space<vmem>>, vector<16xf32>,
            %add3A_199 = arith.constant 1 : i32
            %add3A_200 = arith.addi %add3A_98, %add3A_199 : i32
            %get3A_201 = arith.index_cast %add3A_200 : i32 to index
            %get3A_202 = arith.constant 16 : index
            %get3A_203 = tpu.vector_load %arg7[%get3A_201, %get3A_202] {strides = array<i32>} : memref<128x128xf32, #tpu.memory_space<vmem>>, vector<16xf32>,
            %add3A_204 = arith.constant 1 : i32
            %add3A_205 = arith.addi %add3A_98, %add3A_204 : i32
            %get3A_206 = arith.index_cast %add3A_205 : i32 to index
            %get3A_207 = arith.constant 32 : index
            %get3A_208 = tpu.vector_load %arg7[%get3A_206, %get3A_207] {strides = array<i32>} : memref<128x128xf32, #tpu.memory_space<vmem>>, vector<16xf32>,
            %add3A_209 = arith.constant 1 : i32
            %add3A_210 = arith.addi %add3A_98, %add3A_209 : i32
            %get3A_211 = arith.index_cast %add3A_210 : i32 to index
            %get3A_212 = arith.constant 48 : index
            %get3A_213 = tpu.vector_load %arg7[%get3A_211, %get3A_212] {strides = array<i32>} : memref<128x128xf32, #tpu.memory_space<vmem>>, vector<16xf32>,
            %add3A_214 = arith.constant 1 : i32
            %add3A_215 = arith.addi %add3A_98, %add3A_214 : i32
            %get3A_216 = arith.index_cast %add3A_215 : i32 to index
            %get3A_217 = arith.constant 64 : index
            %get3A_218 = tpu.vector_load %arg7[%get3A_216, %get3A_217] {strides = array<i32>} : memref<128x128xf32, #tpu.memory_space<vmem>>, vector<16xf32>,
            %add3A_219 = arith.constant 1 : i32
            %add3A_220 = arith.addi %add3A_98, %add3A_219 : i32
            %get3A_221 = arith.index_cast %add3A_220 : i32 to index
            %get3A_222 = arith.constant 80 : index
            %get3A_223 = tpu.vector_load %arg7[%get3A_221, %get3A_222] {strides = array<i32>} : memref<128x128xf32, #tpu.memory_space<vmem>>, vector<16xf32>,
            %add3A_224 = arith.constant 1 : i32
            %add3A_225 = arith.addi %add3A_98, %add3A_224 : i32
            %get3A_226 = arith.index_cast %add3A_225 : i32 to index
            %get3A_227 = arith.constant 96 : index
            %get3A_228 = tpu.vector_load %arg7[%get3A_226, %get3A_227] {strides = array<i32>} : memref<128x128xf32, #tpu.memory_space<vmem>>, vector<16xf32>,
            %add3A_229 = arith.constant 1 : i32
            %add3A_230 = arith.addi %add3A_98, %add3A_229 : i32
            %get3A_231 = arith.index_cast %add3A_230 : i32 to index
            %get3A_232 = arith.constant 112 : index
            %get3A_233 = tpu.vector_load %arg7[%get3A_231, %get3A_232] {strides = array<i32>} : memref<128x128xf32, #tpu.memory_space<vmem>>, vector<16xf32>,
            %add3A_234 = arith.constant 2 : i32
            %add3A_235 = arith.addi %add3A_98, %add3A_234 : i32
            %get3A_236 = arith.index_cast %add3A_235 : i32 to index
            %get3A_237 = arith.constant 0 : index
            %get3A_238 = tpu.vector_load %arg7[%get3A_236, %get3A_237] {strides = array<i32>} : memref<128x128xf32, #tpu.memory_space<vmem>>, vector<16xf32>,
            %add3A_239 = arith.constant 2 : i32
            %add3A_240 = arith.addi %add3A_98, %add3A_239 : i32
            %get3A_241 = arith.index_cast %add3A_240 : i32 to index
            %get3A_242 = arith.constant 16 : index
            %get3A_243 = tpu.vector_load %arg7[%get3A_241, %get3A_242] {strides = array<i32>} : memref<128x128xf32, #tpu.memory_space<vmem>>, vector<16xf32>,
            %add3A_244 = arith.constant 2 : i32
            %add3A_245 = arith.addi %add3A_98, %add3A_244 : i32
            %get3A_246 = arith.index_cast %add3A_245 : i32 to index
            %get3A_247 = arith.constant 32 : index
            %get3A_248 = tpu.vector_load %arg7[%get3A_246, %get3A_247] {strides = array<i32>} : memref<128x128xf32, #tpu.memory_space<vmem>>, vector<16xf32>,
            %add3A_249 = arith.constant 2 : i32
            %add3A_250 = arith.addi %add3A_98, %add3A_249 : i32
            %get3A_251 = arith.index_cast %add3A_250 : i32 to index
            %get3A_252 = arith.constant 48 : index
            %get3A_253 = tpu.vector_load %arg7[%get3A_251, %get3A_252] {strides = array<i32>} : memref<128x128xf32, #tpu.memory_space<vmem>>, vector<16xf32>,
            %add3A_254 = arith.constant 2 : i32
            %add3A_255 = arith.addi %add3A_98, %add3A_254 : i32
            %get3A_256 = arith.index_cast %add3A_255 : i32 to index
            %get3A_257 = arith.constant 64 : index
            %get3A_258 = tpu.vector_load %arg7[%get3A_256, %get3A_257] {strides = array<i32>} : memref<128x128xf32, #tpu.memory_space<vmem>>, vector<16xf32>,
            %add3A_259 = arith.constant 2 : i32
            %add3A_260 = arith.addi %add3A_98, %add3A_259 : i32
            %get3A_261 = arith.index_cast %add3A_260 : i32 to index
            %get3A_262 = arith.constant 80 : index
            %get3A_263 = tpu.vector_load %arg7[%get3A_261, %get3A_262] {strides = array<i32>} : memref<128x128xf32, #tpu.memory_space<vmem>>, vector<16xf32>,
            %add3A_264 = arith.constant 2 : i32
            %add3A_265 = arith.addi %add3A_98, %add3A_264 : i32
            %get3A_266 = arith.index_cast %add3A_265 : i32 to index
            %get3A_267 = arith.constant 96 : index
            %get3A_268 = tpu.vector_load %arg7[%get3A_266, %get3A_267] {strides = array<i32>} : memref<128x128xf32, #tpu.memory_space<vmem>>, vector<16xf32>,
            %add3A_269 = arith.constant 2 : i32
            %add3A_270 = arith.addi %add3A_98, %add3A_269 : i32
            %get3A_271 = arith.index_cast %add3A_270 : i32 to index
            %get3A_272 = arith.constant 112 : index
            %get3A_273 = tpu.vector_load %arg7[%get3A_271, %get3A_272] {strides = array<i32>} : memref<128x128xf32, #tpu.memory_space<vmem>>, vector<16xf32>,
            %add3A_274 = arith.constant 3 : i32
            %add3A_275 = arith.addi %add3A_98, %add3A_274 : i32
            %get3A_276 = arith.index_cast %add3A_275 : i32 to index
            %get3A_277 = arith.constant 0 : index
            %get3A_278 = tpu.vector_load %arg7[%get3A_276, %get3A_277] {strides = array<i32>} : memref<128x128xf32, #tpu.memory_space<vmem>>, vector<16xf32>,
            %add3A_279 = arith.constant 3 : i32
            %add3A_280 = arith.addi %add3A_98, %add3A_279 : i32
            %get3A_281 = arith.index_cast %add3A_280 : i32 to index
            %get3A_282 = arith.constant 16 : index
            %get3A_283 = tpu.vector_load %arg7[%get3A_281, %get3A_282] {strides = array<i32>} : memref<128x128xf32, #tpu.memory_space<vmem>>, vector<16xf32>,
            %add3A_284 = arith.constant 3 : i32
            %add3A_285 = arith.addi %add3A_98, %add3A_284 : i32
            %get3A_286 = arith.index_cast %add3A_285 : i32 to index
            %get3A_287 = arith.constant 32 : index
            %get3A_288 = tpu.vector_load %arg7[%get3A_286, %get3A_287] {strides = array<i32>} : memref<128x128xf32, #tpu.memory_space<vmem>>, vector<16xf32>,
            %add3A_289 = arith.constant 3 : i32
            %add3A_290 = arith.addi %add3A_98, %add3A_289 : i32
            %get3A_291 = arith.index_cast %add3A_290 : i32 to index
            %get3A_292 = arith.constant 48 : index
            %get3A_293 = tpu.vector_load %arg7[%get3A_291, %get3A_292] {strides = array<i32>} : memref<128x128xf32, #tpu.memory_space<vmem>>, vector<16xf32>,
            %add3A_294 = arith.constant 3 : i32
            %add3A_295 = arith.addi %add3A_98, %add3A_294 : i32
            %get3A_296 = arith.index_cast %add3A_295 : i32 to index
            %get3A_297 = arith.constant 64 : index
            %get3A_298 = tpu.vector_load %arg7[%get3A_296, %get3A_297] {strides = array<i32>} : memref<128x128xf32, #tpu.memory_space<vmem>>, vector<16xf32>,
            %add3A_299 = arith.constant 3 : i32
            %add3A_300 = arith.addi %add3A_98, %add3A_299 : i32
            %get3A_301 = arith.index_cast %add3A_300 : i32 to index
            %get3A_302 = arith.constant 80 : index
            %get3A_303 = tpu.vector_load %arg7[%get3A_301, %get3A_302] {strides = array<i32>} : memref<128x128xf32, #tpu.memory_space<vmem>>, vector<16xf32>,
            %add3A_304 = arith.constant 3 : i32
            %add3A_305 = arith.addi %add3A_98, %add3A_304 : i32
            %get3A_306 = arith.index_cast %add3A_305 : i32 to index
            %get3A_307 = arith.constant 96 : index
            %get3A_308 = tpu.vector_load %arg7[%get3A_306, %get3A_307] {strides = array<i32>} : memref<128x128xf32, #tpu.memory_space<vmem>>, vector<16xf32>,
            %add3A_309 = arith.constant 3 : i32
            %add3A_310 = arith.addi %add3A_98, %add3A_309 : i32
            %get3A_311 = arith.index_cast %add3A_310 : i32 to index
            %get3A_312 = arith.constant 112 : index
            %get3A_313 = tpu.vector_load %arg7[%get3A_311, %get3A_312] {strides = array<i32>} : memref<128x128xf32, #tpu.memory_space<vmem>>, vector<16xf32>,
            %add3A_314 = arith.constant 0 : i32
            %add3A_315 = vector.broadcast %add3A_314 : i32 to vector<16xi32>
            %add3A_316 = arith.addi %iota3A, %add3A_315 : vector<16xi32>
            tpu.vector_store_idx %arg9[%gather3A_111, %add3A_316], %get3A_158 {add = true} : memref<520x128xf32, #tpu.memory_space<vmem>>[vector<16xi32>, vector<16xi32>], vector<16xf32>,
            %add3A_317 = arith.constant 16 : i32
            %add3A_318 = vector.broadcast %add3A_317 : i32 to vector<16xi32>
            %add3A_319 = arith.addi %iota3A, %add3A_318 : vector<16xi32>
            tpu.vector_store_idx %arg9[%gather3A_111, %add3A_319], %get3A_163 {add = true} : memref<520x128xf32, #tpu.memory_space<vmem>>[vector<16xi32>, vector<16xi32>], vector<16xf32>,
            %add3A_320 = arith.constant 32 : i32
            %add3A_321 = vector.broadcast %add3A_320 : i32 to vector<16xi32>
            %add3A_322 = arith.addi %iota3A, %add3A_321 : vector<16xi32>
            tpu.vector_store_idx %arg9[%gather3A_111, %add3A_322], %get3A_168 {add = true} : memref<520x128xf32, #tpu.memory_space<vmem>>[vector<16xi32>, vector<16xi32>], vector<16xf32>,
            %add3A_323 = arith.constant 48 : i32
            %add3A_324 = vector.broadcast %add3A_323 : i32 to vector<16xi32>
            %add3A_325 = arith.addi %iota3A, %add3A_324 : vector<16xi32>
            tpu.vector_store_idx %arg9[%gather3A_111, %add3A_325], %get3A_173 {add = true} : memref<520x128xf32, #tpu.memory_space<vmem>>[vector<16xi32>, vector<16xi32>], vector<16xf32>,
            %add3A_326 = arith.constant 64 : i32
            %add3A_327 = vector.broadcast %add3A_326 : i32 to vector<16xi32>
            %add3A_328 = arith.addi %iota3A, %add3A_327 : vector<16xi32>
            tpu.vector_store_idx %arg9[%gather3A_111, %add3A_328], %get3A_178 {add = true} : memref<520x128xf32, #tpu.memory_space<vmem>>[vector<16xi32>, vector<16xi32>], vector<16xf32>,
            %add3A_329 = arith.constant 80 : i32
            %add3A_330 = vector.broadcast %add3A_329 : i32 to vector<16xi32>
            %add3A_331 = arith.addi %iota3A, %add3A_330 : vector<16xi32>
            tpu.vector_store_idx %arg9[%gather3A_111, %add3A_331], %get3A_183 {add = true} : memref<520x128xf32, #tpu.memory_space<vmem>>[vector<16xi32>, vector<16xi32>], vector<16xf32>,
            %add3A_332 = arith.constant 96 : i32
            %add3A_333 = vector.broadcast %add3A_332 : i32 to vector<16xi32>
            %add3A_334 = arith.addi %iota3A, %add3A_333 : vector<16xi32>
            tpu.vector_store_idx %arg9[%gather3A_111, %add3A_334], %get3A_188 {add = true} : memref<520x128xf32, #tpu.memory_space<vmem>>[vector<16xi32>, vector<16xi32>], vector<16xf32>,
            %add3A_335 = arith.constant 112 : i32
            %add3A_336 = vector.broadcast %add3A_335 : i32 to vector<16xi32>
            %add3A_337 = arith.addi %iota3A, %add3A_336 : vector<16xi32>
            tpu.vector_store_idx %arg9[%gather3A_111, %add3A_337], %get3A_193 {add = true} : memref<520x128xf32, #tpu.memory_space<vmem>>[vector<16xi32>, vector<16xi32>], vector<16xf32>,
            %add3A_338 = arith.constant 0 : i32
            %add3A_339 = vector.broadcast %add3A_338 : i32 to vector<16xi32>
            %add3A_340 = arith.addi %iota3A, %add3A_339 : vector<16xi32>
            tpu.vector_store_idx %arg9[%gather3A_125, %add3A_340], %get3A_198 {add = true} : memref<520x128xf32, #tpu.memory_space<vmem>>[vector<16xi32>, vector<16xi32>], vector<16xf32>,
            %add3A_341 = arith.constant 16 : i32
            %add3A_342 = vector.broadcast %add3A_341 : i32 to vector<16xi32>
            %add3A_343 = arith.addi %iota3A, %add3A_342 : vector<16xi32>
            tpu.vector_store_idx %arg9[%gather3A_125, %add3A_343], %get3A_203 {add = true} : memref<520x128xf32, #tpu.memory_space<vmem>>[vector<16xi32>, vector<16xi32>], vector<16xf32>,
            %add3A_344 = arith.constant 32 : i32
            %add3A_345 = vector.broadcast %add3A_344 : i32 to vector<16xi32>
            %add3A_346 = arith.addi %iota3A, %add3A_345 : vector<16xi32>
            tpu.vector_store_idx %arg9[%gather3A_125, %add3A_346], %get3A_208 {add = true} : memref<520x128xf32, #tpu.memory_space<vmem>>[vector<16xi32>, vector<16xi32>], vector<16xf32>,
            %add3A_347 = arith.constant 48 : i32
            %add3A_348 = vector.broadcast %add3A_347 : i32 to vector<16xi32>
            %add3A_349 = arith.addi %iota3A, %add3A_348 : vector<16xi32>
            tpu.vector_store_idx %arg9[%gather3A_125, %add3A_349], %get3A_213 {add = true} : memref<520x128xf32, #tpu.memory_space<vmem>>[vector<16xi32>, vector<16xi32>], vector<16xf32>,
            %add3A_350 = arith.constant 64 : i32
            %add3A_351 = vector.broadcast %add3A_350 : i32 to vector<16xi32>
            %add3A_352 = arith.addi %iota3A, %add3A_351 : vector<16xi32>
            tpu.vector_store_idx %arg9[%gather3A_125, %add3A_352], %get3A_218 {add = true} : memref<520x128xf32, #tpu.memory_space<vmem>>[vector<16xi32>, vector<16xi32>], vector<16xf32>,
            %add3A_353 = arith.constant 80 : i32
            %add3A_354 = vector.broadcast %add3A_353 : i32 to vector<16xi32>
            %add3A_355 = arith.addi %iota3A, %add3A_354 : vector<16xi32>
            tpu.vector_store_idx %arg9[%gather3A_125, %add3A_355], %get3A_223 {add = true} : memref<520x128xf32, #tpu.memory_space<vmem>>[vector<16xi32>, vector<16xi32>], vector<16xf32>,
            %add3A_356 = arith.constant 96 : i32
            %add3A_357 = vector.broadcast %add3A_356 : i32 to vector<16xi32>
            %add3A_358 = arith.addi %iota3A, %add3A_357 : vector<16xi32>
            tpu.vector_store_idx %arg9[%gather3A_125, %add3A_358], %get3A_228 {add = true} : memref<520x128xf32, #tpu.memory_space<vmem>>[vector<16xi32>, vector<16xi32>], vector<16xf32>,
            %add3A_359 = arith.constant 112 : i32
            %add3A_360 = vector.broadcast %add3A_359 : i32 to vector<16xi32>
            %add3A_361 = arith.addi %iota3A, %add3A_360 : vector<16xi32>
            tpu.vector_store_idx %arg9[%gather3A_125, %add3A_361], %get3A_233 {add = true} : memref<520x128xf32, #tpu.memory_space<vmem>>[vector<16xi32>, vector<16xi32>], vector<16xf32>,
            %add3A_362 = arith.constant 0 : i32
            %add3A_363 = vector.broadcast %add3A_362 : i32 to vector<16xi32>
            %add3A_364 = arith.addi %iota3A, %add3A_363 : vector<16xi32>
            tpu.vector_store_idx %arg9[%gather3A_139, %add3A_364], %get3A_238 {add = true} : memref<520x128xf32, #tpu.memory_space<vmem>>[vector<16xi32>, vector<16xi32>], vector<16xf32>,
            %add3A_365 = arith.constant 16 : i32
            %add3A_366 = vector.broadcast %add3A_365 : i32 to vector<16xi32>
            %add3A_367 = arith.addi %iota3A, %add3A_366 : vector<16xi32>
            tpu.vector_store_idx %arg9[%gather3A_139, %add3A_367], %get3A_243 {add = true} : memref<520x128xf32, #tpu.memory_space<vmem>>[vector<16xi32>, vector<16xi32>], vector<16xf32>,
            %add3A_368 = arith.constant 32 : i32
            %add3A_369 = vector.broadcast %add3A_368 : i32 to vector<16xi32>
            %add3A_370 = arith.addi %iota3A, %add3A_369 : vector<16xi32>
            tpu.vector_store_idx %arg9[%gather3A_139, %add3A_370], %get3A_248 {add = true} : memref<520x128xf32, #tpu.memory_space<vmem>>[vector<16xi32>, vector<16xi32>], vector<16xf32>,
            %add3A_371 = arith.constant 48 : i32
            %add3A_372 = vector.broadcast %add3A_371 : i32 to vector<16xi32>
            %add3A_373 = arith.addi %iota3A, %add3A_372 : vector<16xi32>
            tpu.vector_store_idx %arg9[%gather3A_139, %add3A_373], %get3A_253 {add = true} : memref<520x128xf32, #tpu.memory_space<vmem>>[vector<16xi32>, vector<16xi32>], vector<16xf32>,
            %add3A_374 = arith.constant 64 : i32
            %add3A_375 = vector.broadcast %add3A_374 : i32 to vector<16xi32>
            %add3A_376 = arith.addi %iota3A, %add3A_375 : vector<16xi32>
            tpu.vector_store_idx %arg9[%gather3A_139, %add3A_376], %get3A_258 {add = true} : memref<520x128xf32, #tpu.memory_space<vmem>>[vector<16xi32>, vector<16xi32>], vector<16xf32>,
            %add3A_377 = arith.constant 80 : i32
            %add3A_378 = vector.broadcast %add3A_377 : i32 to vector<16xi32>
            %add3A_379 = arith.addi %iota3A, %add3A_378 : vector<16xi32>
            tpu.vector_store_idx %arg9[%gather3A_139, %add3A_379], %get3A_263 {add = true} : memref<520x128xf32, #tpu.memory_space<vmem>>[vector<16xi32>, vector<16xi32>], vector<16xf32>,
            %add3A_380 = arith.constant 96 : i32
            %add3A_381 = vector.broadcast %add3A_380 : i32 to vector<16xi32>
            %add3A_382 = arith.addi %iota3A, %add3A_381 : vector<16xi32>
            tpu.vector_store_idx %arg9[%gather3A_139, %add3A_382], %get3A_268 {add = true} : memref<520x128xf32, #tpu.memory_space<vmem>>[vector<16xi32>, vector<16xi32>], vector<16xf32>,
            %add3A_383 = arith.constant 112 : i32
            %add3A_384 = vector.broadcast %add3A_383 : i32 to vector<16xi32>
            %add3A_385 = arith.addi %iota3A, %add3A_384 : vector<16xi32>
            tpu.vector_store_idx %arg9[%gather3A_139, %add3A_385], %get3A_273 {add = true} : memref<520x128xf32, #tpu.memory_space<vmem>>[vector<16xi32>, vector<16xi32>], vector<16xf32>,
            %add3A_386 = arith.constant 0 : i32
            %add3A_387 = vector.broadcast %add3A_386 : i32 to vector<16xi32>
            %add3A_388 = arith.addi %iota3A, %add3A_387 : vector<16xi32>
            tpu.vector_store_idx %arg9[%gather3A_153, %add3A_388], %get3A_278 {add = true} : memref<520x128xf32, #tpu.memory_space<vmem>>[vector<16xi32>, vector<16xi32>], vector<16xf32>,
            %add3A_389 = arith.constant 16 : i32
            %add3A_390 = vector.broadcast %add3A_389 : i32 to vector<16xi32>
            %add3A_391 = arith.addi %iota3A, %add3A_390 : vector<16xi32>
            tpu.vector_store_idx %arg9[%gather3A_153, %add3A_391], %get3A_283 {add = true} : memref<520x128xf32, #tpu.memory_space<vmem>>[vector<16xi32>, vector<16xi32>], vector<16xf32>,
            %add3A_392 = arith.constant 32 : i32
            %add3A_393 = vector.broadcast %add3A_392 : i32 to vector<16xi32>
            %add3A_394 = arith.addi %iota3A, %add3A_393 : vector<16xi32>
            tpu.vector_store_idx %arg9[%gather3A_153, %add3A_394], %get3A_288 {add = true} : memref<520x128xf32, #tpu.memory_space<vmem>>[vector<16xi32>, vector<16xi32>], vector<16xf32>,
            %add3A_395 = arith.constant 48 : i32
            %add3A_396 = vector.broadcast %add3A_395 : i32 to vector<16xi32>
            %add3A_397 = arith.addi %iota3A, %add3A_396 : vector<16xi32>
            tpu.vector_store_idx %arg9[%gather3A_153, %add3A_397], %get3A_293 {add = true} : memref<520x128xf32, #tpu.memory_space<vmem>>[vector<16xi32>, vector<16xi32>], vector<16xf32>,
            %add3A_398 = arith.constant 64 : i32
            %add3A_399 = vector.broadcast %add3A_398 : i32 to vector<16xi32>
            %add3A_400 = arith.addi %iota3A, %add3A_399 : vector<16xi32>
            tpu.vector_store_idx %arg9[%gather3A_153, %add3A_400], %get3A_298 {add = true} : memref<520x128xf32, #tpu.memory_space<vmem>>[vector<16xi32>, vector<16xi32>], vector<16xf32>,
            %add3A_401 = arith.constant 80 : i32
            %add3A_402 = vector.broadcast %add3A_401 : i32 to vector<16xi32>
            %add3A_403 = arith.addi %iota3A, %add3A_402 : vector<16xi32>
            tpu.vector_store_idx %arg9[%gather3A_153, %add3A_403], %get3A_303 {add = true} : memref<520x128xf32, #tpu.memory_space<vmem>>[vector<16xi32>, vector<16xi32>], vector<16xf32>,
            %add3A_404 = arith.constant 96 : i32
            %add3A_405 = vector.broadcast %add3A_404 : i32 to vector<16xi32>
            %add3A_406 = arith.addi %iota3A, %add3A_405 : vector<16xi32>
            tpu.vector_store_idx %arg9[%gather3A_153, %add3A_406], %get3A_308 {add = true} : memref<520x128xf32, #tpu.memory_space<vmem>>[vector<16xi32>, vector<16xi32>], vector<16xf32>,
            %add3A_407 = arith.constant 112 : i32
            %add3A_408 = vector.broadcast %add3A_407 : i32 to vector<16xi32>
            %add3A_409 = arith.addi %iota3A, %add3A_408 : vector<16xi32>
            tpu.vector_store_idx %arg9[%gather3A_153, %add3A_409], %get3A_313 {add = true} : memref<520x128xf32, #tpu.memory_space<vmem>>[vector<16xi32>, vector<16xi32>], vector<16xf32>,
            %eq3A_410 = arith.constant 0 : i32
            %eq3A_411 = arith.cmpi eq, %arg0, %eq3A_410 : i32
            %select_n3A_412 = arith.select %eq3A_411, %gather3A_111, %gather3A_125 : vector<16xi32>
            %shift_right_logical3A = arith.constant 7 : i32
            %shift_right_logical3A_413 = vector.broadcast %shift_right_logical3A : i32 to vector<16xi32>
            %shift_right_logical3A_414 = arith.shrui %select_n3A_412, %shift_right_logical3A_413 : vector<16xi32>
            %add3A_415 = arith.constant 512 : i32
            %add3A_416 = vector.broadcast %add3A_415 : i32 to vector<16xi32>
            %add3A_417 = arith.addi %add3A_416, %shift_right_logical3A_414 : vector<16xi32>
            %and3A = arith.constant 127 : i32
            %and3A_418 = vector.broadcast %and3A : i32 to vector<16xi32>
            %and3A_419 = arith.andi %select_n3A_412, %and3A_418 : vector<16xi32>
            tpu.vector_store_idx %arg9[%add3A_417, %and3A_419], %broadcast_in_dim3A_4 masked %eq3A_6 {add = true} : memref<520x128xf32, #tpu.memory_space<vmem>>[vector<16xi32>, vector<16xi32>], vector<16xf32>, vector<16xi1>
            %eq3A_420 = arith.constant 0 : i32
            %eq3A_421 = arith.cmpi eq, %arg0, %eq3A_420 : i32
            %select_n3A_422 = arith.select %eq3A_421, %gather3A_139, %gather3A_153 : vector<16xi32>
            %shift_right_logical3A_423 = arith.constant 7 : i32
            %shift_right_logical3A_424 = vector.broadcast %shift_right_logical3A_423 : i32 to vector<16xi32>
            %shift_right_logical3A_425 = arith.shrui %select_n3A_422, %shift_right_logical3A_424 : vector<16xi32>
            %add3A_426 = arith.constant 512 : i32
            %add3A_427 = vector.broadcast %add3A_426 : i32 to vector<16xi32>
            %add3A_428 = arith.addi %add3A_427, %shift_right_logical3A_425 : vector<16xi32>
            %and3A_429 = arith.constant 127 : i32
            %and3A_430 = vector.broadcast %and3A_429 : i32 to vector<16xi32>
            %and3A_431 = arith.andi %select_n3A_422, %and3A_430 : vector<16xi32>
            tpu.vector_store_idx %arg9[%add3A_428, %and3A_431], %broadcast_in_dim3A_4 masked %eq3A_6 {add = true} : memref<520x128xf32, #tpu.memory_space<vmem>>[vector<16xi32>, vector<16xi32>], vector<16xf32>, vector<16xi1>
            %scan3A_432 = arith.constant 0 : i32
            scf.yield %scan3A_432 : i32
          }
          %scan3A_90 = arith.constant 4 : i32
          %scan3A_91 = arith.constant 0 : i32
          scf.yield %scan3A_91 : i32
        }
        %scan3A_77 = arith.constant 8 : i32
      } else {
      }
      %while3A_57 = arith.constant 0 : i32
      scf.yield %while3A_57 : i32
    }
    %eq3A_39 = arith.constant 15 : i32
    %eq3A_40 = arith.cmpi eq, %arg1, %eq3A_39 : i32
    %convert_element_type3A = arith.extui %eq3A_40 : i1 to i32
    %cond3A = arith.constant 0 : i32
    %cond3A_41 = arith.cmpi ne, %convert_element_type3A, %cond3A : i32
    scf.if %cond3A_41 {
      "tpu.region"() ({
        %run_scoped3A = tpu.sem_alloc : memref<!tpu.dma_semaphore, #tpu.memory_space<semaphore_mem>>
        %dma_start3A_49 = arith.constant 0 : i32
        %dma_start3A_50 = arith.constant 0 : i32
        %dma_start3A_51 = tpu.memref_slice %arg5[%dma_start3A_49, %dma_start3A_50] : memref<128x128xf32, #tpu.memory_space<vmem>> -> memref<80x128xf32, #tpu.memory_space<vmem>>
        %dma_start3A_52 = arith.constant 49920 : i32
        %dma_start3A_53 = tpu.memref_slice %arg2[%dma_start3A_52, %mul3A_7] : memref<50000x256xf32, #tpu.memory_space<hbm>> -> memref<80x128xf32, #tpu.memory_space<hbm>>
        %dma_start3A_54 = arith.constant 0 : i32
        %dma_start3A_55 = arith.constant 0 : i32
        %dma_start3A_56 = tpu.memref_slice %arg5[%dma_start3A_54, %dma_start3A_55] : memref<128x128xf32, #tpu.memory_space<vmem>> -> memref<80x128xf32, #tpu.memory_space<vmem>>
        %dma_start3A_57 = arith.constant 49920 : i32
        %dma_start3A_58 = tpu.memref_slice %arg2[%dma_start3A_57, %mul3A_7] : memref<50000x256xf32, #tpu.memory_space<hbm>> -> memref<80x128xf32, #tpu.memory_space<hbm>>
        tpu.enqueue_dma source(%dma_start3A_58 : memref<80x128xf32, #tpu.memory_space<hbm>>) target(%dma_start3A_56 : memref<80x128xf32, #tpu.memory_space<vmem>>) target_semaphore(%run_scoped3A : memref<!tpu.dma_semaphore, #tpu.memory_space<semaphore_mem>>)
        %dma_wait3A = arith.constant 0 : i32
        %dma_wait3A_59 = arith.constant 0 : i32
        %dma_wait3A_60 = tpu.memref_slice %arg5[%dma_wait3A, %dma_wait3A_59] : memref<128x128xf32, #tpu.memory_space<vmem>> -> memref<80x128xf32, #tpu.memory_space<vmem>>
        %dma_wait3A_61 = arith.constant 49920 : i32
        %dma_wait3A_62 = tpu.memref_slice %arg2[%dma_wait3A_61, %mul3A_7] : memref<50000x256xf32, #tpu.memory_space<hbm>> -> memref<80x128xf32, #tpu.memory_space<hbm>>
        %dma_wait3A_63 = arith.constant 0 : i32
        %dma_wait3A_64 = arith.constant 0 : i32
        %dma_wait3A_65 = tpu.memref_slice %arg5[%dma_wait3A_63, %dma_wait3A_64] : memref<128x128xf32, #tpu.memory_space<vmem>> -> memref<80x128xf32, #tpu.memory_space<vmem>>
        %dma_wait3A_66 = arith.constant 49920 : i32
        %dma_wait3A_67 = tpu.memref_slice %arg2[%dma_wait3A_66, %mul3A_7] : memref<50000x256xf32, #tpu.memory_space<hbm>> -> memref<80x128xf32, #tpu.memory_space<hbm>>
        tpu.wait_dma2 semaphore(%run_scoped3A : memref<!tpu.dma_semaphore, #tpu.memory_space<semaphore_mem>>) src(%dma_wait3A_67 : memref<80x128xf32, #tpu.memory_space<hbm>>) dst(%dma_wait3A_65 : memref<80x128xf32, #tpu.memory_space<vmem>>)
        tpu.yield
      }) : () -> ()
      "tpu.region"() ({
        %run_scoped3A = tpu.sem_alloc : memref<!tpu.dma_semaphore, #tpu.memory_space<semaphore_mem>>
        %dma_start3A_49 = arith.constant 0 : i32
        %dma_start3A_50 = tpu.memref_slice %arg6[%dma_start3A_49] : memref<128xi32, #tpu.memory_space<vmem>> -> memref<80xi32, #tpu.memory_space<vmem>>
        %dma_start3A_51 = arith.constant 49920 : i32
        %dma_start3A_52 = tpu.memref_slice %arg3[%dma_start3A_51] : memref<50000xi32, #tpu.memory_space<hbm>> -> memref<80xi32, #tpu.memory_space<hbm>>
        %dma_start3A_53 = arith.constant 0 : i32
        %dma_start3A_54 = tpu.memref_slice %arg6[%dma_start3A_53] : memref<128xi32, #tpu.memory_space<vmem>> -> memref<80xi32, #tpu.memory_space<vmem>>
        %dma_start3A_55 = arith.constant 49920 : i32
        %dma_start3A_56 = tpu.memref_slice %arg3[%dma_start3A_55] : memref<50000xi32, #tpu.memory_space<hbm>> -> memref<80xi32, #tpu.memory_space<hbm>>
        tpu.enqueue_dma source(%dma_start3A_56 : memref<80xi32, #tpu.memory_space<hbm>>) target(%dma_start3A_54 : memref<80xi32, #tpu.memory_space<vmem>>) target_semaphore(%run_scoped3A : memref<!tpu.dma_semaphore, #tpu.memory_space<semaphore_mem>>)
        %dma_wait3A = arith.constant 0 : i32
        %dma_wait3A_57 = tpu.memref_slice %arg6[%dma_wait3A] : memref<128xi32, #tpu.memory_space<vmem>> -> memref<80xi32, #tpu.memory_space<vmem>>
        %dma_wait3A_58 = arith.constant 49920 : i32
        %dma_wait3A_59 = tpu.memref_slice %arg3[%dma_wait3A_58] : memref<50000xi32, #tpu.memory_space<hbm>> -> memref<80xi32, #tpu.memory_space<hbm>>
        %dma_wait3A_60 = arith.constant 0 : i32
        %dma_wait3A_61 = tpu.memref_slice %arg6[%dma_wait3A_60] : memref<128xi32, #tpu.memory_space<vmem>> -> memref<80xi32, #tpu.memory_space<vmem>>
        %dma_wait3A_62 = arith.constant 49920 : i32
        %dma_wait3A_63 = tpu.memref_slice %arg3[%dma_wait3A_62] : memref<50000xi32, #tpu.memory_space<hbm>> -> memref<80xi32, #tpu.memory_space<hbm>>
        tpu.wait_dma2 semaphore(%run_scoped3A : memref<!tpu.dma_semaphore, #tpu.memory_space<semaphore_mem>>) src(%dma_wait3A_63 : memref<80xi32, #tpu.memory_space<hbm>>) dst(%dma_wait3A_61 : memref<80xi32, #tpu.memory_space<vmem>>)
        tpu.yield
      }) : () -> ()
      %scan3A_42 = arith.constant 0 : i32
      %scan3A_43 = arith.constant 0 : i32
      %scan3A_44 = arith.constant 5 : i32
      %scan3A_45 = arith.addi %scan3A_43, %scan3A_44 : i32
      %scan3A_46 = arith.constant 1 : i32
      %scan3A_47 = scf.for %scan3A_49 = %scan3A_43 to %scan3A_45 step %scan3A_46 iter_args(%scan3A_50 = %scan3A_42) -> (i32)  : i32 {
        %mul3A_51 = arith.constant 16 : i32
        %mul3A_52 = arith.muli %scan3A_49, %mul3A_51 : i32
        %multiple_of3A_53 = tpu.assume_multiple %mul3A_52, 16 : i32
        %get3A = arith.index_cast %multiple_of3A_53 : i32 to index
        %get3A_54 = tpu.vector_load %arg6[%get3A] {strides = array<i32>} : memref<128xi32, #tpu.memory_space<vmem>>, vector<16xi32>,
        %scan3A_55 = arith.constant 0 : i32
        %scan3A_56 = arith.constant 0 : i32
        %scan3A_57 = arith.constant 4 : i32
        %scan3A_58 = arith.addi %scan3A_56, %scan3A_57 : i32
        %scan3A_59 = arith.constant 1 : i32
        %scan3A_60 = scf.for %scan3A_63 = %scan3A_56 to %scan3A_58 step %scan3A_59 iter_args(%scan3A_64 = %scan3A_55) -> (i32)  : i32 {
          %mul3A_65 = arith.constant 4 : i32
          %mul3A_66 = arith.muli %scan3A_63, %mul3A_65 : i32
          %mul3A_67 = arith.constant 16 : i32
          %mul3A_68 = arith.muli %scan3A_49, %mul3A_67 : i32
          %add3A_69 = arith.addi %mul3A_68, %mul3A_66 : i32
          %add3A_70 = arith.constant 0 : i32
          %add3A_71 = arith.addi %mul3A_66, %add3A_70 : i32
          %add3A_72 = vector.broadcast %add3A_71 : i32 to vector<16xi32>
          %add3A_73 = arith.addi %broadcast_in_dim3A_0, %add3A_72 : vector<16xi32>
          %lt3A_74 = arith.constant 0 : i32
          %lt3A_75 = vector.broadcast %lt3A_74 : i32 to vector<16xi32>
          %lt3A_76 = arith.cmpi slt, %add3A_73, %lt3A_75 : vector<16xi32>
          %add3A_77 = arith.constant 16 : i32
          %add3A_78 = vector.broadcast %add3A_77 : i32 to vector<16xi32>
          %add3A_79 = arith.addi %add3A_73, %add3A_78 : vector<16xi32>
          %select_n3A_80 = arith.select %lt3A_76, %add3A_79, %add3A_73 : vector<16xi1>, vector<16xi32>
          %broadcast_in_dim3A_81 = vector.shape_cast %select_n3A_80 : vector<16xi32> to vector<16x1xi32>
          %gather3A = vector.shape_cast %broadcast_in_dim3A_81 : vector<16x1xi32> to vector<16xi32>
          %gather3A_82 = tpu.dynamic_gather %get3A_54[%gather3A] in [0] : vector<16xi32>, vector<16xi32> -> vector<16xi32>
          %add3A_83 = arith.constant 1 : i32
          %add3A_84 = arith.addi %mul3A_66, %add3A_83 : i32
          %add3A_85 = vector.broadcast %add3A_84 : i32 to vector<16xi32>
          %add3A_86 = arith.addi %broadcast_in_dim3A_0, %add3A_85 : vector<16xi32>
          %lt3A_87 = arith.constant 0 : i32
          %lt3A_88 = vector.broadcast %lt3A_87 : i32 to vector<16xi32>
          %lt3A_89 = arith.cmpi slt, %add3A_86, %lt3A_88 : vector<16xi32>
          %add3A_90 = arith.constant 16 : i32
          %add3A_91 = vector.broadcast %add3A_90 : i32 to vector<16xi32>
          %add3A_92 = arith.addi %add3A_86, %add3A_91 : vector<16xi32>
          %select_n3A_93 = arith.select %lt3A_89, %add3A_92, %add3A_86 : vector<16xi1>, vector<16xi32>
          %broadcast_in_dim3A_94 = vector.shape_cast %select_n3A_93 : vector<16xi32> to vector<16x1xi32>
          %gather3A_95 = vector.shape_cast %broadcast_in_dim3A_94 : vector<16x1xi32> to vector<16xi32>
          %gather3A_96 = tpu.dynamic_gather %get3A_54[%gather3A_95] in [0] : vector<16xi32>, vector<16xi32> -> vector<16xi32>
          %add3A_97 = arith.constant 2 : i32
          %add3A_98 = arith.addi %mul3A_66, %add3A_97 : i32
          %add3A_99 = vector.broadcast %add3A_98 : i32 to vector<16xi32>
          %add3A_100 = arith.addi %broadcast_in_dim3A_0, %add3A_99 : vector<16xi32>
          %lt3A_101 = arith.constant 0 : i32
          %lt3A_102 = vector.broadcast %lt3A_101 : i32 to vector<16xi32>
          %lt3A_103 = arith.cmpi slt, %add3A_100, %lt3A_102 : vector<16xi32>
          %add3A_104 = arith.constant 16 : i32
          %add3A_105 = vector.broadcast %add3A_104 : i32 to vector<16xi32>
          %add3A_106 = arith.addi %add3A_100, %add3A_105 : vector<16xi32>
          %select_n3A_107 = arith.select %lt3A_103, %add3A_106, %add3A_100 : vector<16xi1>, vector<16xi32>
          %broadcast_in_dim3A_108 = vector.shape_cast %select_n3A_107 : vector<16xi32> to vector<16x1xi32>
          %gather3A_109 = vector.shape_cast %broadcast_in_dim3A_108 : vector<16x1xi32> to vector<16xi32>
          %gather3A_110 = tpu.dynamic_gather %get3A_54[%gather3A_109] in [0] : vector<16xi32>, vector<16xi32> -> vector<16xi32>
          %add3A_111 = arith.constant 3 : i32
          %add3A_112 = arith.addi %mul3A_66, %add3A_111 : i32
          %add3A_113 = vector.broadcast %add3A_112 : i32 to vector<16xi32>
          %add3A_114 = arith.addi %broadcast_in_dim3A_0, %add3A_113 : vector<16xi32>
          %lt3A_115 = arith.constant 0 : i32
          %lt3A_116 = vector.broadcast %lt3A_115 : i32 to vector<16xi32>
          %lt3A_117 = arith.cmpi slt, %add3A_114, %lt3A_116 : vector<16xi32>
          %add3A_118 = arith.constant 16 : i32
          %add3A_119 = vector.broadcast %add3A_118 : i32 to vector<16xi32>
          %add3A_120 = arith.addi %add3A_114, %add3A_119 : vector<16xi32>
          %select_n3A_121 = arith.select %lt3A_117, %add3A_120, %add3A_114 : vector<16xi1>, vector<16xi32>
          %broadcast_in_dim3A_122 = vector.shape_cast %select_n3A_121 : vector<16xi32> to vector<16x1xi32>
          %gather3A_123 = vector.shape_cast %broadcast_in_dim3A_122 : vector<16x1xi32> to vector<16xi32>
          %gather3A_124 = tpu.dynamic_gather %get3A_54[%gather3A_123] in [0] : vector<16xi32>, vector<16xi32> -> vector<16xi32>
          %add3A_125 = arith.constant 0 : i32
          %add3A_126 = arith.addi %add3A_69, %add3A_125 : i32
          %get3A_127 = arith.index_cast %add3A_126 : i32 to index
          %get3A_128 = arith.constant 0 : index
          %get3A_129 = tpu.vector_load %arg5[%get3A_127, %get3A_128] {strides = array<i32>} : memref<128x128xf32, #tpu.memory_space<vmem>>, vector<16xf32>,
          %add3A_130 = arith.constant 0 : i32
          %add3A_131 = arith.addi %add3A_69, %add3A_130 : i32
          %get3A_132 = arith.index_cast %add3A_131 : i32 to index
          %get3A_133 = arith.constant 16 : index
          %get3A_134 = tpu.vector_load %arg5[%get3A_132, %get3A_133] {strides = array<i32>} : memref<128x128xf32, #tpu.memory_space<vmem>>, vector<16xf32>,
          %add3A_135 = arith.constant 0 : i32
          %add3A_136 = arith.addi %add3A_69, %add3A_135 : i32
          %get3A_137 = arith.index_cast %add3A_136 : i32 to index
          %get3A_138 = arith.constant 32 : index
          %get3A_139 = tpu.vector_load %arg5[%get3A_137, %get3A_138] {strides = array<i32>} : memref<128x128xf32, #tpu.memory_space<vmem>>, vector<16xf32>,
          %add3A_140 = arith.constant 0 : i32
          %add3A_141 = arith.addi %add3A_69, %add3A_140 : i32
          %get3A_142 = arith.index_cast %add3A_141 : i32 to index
          %get3A_143 = arith.constant 48 : index
          %get3A_144 = tpu.vector_load %arg5[%get3A_142, %get3A_143] {strides = array<i32>} : memref<128x128xf32, #tpu.memory_space<vmem>>, vector<16xf32>,
          %add3A_145 = arith.constant 0 : i32
          %add3A_146 = arith.addi %add3A_69, %add3A_145 : i32
          %get3A_147 = arith.index_cast %add3A_146 : i32 to index
          %get3A_148 = arith.constant 64 : index
          %get3A_149 = tpu.vector_load %arg5[%get3A_147, %get3A_148] {strides = array<i32>} : memref<128x128xf32, #tpu.memory_space<vmem>>, vector<16xf32>,
          %add3A_150 = arith.constant 0 : i32
          %add3A_151 = arith.addi %add3A_69, %add3A_150 : i32
          %get3A_152 = arith.index_cast %add3A_151 : i32 to index
          %get3A_153 = arith.constant 80 : index
          %get3A_154 = tpu.vector_load %arg5[%get3A_152, %get3A_153] {strides = array<i32>} : memref<128x128xf32, #tpu.memory_space<vmem>>, vector<16xf32>,
          %add3A_155 = arith.constant 0 : i32
          %add3A_156 = arith.addi %add3A_69, %add3A_155 : i32
          %get3A_157 = arith.index_cast %add3A_156 : i32 to index
          %get3A_158 = arith.constant 96 : index
          %get3A_159 = tpu.vector_load %arg5[%get3A_157, %get3A_158] {strides = array<i32>} : memref<128x128xf32, #tpu.memory_space<vmem>>, vector<16xf32>,
          %add3A_160 = arith.constant 0 : i32
          %add3A_161 = arith.addi %add3A_69, %add3A_160 : i32
          %get3A_162 = arith.index_cast %add3A_161 : i32 to index
          %get3A_163 = arith.constant 112 : index
          %get3A_164 = tpu.vector_load %arg5[%get3A_162, %get3A_163] {strides = array<i32>} : memref<128x128xf32, #tpu.memory_space<vmem>>, vector<16xf32>,
          %add3A_165 = arith.constant 1 : i32
          %add3A_166 = arith.addi %add3A_69, %add3A_165 : i32
          %get3A_167 = arith.index_cast %add3A_166 : i32 to index
          %get3A_168 = arith.constant 0 : index
          %get3A_169 = tpu.vector_load %arg5[%get3A_167, %get3A_168] {strides = array<i32>} : memref<128x128xf32, #tpu.memory_space<vmem>>, vector<16xf32>,
          %add3A_170 = arith.constant 1 : i32
          %add3A_171 = arith.addi %add3A_69, %add3A_170 : i32
          %get3A_172 = arith.index_cast %add3A_171 : i32 to index
          %get3A_173 = arith.constant 16 : index
          %get3A_174 = tpu.vector_load %arg5[%get3A_172, %get3A_173] {strides = array<i32>} : memref<128x128xf32, #tpu.memory_space<vmem>>, vector<16xf32>,
          %add3A_175 = arith.constant 1 : i32
          %add3A_176 = arith.addi %add3A_69, %add3A_175 : i32
          %get3A_177 = arith.index_cast %add3A_176 : i32 to index
          %get3A_178 = arith.constant 32 : index
          %get3A_179 = tpu.vector_load %arg5[%get3A_177, %get3A_178] {strides = array<i32>} : memref<128x128xf32, #tpu.memory_space<vmem>>, vector<16xf32>,
          %add3A_180 = arith.constant 1 : i32
          %add3A_181 = arith.addi %add3A_69, %add3A_180 : i32
          %get3A_182 = arith.index_cast %add3A_181 : i32 to index
          %get3A_183 = arith.constant 48 : index
          %get3A_184 = tpu.vector_load %arg5[%get3A_182, %get3A_183] {strides = array<i32>} : memref<128x128xf32, #tpu.memory_space<vmem>>, vector<16xf32>,
          %add3A_185 = arith.constant 1 : i32
          %add3A_186 = arith.addi %add3A_69, %add3A_185 : i32
          %get3A_187 = arith.index_cast %add3A_186 : i32 to index
          %get3A_188 = arith.constant 64 : index
          %get3A_189 = tpu.vector_load %arg5[%get3A_187, %get3A_188] {strides = array<i32>} : memref<128x128xf32, #tpu.memory_space<vmem>>, vector<16xf32>,
          %add3A_190 = arith.constant 1 : i32
          %add3A_191 = arith.addi %add3A_69, %add3A_190 : i32
          %get3A_192 = arith.index_cast %add3A_191 : i32 to index
          %get3A_193 = arith.constant 80 : index
          %get3A_194 = tpu.vector_load %arg5[%get3A_192, %get3A_193] {strides = array<i32>} : memref<128x128xf32, #tpu.memory_space<vmem>>, vector<16xf32>,
          %add3A_195 = arith.constant 1 : i32
          %add3A_196 = arith.addi %add3A_69, %add3A_195 : i32
          %get3A_197 = arith.index_cast %add3A_196 : i32 to index
          %get3A_198 = arith.constant 96 : index
          %get3A_199 = tpu.vector_load %arg5[%get3A_197, %get3A_198] {strides = array<i32>} : memref<128x128xf32, #tpu.memory_space<vmem>>, vector<16xf32>,
          %add3A_200 = arith.constant 1 : i32
          %add3A_201 = arith.addi %add3A_69, %add3A_200 : i32
          %get3A_202 = arith.index_cast %add3A_201 : i32 to index
          %get3A_203 = arith.constant 112 : index
          %get3A_204 = tpu.vector_load %arg5[%get3A_202, %get3A_203] {strides = array<i32>} : memref<128x128xf32, #tpu.memory_space<vmem>>, vector<16xf32>,
          %add3A_205 = arith.constant 2 : i32
          %add3A_206 = arith.addi %add3A_69, %add3A_205 : i32
          %get3A_207 = arith.index_cast %add3A_206 : i32 to index
          %get3A_208 = arith.constant 0 : index
          %get3A_209 = tpu.vector_load %arg5[%get3A_207, %get3A_208] {strides = array<i32>} : memref<128x128xf32, #tpu.memory_space<vmem>>, vector<16xf32>,
          %add3A_210 = arith.constant 2 : i32
          %add3A_211 = arith.addi %add3A_69, %add3A_210 : i32
          %get3A_212 = arith.index_cast %add3A_211 : i32 to index
          %get3A_213 = arith.constant 16 : index
          %get3A_214 = tpu.vector_load %arg5[%get3A_212, %get3A_213] {strides = array<i32>} : memref<128x128xf32, #tpu.memory_space<vmem>>, vector<16xf32>,
          %add3A_215 = arith.constant 2 : i32
          %add3A_216 = arith.addi %add3A_69, %add3A_215 : i32
          %get3A_217 = arith.index_cast %add3A_216 : i32 to index
          %get3A_218 = arith.constant 32 : index
          %get3A_219 = tpu.vector_load %arg5[%get3A_217, %get3A_218] {strides = array<i32>} : memref<128x128xf32, #tpu.memory_space<vmem>>, vector<16xf32>,
          %add3A_220 = arith.constant 2 : i32
          %add3A_221 = arith.addi %add3A_69, %add3A_220 : i32
          %get3A_222 = arith.index_cast %add3A_221 : i32 to index
          %get3A_223 = arith.constant 48 : index
          %get3A_224 = tpu.vector_load %arg5[%get3A_222, %get3A_223] {strides = array<i32>} : memref<128x128xf32, #tpu.memory_space<vmem>>, vector<16xf32>,
          %add3A_225 = arith.constant 2 : i32
          %add3A_226 = arith.addi %add3A_69, %add3A_225 : i32
          %get3A_227 = arith.index_cast %add3A_226 : i32 to index
          %get3A_228 = arith.constant 64 : index
          %get3A_229 = tpu.vector_load %arg5[%get3A_227, %get3A_228] {strides = array<i32>} : memref<128x128xf32, #tpu.memory_space<vmem>>, vector<16xf32>,
          %add3A_230 = arith.constant 2 : i32
          %add3A_231 = arith.addi %add3A_69, %add3A_230 : i32
          %get3A_232 = arith.index_cast %add3A_231 : i32 to index
          %get3A_233 = arith.constant 80 : index
          %get3A_234 = tpu.vector_load %arg5[%get3A_232, %get3A_233] {strides = array<i32>} : memref<128x128xf32, #tpu.memory_space<vmem>>, vector<16xf32>,
          %add3A_235 = arith.constant 2 : i32
          %add3A_236 = arith.addi %add3A_69, %add3A_235 : i32
          %get3A_237 = arith.index_cast %add3A_236 : i32 to index
          %get3A_238 = arith.constant 96 : index
          %get3A_239 = tpu.vector_load %arg5[%get3A_237, %get3A_238] {strides = array<i32>} : memref<128x128xf32, #tpu.memory_space<vmem>>, vector<16xf32>,
          %add3A_240 = arith.constant 2 : i32
          %add3A_241 = arith.addi %add3A_69, %add3A_240 : i32
          %get3A_242 = arith.index_cast %add3A_241 : i32 to index
          %get3A_243 = arith.constant 112 : index
          %get3A_244 = tpu.vector_load %arg5[%get3A_242, %get3A_243] {strides = array<i32>} : memref<128x128xf32, #tpu.memory_space<vmem>>, vector<16xf32>,
          %add3A_245 = arith.constant 3 : i32
          %add3A_246 = arith.addi %add3A_69, %add3A_245 : i32
          %get3A_247 = arith.index_cast %add3A_246 : i32 to index
          %get3A_248 = arith.constant 0 : index
          %get3A_249 = tpu.vector_load %arg5[%get3A_247, %get3A_248] {strides = array<i32>} : memref<128x128xf32, #tpu.memory_space<vmem>>, vector<16xf32>,
          %add3A_250 = arith.constant 3 : i32
          %add3A_251 = arith.addi %add3A_69, %add3A_250 : i32
          %get3A_252 = arith.index_cast %add3A_251 : i32 to index
          %get3A_253 = arith.constant 16 : index
          %get3A_254 = tpu.vector_load %arg5[%get3A_252, %get3A_253] {strides = array<i32>} : memref<128x128xf32, #tpu.memory_space<vmem>>, vector<16xf32>,
          %add3A_255 = arith.constant 3 : i32
          %add3A_256 = arith.addi %add3A_69, %add3A_255 : i32
          %get3A_257 = arith.index_cast %add3A_256 : i32 to index
          %get3A_258 = arith.constant 32 : index
          %get3A_259 = tpu.vector_load %arg5[%get3A_257, %get3A_258] {strides = array<i32>} : memref<128x128xf32, #tpu.memory_space<vmem>>, vector<16xf32>,
          %add3A_260 = arith.constant 3 : i32
          %add3A_261 = arith.addi %add3A_69, %add3A_260 : i32
          %get3A_262 = arith.index_cast %add3A_261 : i32 to index
          %get3A_263 = arith.constant 48 : index
          %get3A_264 = tpu.vector_load %arg5[%get3A_262, %get3A_263] {strides = array<i32>} : memref<128x128xf32, #tpu.memory_space<vmem>>, vector<16xf32>,
          %add3A_265 = arith.constant 3 : i32
          %add3A_266 = arith.addi %add3A_69, %add3A_265 : i32
          %get3A_267 = arith.index_cast %add3A_266 : i32 to index
          %get3A_268 = arith.constant 64 : index
          %get3A_269 = tpu.vector_load %arg5[%get3A_267, %get3A_268] {strides = array<i32>} : memref<128x128xf32, #tpu.memory_space<vmem>>, vector<16xf32>,
          %add3A_270 = arith.constant 3 : i32
          %add3A_271 = arith.addi %add3A_69, %add3A_270 : i32
          %get3A_272 = arith.index_cast %add3A_271 : i32 to index
          %get3A_273 = arith.constant 80 : index
          %get3A_274 = tpu.vector_load %arg5[%get3A_272, %get3A_273] {strides = array<i32>} : memref<128x128xf32, #tpu.memory_space<vmem>>, vector<16xf32>,
          %add3A_275 = arith.constant 3 : i32
          %add3A_276 = arith.addi %add3A_69, %add3A_275 : i32
          %get3A_277 = arith.index_cast %add3A_276 : i32 to index
          %get3A_278 = arith.constant 96 : index
          %get3A_279 = tpu.vector_load %arg5[%get3A_277, %get3A_278] {strides = array<i32>} : memref<128x128xf32, #tpu.memory_space<vmem>>, vector<16xf32>,
          %add3A_280 = arith.constant 3 : i32
          %add3A_281 = arith.addi %add3A_69, %add3A_280 : i32
          %get3A_282 = arith.index_cast %add3A_281 : i32 to index
          %get3A_283 = arith.constant 112 : index
          %get3A_284 = tpu.vector_load %arg5[%get3A_282, %get3A_283] {strides = array<i32>} : memref<128x128xf32, #tpu.memory_space<vmem>>, vector<16xf32>,
          %add3A_285 = arith.constant 0 : i32
          %add3A_286 = vector.broadcast %add3A_285 : i32 to vector<16xi32>
          %add3A_287 = arith.addi %iota3A, %add3A_286 : vector<16xi32>
          tpu.vector_store_idx %arg9[%gather3A_82, %add3A_287], %get3A_129 {add = true} : memref<520x128xf32, #tpu.memory_space<vmem>>[vector<16xi32>, vector<16xi32>], vector<16xf32>,
          %add3A_288 = arith.constant 16 : i32
          %add3A_289 = vector.broadcast %add3A_288 : i32 to vector<16xi32>
          %add3A_290 = arith.addi %iota3A, %add3A_289 : vector<16xi32>
          tpu.vector_store_idx %arg9[%gather3A_82, %add3A_290], %get3A_134 {add = true} : memref<520x128xf32, #tpu.memory_space<vmem>>[vector<16xi32>, vector<16xi32>], vector<16xf32>,
          %add3A_291 = arith.constant 32 : i32
          %add3A_292 = vector.broadcast %add3A_291 : i32 to vector<16xi32>
          %add3A_293 = arith.addi %iota3A, %add3A_292 : vector<16xi32>
          tpu.vector_store_idx %arg9[%gather3A_82, %add3A_293], %get3A_139 {add = true} : memref<520x128xf32, #tpu.memory_space<vmem>>[vector<16xi32>, vector<16xi32>], vector<16xf32>,
          %add3A_294 = arith.constant 48 : i32
          %add3A_295 = vector.broadcast %add3A_294 : i32 to vector<16xi32>
          %add3A_296 = arith.addi %iota3A, %add3A_295 : vector<16xi32>
          tpu.vector_store_idx %arg9[%gather3A_82, %add3A_296], %get3A_144 {add = true} : memref<520x128xf32, #tpu.memory_space<vmem>>[vector<16xi32>, vector<16xi32>], vector<16xf32>,
          %add3A_297 = arith.constant 64 : i32
          %add3A_298 = vector.broadcast %add3A_297 : i32 to vector<16xi32>
          %add3A_299 = arith.addi %iota3A, %add3A_298 : vector<16xi32>
          tpu.vector_store_idx %arg9[%gather3A_82, %add3A_299], %get3A_149 {add = true} : memref<520x128xf32, #tpu.memory_space<vmem>>[vector<16xi32>, vector<16xi32>], vector<16xf32>,
          %add3A_300 = arith.constant 80 : i32
          %add3A_301 = vector.broadcast %add3A_300 : i32 to vector<16xi32>
          %add3A_302 = arith.addi %iota3A, %add3A_301 : vector<16xi32>
          tpu.vector_store_idx %arg9[%gather3A_82, %add3A_302], %get3A_154 {add = true} : memref<520x128xf32, #tpu.memory_space<vmem>>[vector<16xi32>, vector<16xi32>], vector<16xf32>,
          %add3A_303 = arith.constant 96 : i32
          %add3A_304 = vector.broadcast %add3A_303 : i32 to vector<16xi32>
          %add3A_305 = arith.addi %iota3A, %add3A_304 : vector<16xi32>
          tpu.vector_store_idx %arg9[%gather3A_82, %add3A_305], %get3A_159 {add = true} : memref<520x128xf32, #tpu.memory_space<vmem>>[vector<16xi32>, vector<16xi32>], vector<16xf32>,
          %add3A_306 = arith.constant 112 : i32
          %add3A_307 = vector.broadcast %add3A_306 : i32 to vector<16xi32>
          %add3A_308 = arith.addi %iota3A, %add3A_307 : vector<16xi32>
          tpu.vector_store_idx %arg9[%gather3A_82, %add3A_308], %get3A_164 {add = true} : memref<520x128xf32, #tpu.memory_space<vmem>>[vector<16xi32>, vector<16xi32>], vector<16xf32>,
          %add3A_309 = arith.constant 0 : i32
          %add3A_310 = vector.broadcast %add3A_309 : i32 to vector<16xi32>
          %add3A_311 = arith.addi %iota3A, %add3A_310 : vector<16xi32>
          tpu.vector_store_idx %arg9[%gather3A_96, %add3A_311], %get3A_169 {add = true} : memref<520x128xf32, #tpu.memory_space<vmem>>[vector<16xi32>, vector<16xi32>], vector<16xf32>,
          %add3A_312 = arith.constant 16 : i32
          %add3A_313 = vector.broadcast %add3A_312 : i32 to vector<16xi32>
          %add3A_314 = arith.addi %iota3A, %add3A_313 : vector<16xi32>
          tpu.vector_store_idx %arg9[%gather3A_96, %add3A_314], %get3A_174 {add = true} : memref<520x128xf32, #tpu.memory_space<vmem>>[vector<16xi32>, vector<16xi32>], vector<16xf32>,
          %add3A_315 = arith.constant 32 : i32
          %add3A_316 = vector.broadcast %add3A_315 : i32 to vector<16xi32>
          %add3A_317 = arith.addi %iota3A, %add3A_316 : vector<16xi32>
          tpu.vector_store_idx %arg9[%gather3A_96, %add3A_317], %get3A_179 {add = true} : memref<520x128xf32, #tpu.memory_space<vmem>>[vector<16xi32>, vector<16xi32>], vector<16xf32>,
          %add3A_318 = arith.constant 48 : i32
          %add3A_319 = vector.broadcast %add3A_318 : i32 to vector<16xi32>
          %add3A_320 = arith.addi %iota3A, %add3A_319 : vector<16xi32>
          tpu.vector_store_idx %arg9[%gather3A_96, %add3A_320], %get3A_184 {add = true} : memref<520x128xf32, #tpu.memory_space<vmem>>[vector<16xi32>, vector<16xi32>], vector<16xf32>,
          %add3A_321 = arith.constant 64 : i32
          %add3A_322 = vector.broadcast %add3A_321 : i32 to vector<16xi32>
          %add3A_323 = arith.addi %iota3A, %add3A_322 : vector<16xi32>
          tpu.vector_store_idx %arg9[%gather3A_96, %add3A_323], %get3A_189 {add = true} : memref<520x128xf32, #tpu.memory_space<vmem>>[vector<16xi32>, vector<16xi32>], vector<16xf32>,
          %add3A_324 = arith.constant 80 : i32
          %add3A_325 = vector.broadcast %add3A_324 : i32 to vector<16xi32>
          %add3A_326 = arith.addi %iota3A, %add3A_325 : vector<16xi32>
          tpu.vector_store_idx %arg9[%gather3A_96, %add3A_326], %get3A_194 {add = true} : memref<520x128xf32, #tpu.memory_space<vmem>>[vector<16xi32>, vector<16xi32>], vector<16xf32>,
          %add3A_327 = arith.constant 96 : i32
          %add3A_328 = vector.broadcast %add3A_327 : i32 to vector<16xi32>
          %add3A_329 = arith.addi %iota3A, %add3A_328 : vector<16xi32>
          tpu.vector_store_idx %arg9[%gather3A_96, %add3A_329], %get3A_199 {add = true} : memref<520x128xf32, #tpu.memory_space<vmem>>[vector<16xi32>, vector<16xi32>], vector<16xf32>,
          %add3A_330 = arith.constant 112 : i32
          %add3A_331 = vector.broadcast %add3A_330 : i32 to vector<16xi32>
          %add3A_332 = arith.addi %iota3A, %add3A_331 : vector<16xi32>
          tpu.vector_store_idx %arg9[%gather3A_96, %add3A_332], %get3A_204 {add = true} : memref<520x128xf32, #tpu.memory_space<vmem>>[vector<16xi32>, vector<16xi32>], vector<16xf32>,
          %add3A_333 = arith.constant 0 : i32
          %add3A_334 = vector.broadcast %add3A_333 : i32 to vector<16xi32>
          %add3A_335 = arith.addi %iota3A, %add3A_334 : vector<16xi32>
          tpu.vector_store_idx %arg9[%gather3A_110, %add3A_335], %get3A_209 {add = true} : memref<520x128xf32, #tpu.memory_space<vmem>>[vector<16xi32>, vector<16xi32>], vector<16xf32>,
          %add3A_336 = arith.constant 16 : i32
          %add3A_337 = vector.broadcast %add3A_336 : i32 to vector<16xi32>
          %add3A_338 = arith.addi %iota3A, %add3A_337 : vector<16xi32>
          tpu.vector_store_idx %arg9[%gather3A_110, %add3A_338], %get3A_214 {add = true} : memref<520x128xf32, #tpu.memory_space<vmem>>[vector<16xi32>, vector<16xi32>], vector<16xf32>,
          %add3A_339 = arith.constant 32 : i32
          %add3A_340 = vector.broadcast %add3A_339 : i32 to vector<16xi32>
          %add3A_341 = arith.addi %iota3A, %add3A_340 : vector<16xi32>
          tpu.vector_store_idx %arg9[%gather3A_110, %add3A_341], %get3A_219 {add = true} : memref<520x128xf32, #tpu.memory_space<vmem>>[vector<16xi32>, vector<16xi32>], vector<16xf32>,
          %add3A_342 = arith.constant 48 : i32
          %add3A_343 = vector.broadcast %add3A_342 : i32 to vector<16xi32>
          %add3A_344 = arith.addi %iota3A, %add3A_343 : vector<16xi32>
          tpu.vector_store_idx %arg9[%gather3A_110, %add3A_344], %get3A_224 {add = true} : memref<520x128xf32, #tpu.memory_space<vmem>>[vector<16xi32>, vector<16xi32>], vector<16xf32>,
          %add3A_345 = arith.constant 64 : i32
          %add3A_346 = vector.broadcast %add3A_345 : i32 to vector<16xi32>
          %add3A_347 = arith.addi %iota3A, %add3A_346 : vector<16xi32>
          tpu.vector_store_idx %arg9[%gather3A_110, %add3A_347], %get3A_229 {add = true} : memref<520x128xf32, #tpu.memory_space<vmem>>[vector<16xi32>, vector<16xi32>], vector<16xf32>,
          %add3A_348 = arith.constant 80 : i32
          %add3A_349 = vector.broadcast %add3A_348 : i32 to vector<16xi32>
          %add3A_350 = arith.addi %iota3A, %add3A_349 : vector<16xi32>
          tpu.vector_store_idx %arg9[%gather3A_110, %add3A_350], %get3A_234 {add = true} : memref<520x128xf32, #tpu.memory_space<vmem>>[vector<16xi32>, vector<16xi32>], vector<16xf32>,
          %add3A_351 = arith.constant 96 : i32
          %add3A_352 = vector.broadcast %add3A_351 : i32 to vector<16xi32>
          %add3A_353 = arith.addi %iota3A, %add3A_352 : vector<16xi32>
          tpu.vector_store_idx %arg9[%gather3A_110, %add3A_353], %get3A_239 {add = true} : memref<520x128xf32, #tpu.memory_space<vmem>>[vector<16xi32>, vector<16xi32>], vector<16xf32>,
          %add3A_354 = arith.constant 112 : i32
          %add3A_355 = vector.broadcast %add3A_354 : i32 to vector<16xi32>
          %add3A_356 = arith.addi %iota3A, %add3A_355 : vector<16xi32>
          tpu.vector_store_idx %arg9[%gather3A_110, %add3A_356], %get3A_244 {add = true} : memref<520x128xf32, #tpu.memory_space<vmem>>[vector<16xi32>, vector<16xi32>], vector<16xf32>,
          %add3A_357 = arith.constant 0 : i32
          %add3A_358 = vector.broadcast %add3A_357 : i32 to vector<16xi32>
          %add3A_359 = arith.addi %iota3A, %add3A_358 : vector<16xi32>
          tpu.vector_store_idx %arg9[%gather3A_124, %add3A_359], %get3A_249 {add = true} : memref<520x128xf32, #tpu.memory_space<vmem>>[vector<16xi32>, vector<16xi32>], vector<16xf32>,
          %add3A_360 = arith.constant 16 : i32
          %add3A_361 = vector.broadcast %add3A_360 : i32 to vector<16xi32>
          %add3A_362 = arith.addi %iota3A, %add3A_361 : vector<16xi32>
          tpu.vector_store_idx %arg9[%gather3A_124, %add3A_362], %get3A_254 {add = true} : memref<520x128xf32, #tpu.memory_space<vmem>>[vector<16xi32>, vector<16xi32>], vector<16xf32>,
          %add3A_363 = arith.constant 32 : i32
          %add3A_364 = vector.broadcast %add3A_363 : i32 to vector<16xi32>
          %add3A_365 = arith.addi %iota3A, %add3A_364 : vector<16xi32>
          tpu.vector_store_idx %arg9[%gather3A_124, %add3A_365], %get3A_259 {add = true} : memref<520x128xf32, #tpu.memory_space<vmem>>[vector<16xi32>, vector<16xi32>], vector<16xf32>,
          %add3A_366 = arith.constant 48 : i32
          %add3A_367 = vector.broadcast %add3A_366 : i32 to vector<16xi32>
          %add3A_368 = arith.addi %iota3A, %add3A_367 : vector<16xi32>
          tpu.vector_store_idx %arg9[%gather3A_124, %add3A_368], %get3A_264 {add = true} : memref<520x128xf32, #tpu.memory_space<vmem>>[vector<16xi32>, vector<16xi32>], vector<16xf32>,
          %add3A_369 = arith.constant 64 : i32
          %add3A_370 = vector.broadcast %add3A_369 : i32 to vector<16xi32>
          %add3A_371 = arith.addi %iota3A, %add3A_370 : vector<16xi32>
          tpu.vector_store_idx %arg9[%gather3A_124, %add3A_371], %get3A_269 {add = true} : memref<520x128xf32, #tpu.memory_space<vmem>>[vector<16xi32>, vector<16xi32>], vector<16xf32>,
          %add3A_372 = arith.constant 80 : i32
          %add3A_373 = vector.broadcast %add3A_372 : i32 to vector<16xi32>
          %add3A_374 = arith.addi %iota3A, %add3A_373 : vector<16xi32>
          tpu.vector_store_idx %arg9[%gather3A_124, %add3A_374], %get3A_274 {add = true} : memref<520x128xf32, #tpu.memory_space<vmem>>[vector<16xi32>, vector<16xi32>], vector<16xf32>,
          %add3A_375 = arith.constant 96 : i32
          %add3A_376 = vector.broadcast %add3A_375 : i32 to vector<16xi32>
          %add3A_377 = arith.addi %iota3A, %add3A_376 : vector<16xi32>
          tpu.vector_store_idx %arg9[%gather3A_124, %add3A_377], %get3A_279 {add = true} : memref<520x128xf32, #tpu.memory_space<vmem>>[vector<16xi32>, vector<16xi32>], vector<16xf32>,
          %add3A_378 = arith.constant 112 : i32
          %add3A_379 = vector.broadcast %add3A_378 : i32 to vector<16xi32>
          %add3A_380 = arith.addi %iota3A, %add3A_379 : vector<16xi32>
          tpu.vector_store_idx %arg9[%gather3A_124, %add3A_380], %get3A_284 {add = true} : memref<520x128xf32, #tpu.memory_space<vmem>>[vector<16xi32>, vector<16xi32>], vector<16xf32>,
          %eq3A_381 = arith.constant 0 : i32
          %eq3A_382 = arith.cmpi eq, %arg0, %eq3A_381 : i32
          %select_n3A_383 = arith.select %eq3A_382, %gather3A_82, %gather3A_96 : vector<16xi32>
          %shift_right_logical3A = arith.constant 7 : i32
          %shift_right_logical3A_384 = vector.broadcast %shift_right_logical3A : i32 to vector<16xi32>
          %shift_right_logical3A_385 = arith.shrui %select_n3A_383, %shift_right_logical3A_384 : vector<16xi32>
          %add3A_386 = arith.constant 512 : i32
          %add3A_387 = vector.broadcast %add3A_386 : i32 to vector<16xi32>
          %add3A_388 = arith.addi %add3A_387, %shift_right_logical3A_385 : vector<16xi32>
          %and3A = arith.constant 127 : i32
          %and3A_389 = vector.broadcast %and3A : i32 to vector<16xi32>
          %and3A_390 = arith.andi %select_n3A_383, %and3A_389 : vector<16xi32>
          tpu.vector_store_idx %arg9[%add3A_388, %and3A_390], %broadcast_in_dim3A_4 masked %eq3A_6 {add = true} : memref<520x128xf32, #tpu.memory_space<vmem>>[vector<16xi32>, vector<16xi32>], vector<16xf32>, vector<16xi1>
          %eq3A_391 = arith.constant 0 : i32
          %eq3A_392 = arith.cmpi eq, %arg0, %eq3A_391 : i32
          %select_n3A_393 = arith.select %eq3A_392, %gather3A_110, %gather3A_124 : vector<16xi32>
          %shift_right_logical3A_394 = arith.constant 7 : i32
          %shift_right_logical3A_395 = vector.broadcast %shift_right_logical3A_394 : i32 to vector<16xi32>
          %shift_right_logical3A_396 = arith.shrui %select_n3A_393, %shift_right_logical3A_395 : vector<16xi32>
          %add3A_397 = arith.constant 512 : i32
          %add3A_398 = vector.broadcast %add3A_397 : i32 to vector<16xi32>
          %add3A_399 = arith.addi %add3A_398, %shift_right_logical3A_396 : vector<16xi32>
          %and3A_400 = arith.constant 127 : i32
          %and3A_401 = vector.broadcast %and3A_400 : i32 to vector<16xi32>
          %and3A_402 = arith.andi %select_n3A_393, %and3A_401 : vector<16xi32>
          tpu.vector_store_idx %arg9[%add3A_399, %and3A_402], %broadcast_in_dim3A_4 masked %eq3A_6 {add = true} : memref<520x128xf32, #tpu.memory_space<vmem>>[vector<16xi32>, vector<16xi32>], vector<16xf32>, vector<16xi1>
          %scan3A_403 = arith.constant 0 : i32
          scf.yield %scan3A_403 : i32
        }
        %scan3A_61 = arith.constant 4 : i32
        %scan3A_62 = arith.constant 0 : i32
        scf.yield %scan3A_62 : i32
      }
      %scan3A_48 = arith.constant 5 : i32
    } else {
    }
    "tpu.region"() ({
      %run_scoped3A = tpu.sem_alloc : memref<!tpu.dma_semaphore, #tpu.memory_space<semaphore_mem>>
      %dma_start3A_42 = arith.constant 0 : i32
      %dma_start3A_43 = arith.constant 0 : i32
      %dma_start3A_44 = tpu.memref_slice %arg4[%arg1, %dma_start3A_42, %dma_start3A_43] : memref<16x520x256xf32, #tpu.memory_space<hbm>> -> memref<1x520x256xf32, #tpu.memory_space<hbm>>
      %dma_start3A_45 = tpu.memref_squeeze %dma_start3A_44 : memref<1x520x256xf32, #tpu.memory_space<hbm>> -> memref<520x256xf32, #tpu.memory_space<hbm>>
      %dma_start3A_46 = arith.constant 0 : i32
      %dma_start3A_47 = tpu.memref_slice %dma_start3A_45[%dma_start3A_46, %mul3A_7] : memref<520x256xf32, #tpu.memory_space<hbm>> -> memref<520x128xf32, #tpu.memory_space<hbm>>
      %dma_start3A_48 = arith.constant 0 : i32
      %dma_start3A_49 = arith.constant 0 : i32
      %dma_start3A_50 = tpu.memref_slice %arg4[%arg1, %dma_start3A_48, %dma_start3A_49] : memref<16x520x256xf32, #tpu.memory_space<hbm>> -> memref<1x520x256xf32, #tpu.memory_space<hbm>>
      %dma_start3A_51 = tpu.memref_squeeze %dma_start3A_50 : memref<1x520x256xf32, #tpu.memory_space<hbm>> -> memref<520x256xf32, #tpu.memory_space<hbm>>
      %dma_start3A_52 = arith.constant 0 : i32
      %dma_start3A_53 = tpu.memref_slice %dma_start3A_51[%dma_start3A_52, %mul3A_7] : memref<520x256xf32, #tpu.memory_space<hbm>> -> memref<520x128xf32, #tpu.memory_space<hbm>>
      tpu.enqueue_dma source(%arg9 : memref<520x128xf32, #tpu.memory_space<vmem>>) target(%dma_start3A_53 : memref<520x128xf32, #tpu.memory_space<hbm>>) target_semaphore(%run_scoped3A : memref<!tpu.dma_semaphore, #tpu.memory_space<semaphore_mem>>)
      %dma_wait3A = arith.constant 0 : i32
      %dma_wait3A_54 = arith.constant 0 : i32
      %dma_wait3A_55 = tpu.memref_slice %arg4[%arg1, %dma_wait3A, %dma_wait3A_54] : memref<16x520x256xf32, #tpu.memory_space<hbm>> -> memref<1x520x256xf32, #tpu.memory_space<hbm>>
      %dma_wait3A_56 = tpu.memref_squeeze %dma_wait3A_55 : memref<1x520x256xf32, #tpu.memory_space<hbm>> -> memref<520x256xf32, #tpu.memory_space<hbm>>
      %dma_wait3A_57 = arith.constant 0 : i32
      %dma_wait3A_58 = tpu.memref_slice %dma_wait3A_56[%dma_wait3A_57, %mul3A_7] : memref<520x256xf32, #tpu.memory_space<hbm>> -> memref<520x128xf32, #tpu.memory_space<hbm>>
      %dma_wait3A_59 = arith.constant 0 : i32
      %dma_wait3A_60 = arith.constant 0 : i32
      %dma_wait3A_61 = tpu.memref_slice %arg4[%arg1, %dma_wait3A_59, %dma_wait3A_60] : memref<16x520x256xf32, #tpu.memory_space<hbm>> -> memref<1x520x256xf32, #tpu.memory_space<hbm>>
      %dma_wait3A_62 = tpu.memref_squeeze %dma_wait3A_61 : memref<1x520x256xf32, #tpu.memory_space<hbm>> -> memref<520x256xf32, #tpu.memory_space<hbm>>
      %dma_wait3A_63 = arith.constant 0 : i32
      %dma_wait3A_64 = tpu.memref_slice %dma_wait3A_62[%dma_wait3A_63, %mul3A_7] : memref<520x256xf32, #tpu.memory_space<hbm>> -> memref<520x128xf32, #tpu.memory_space<hbm>>
      tpu.wait_dma2 semaphore(%run_scoped3A : memref<!tpu.dma_semaphore, #tpu.memory_space<semaphore_mem>>) src(%arg9 : memref<520x128xf32, #tpu.memory_space<vmem>>) dst(%dma_wait3A_64 : memref<520x128xf32, #tpu.memory_space<hbm>>)
      tpu.yield
    }) : () -> ()
    return
  }
}

module attributes {stable_mosaic.version = 14 : i64} {
  func.func @_combine_body(%arg0: memref<16x520x256xf32, #tpu.memory_space<vmem>>, %arg1: memref<16x512x1xf32, #tpu.memory_space<vmem>>, %arg2: memref<512x256xf32, #tpu.memory_space<vmem>>) attributes {dimension_semantics = [], scalar_prefetch = 0 : i64, scratch_operands = 0 : i64, tpu.core_type = #tpu.core_type<tc>} {
    %get3A = arith.constant 0 : index
    %get3A_0 = arith.constant 0 : index
    %get3A_1 = arith.constant 0 : index
    %get3A_2 = vector.load %arg0[%get3A, %get3A_0, %get3A_1] : memref<16x520x256xf32, #tpu.memory_space<vmem>>, vector<16x520x256xf32>
    %reduce_sum3A = arith.constant dense<0.000000e+00> : vector<520x256xf32>
    %reduce_sum3A_3 = vector.multi_reduction <add>, %get3A_2, %reduce_sum3A [0] : vector<16x520x256xf32> to vector<520x256xf32>
    %slice3A = vector.extract_strided_slice %reduce_sum3A_3 {offsets = [0, 0], sizes = [512, 256], strides = [1, 1]} : vector<520x256xf32> to vector<512x256xf32>
    %get3A_4 = arith.constant 0 : index
    %get3A_5 = arith.constant 0 : index
    %get3A_6 = arith.constant 0 : index
    %get3A_7 = vector.load %arg1[%get3A_4, %get3A_5, %get3A_6] : memref<16x512x1xf32, #tpu.memory_space<vmem>>, vector<16x512x1xf32>
    %reduce_sum3A_8 = arith.constant dense<0.000000e+00> : vector<512x1xf32>
    %reduce_sum3A_9 = vector.multi_reduction <add>, %get3A_7, %reduce_sum3A_8 [0] : vector<16x512x1xf32> to vector<512x1xf32>
    %max3A = arith.constant 1.000000e+00 : f32
    %max3A_10 = vector.broadcast %max3A : f32 to vector<512x1xf32>
    %max3A_11 = arith.maximumf %reduce_sum3A_9, %max3A_10 : vector<512x1xf32>
    %div3A = vector.broadcast %max3A_11 : vector<512x1xf32> to vector<512x256xf32>
    %div3A_12 = arith.divf %slice3A, %div3A : vector<512x256xf32>
    %swap3A = arith.constant 0 : index
    %swap3A_13 = arith.constant 0 : index
    %swap3A_14 = vector.load %arg2[%swap3A, %swap3A_13] : memref<512x256xf32, #tpu.memory_space<vmem>>, vector<512x256xf32>
    tpu.vector_store %arg2[%swap3A, %swap3A_13], %div3A_12 {strides = array<i32>} : memref<512x256xf32, #tpu.memory_space<vmem>>, vector<512x256xf32>,
    return
  }
}

</mosaic_0001>

<sc_bundles>
// kernel: kernel.4.cloned.1.call-start
scs
__scs_entry_jumppad:
0x0: {  	(pc) =	sbr.rel $0x88, $3  }
0x1: {  	(tag) =	ssettag $0x0;
	lr =	simm.s32 $0x1  }
0x2: {  	[smem:$0x3F9F] =	sst lr;
	_ =	strace $0xD0000000  }
0x3: {  	_ = 	snop  }
0x4: {  	_ = 	snop  }
0x5: {  	_ = 	snop  }
0x6: {  	_ = 	snop  }
0x7: {  	_ = 	snop  }
__scs_overlays_trampoline_lowered:
0x8: {  	[smem:$0x3FAE] =	sst s0  }
0x9: {  	[smem:$0x3FAF] =	sst s1  }
0xa: {  	[smem:$0x3FB0] =	sst s2  }
0xb: {  	[smem:$0x3FB1] =	sst s3  }
0xc: {  	[smem:$0x3FB2] =	sst s4  }
0xd: {  	[smem:$0x3FB3] =	sst s5  }
0xe: {  	[smem:$0x3FB4] =	sst s6  }
0xf: {  	[smem:$0x3FB5] =	sst s7  }
0x10: {  	[smem:$0x3FB6] =	sst s8  }
0x11: {  	[smem:$0x3FB7] =	sst s9;
	s0 =	simm.s32 @!p0 $0x0  }
0x12: {  	s1 =	sld [smem:$0x3F9D];
	s0 =	simm.s32 @p0 $0x1  }
0x13: {  	[smem:$0x3FB8] =	sst s0;
	s0 =	simm.s32 @!p1 $0x0  }
0x14: {  	s2 =	sld [smem:$0x3F9C];
	s0 =	simm.s32 @p1 $0x1  }
0x15: {  	[smem:$0x3FB9] =	sst s0;
	s0 =	simm.s32 @!p2 $0x0  }
0x16: {  	s3 =	sld [smem:$0x3FDB];
	s0 =	simm.s32 @p2 $0x1  }
0x17: {  	s4 =	simm.s32 $0x1BF5;
	[smem:$0x3FBB] =	sst s0  }
0x18: {  	s0 =	sld [smem:$0x3F9E];
	_ =	swait.ge [sflag:s4], $0x0  }
0x19: {  	s7 =	sld [smem:$0x3F9F]  }
0x1a: {  	s8 =	sadd.s32 $0xFFFFE003, lr  }
0x1b: {  	s9 =	sadd.s32 $0xFFFFFEF7, lr;
	s5 =	simm.s32 $0xFFFFFFFF;
	p2 =	slt.u32 s8, $0xFFFFF086  }
0x1c: {  	p1 =	slt.u32 s9, $0xF7A;
	s5 =	simm.s32 @!p2 $0x0  }
0x1d: {  	s5 =	simm.s32 @p1 $0x1;
	p0 =	seq.s32 s7, s2  }
0x1e: {  	s7 =	smul.u32 @!p0 $0xF7A, s2;
	p2 =	seq.s32 @!p0 s5, $0x0  }
0x1f: {  	s9 =	smul.u32 $0xF7A, s1;
	s8 =	simm.s32 @!p0 $0x1BF5;
	p2 =	por !p2, p0  }
0x20: {  	[sflag:s8] =	ssyncset.s32 @!p0 $0xFFFFF086;
	s6 =	sadd.s32 @!p0 s3, s7;
	s7 =	simm.s32 @!p0 $0x108  }
0x21: {  	s3 =	sadd.s32 s3, s9;
	s6 =	sadd.s32 @!p0 $0x88, s6;
	s7 =	simm.s32 @p2 $0x1082  }
0x22: {  	[simem:s7], [sflag:s8] =	dma.local @!p0 [hbm:s6], $0xF7A  }
0x23: {  	s9 =	sor.u32 $0xD0000000, s2;
	s6 =	simm.s32 $0x108;
	_ =	swait.ge @!p0 [sflag:s8], $0x0  }
0x24: {  	s3 =	sadd.s32 $0x88, s3;
	s6 =	simm.s32 @!p1 $0x1082;
	[sflag:s4] =	ssyncset.s32 $0xFFFFF086  }
0x25: {  	[simem:s6], [sflag:s4] =	dma.local [hbm:s3], $0xF7A  }
0x26: {  	[smem:$0x3F9F] =	sst s1;
	(tag) =	ssettag s2;
	_ =	strace s9  }
0x27: {  	s1 =	sld [smem:$0x3FAF]  }
0x28: {  	s2 =	sld [smem:$0x3FB0]  }
0x29: {  	s4 =	sld [smem:$0x3FB2]  }
0x2a: {  	p0 =	seq.s32 s5, $0x0;
	s5 =	sld [smem:$0x3FB3]  }
0x2b: {  	s6 =	sld [smem:$0x3FB4]  }
0x2c: {  	s7 =	sld [smem:$0x3FB5]  }
0x2d: {  	s3 =	simm.s32 $0x108;
	s8 =	sld [smem:$0x3FB6]  }
0x2e: {  	s3 =	simm.s32 @!p0 $0x1082;
	s9 =	sld [smem:$0x3FB7]  }
0x2f: {  	lr =	sadd.s32 s0, s3;
	s0 =	sld [smem:$0x3FAE]  }
0x30: {  	s3 =	sld [smem:$0x3FB1]  }
0x31: {  	[smem:$0x3FBA] =	sst s10  }
0x32: {  	s10 =	sld [smem:$0x3FB8];
	_ =	sdelay $0x3  }
0x33: {  	p0 =	seq.s32 s10, $0x1;
	s10 =	sld [smem:$0x3FBA];
	_ =	sdelay $0x3  }
0x34: {  	[smem:$0x3FBA] =	sst s10  }
0x35: {  	s10 =	sld [smem:$0x3FB9];
	_ =	sdelay $0x3  }
0x36: {  	p1 =	seq.s32 s10, $0x1;
	s10 =	sld [smem:$0x3FBA];
	_ =	sdelay $0x3  }
0x37: {  	[smem:$0x3FBA] =	sst s10  }
0x38: {  	s10 =	sld [smem:$0x3FBB]  }
0x39: {  	_ = 	snop;
	(pc) =	sbr.ind lr, $3  }
0x3a: {  	_ = 	snop  }
0x3b: {  	_ = 	snop  }
0x3c: {  	p2 =	seq.s32 s10, $0x1;
	s10 =	sld [smem:$0x3FBA]  }
0x3d: {  	_ =	shalt  }
0x3e: {  	_ =	shalt  }
0x3f: {  	_ =	shalt  }
0x40: {  	_ =	shalt  }
0x41: {  	_ =	shalt  }
0x42: {  	_ =	shalt  }
0x43: {  	_ =	shalt  }
0x44: {  	_ =	shalt  }
0x45: {  	_ =	shalt  }
0x46: {  	_ =	shalt  }
0x47: {  	_ =	shalt  }
0x48: {  	_ =	shalt  }
0x49: {  	_ =	shalt  }
0x4a: {  	_ =	shalt  }
0x4b: {  	_ =	shalt  }
0x4c: {  	_ =	shalt  }
0x4d: {  	_ =	shalt  }
0x4e: {  	_ =	shalt  }
0x4f: {  	_ =	shalt  }
0x50: {  	_ =	shalt  }
0x51: {  	_ =	shalt  }
0x52: {  	_ =	shalt  }
0x53: {  	_ =	shalt  }
0x54: {  	_ =	shalt  }
0x55: {  	_ =	shalt  }
0x56: {  	_ =	shalt  }
0x57: {  	_ =	shalt  }
0x58: {  	_ =	shalt  }
0x59: {  	_ =	shalt  }
0x5a: {  	_ =	shalt  }
0x5b: {  	_ =	shalt  }
0x5c: {  	_ =	shalt  }
0x5d: {  	_ =	shalt  }
0x5e: {  	_ =	shalt  }
0x5f: {  	_ =	shalt  }
0x60: {  	_ =	shalt  }
0x61: {  	_ =	shalt  }
0x62: {  	_ =	shalt  }
0x63: {  	_ =	shalt  }
0x64: {  	_ =	shalt  }
0x65: {  	_ =	shalt  }
0x66: {  	_ =	shalt  }
0x67: {  	_ =	shalt  }
0x68: {  	_ =	shalt  }
0x69: {  	_ =	shalt  }
0x6a: {  	_ =	shalt  }
0x6b: {  	_ =	shalt  }
0x6c: {  	_ =	shalt  }
0x6d: {  	_ =	shalt  }
0x6e: {  	_ =	shalt  }
0x6f: {  	_ =	shalt  }
0x70: {  	_ =	shalt  }
0x71: {  	_ =	shalt  }
0x72: {  	_ =	shalt  }
0x73: {  	_ =	shalt  }
0x74: {  	_ =	shalt  }
0x75: {  	_ =	shalt  }
0x76: {  	_ =	shalt  }
0x77: {  	_ =	shalt  }
0x78: {  	_ =	shalt  }
0x79: {  	_ =	shalt  }
0x7a: {  	_ =	shalt  }
0x7b: {  	_ =	shalt  }
0x7c: {  	_ =	shalt  }
0x7d: {  	_ =	shalt  }
0x7e: {  	_ =	shalt  }
0x7f: {  	_ =	shalt  }
0x80: {  	_ =	shalt  }
0x81: {  	_ =	shalt  }
0x82: {  	_ =	shalt  }
0x83: {  	_ =	shalt  }
0x84: {  	_ =	shalt  }
0x85: {  	_ =	shalt  }
0x86: {  	_ =	shalt  }
0x87: {  	_ =	shalt  }
.Lfunc_end0:
.L_simem_size_0:
called_computation_lowered:
.L_overlay_start_0:
0x88: {  	s2 =	sld [smem:$0x3FD9]  }
0x89: {  	s3 =	sld [smem:$0x3FFE];
	_ =	sdelay $0x1  }
0x8a: {  	s1 =	srdreg.scid  }
0x8b: {  	s0 =	sand.u32 $0x1, s1  }
0x8c: {  	s17 =	sshll.u32 s0, $0xA;
	s2 =	sadd.s32 s3, s2  }
0x8d: {  	s2 =	sadd.s32 s2, s17  }
0x8e: {  	[smem:$0x3FC6] =	sst s2  }
0x8f: {  	_ = 	snop  }
0x90: {  	s2 =	sld [smem:$0x3FC9]  }
0x91: {  	s18 =	sld [smem:$0x3FC8];
	(tm) =	ssettm $0x1  }
0x92: {  	s4 =	sld [smem:$0x3FFB];
	_ =	sdelay $0x3  }
0x93: {  	_ =	strace s4  }
0x94: {  	s4 =	sld [smem:$0x3FFC];
	_ =	sdelay $0x3  }
0x95: {  	_ =	strace s4  }
0x96: {  	s4 =	sld [smem:$0x3FFD];
	_ =	sdelay $0x3  }
0x97: {  	_ =	strace s4  }
0x98: {  	_ =	strace $0x8FFFFFFF  }
0x99: {  	s19 =	sld [smem:$0x3FDB];
	_ =	sdelay $0x1  }
0x9a: {  	s5 =	simm.s32 $_scs_section_size  }
0x9b: {  	s6 =	simm.s32 $_size__tile_overlayer_lowered;
	s7 =	simm.s32 $_tile_overlayer_lowered  }
0x9c: {  	s22 =	simm.s32 $0x1BFF;
	s21 =	sshll.u32 s7, $0x1;
	s4 =	sadd.s32 s5, s19  }
0x9d: {  	s8 =	simm.s32 $0x0;
	s20 =	sshll.u32 s6, $0x1;
	s6 =	sadd.s32 s21, s4  }
0x9e: {  	[timem:s8], [sflag:s22] =	dma.local [hbm:s6], s20  }
0x9f: {  	_ =	swait.ge [sflag:s22], s20  }
0xa0: {  	s5 =	ssub.s32 $0x0, s20;
	[sflag:s22] =	ssyncset.done $0x0  }
0xa1: {  	[sflag:s22] =	ssyncadd.s32 s5;
	_ =	sdelay $0x1  }
0xa2: {  	s23 =	simm.s32 $0x1B8B  }
0xa3: {  	_ =	swait.ge [sflag:s23], $0x1  }
0xa4: {  	[sflag:s23] =	ssyncset.done $0x0  }
0xa5: {  	s25 =	simm.s32 $0x1B8E;
	s24 =	sld [smem:$0x3FFE];
	[sflag:s23] =	ssyncadd.s32 $0xFFFFFFFF  }
0xa6: {  	s26 =	simm.s32 $execute0_lowered;
	[smem:$0x3FD2] =	sst s25  }
0xa7: {  	s6 =	sshll.u32 s26, $0x1;
	_ =	strace $0x80000046;
	[dreg:$0x1] =	wrdreg $0xFFFFFFFF  }
0xa8: {  	s28 =	simm.s32 $_size_execute0_lowered;
	s4 =	sadd.s32 s4, s6;
	[dreg:$0x0] =	wrdreg $0x0  }
0xa9: {  	s6 =	sshll.u32 s28, $0x1;
	[dreg:$0x2] =	wrdreg s4  }
0xaa: {  	[dreg:$0x3] =	wrdreg s6  }
0xab: {  	[dreg:$0x4] =	wrdreg $0xC0  }
0xac: {  	_ =	task [dreg:s8], $0x5FFFF  }
0xad: {  	[dreg:$0x1] =	wrdreg $0xFFFFFFFF  }
0xae: {  	[dreg:$0x0] =	wrdreg $0x60  }
0xaf: {  	[dreg:$0x2] =	wrdreg s2  }
0xb0: {  	[dreg:$0x3] =	wrdreg s18  }
0xb1: {  	[dreg:$0x4] =	wrdreg s24  }
0xb2: {  	[dreg:$0x5] =	wrdreg $0x9  }
0xb3: {  	_ =	task.clear_ibuf [dreg:s8], $0x6FFFF;
	_ =	strace $0x90000046  }
0xb4: {  	s29 =	simm.s32 $0x9;
	_ =	strace $0x80000048  }
0xb5: {  	_ =	swait.ge [sflag:s29], $0x1  }
0xb6: {  	[sflag:s29] =	ssyncadd.s32 $0xFFFFFFFF  }
0xb7: {  	_ =	strace $0x90000048  }
0xb8: {  	_ =	sfence  }
0xb9: {  	s30 =	sld [smem:$0x0];
	_ =	sdelay $0x2  }
0xba: {  	s31 =	sshll.u32 s1, $0xD;
	s1 =	sshrl.u32 s1, $0x2  }
0xbb: {  	s3 =	sand.u32 $0x4000, s31;
	s1 =	sadd.s32 s1, s30  }
0xbc: {  	s0 =	sor.u32 s3, s0;
	s1 =	sshll.u32 s1, $0x11  }
0xbd: {  	s0 =	sor.u32 s1, s0  }
0xbe: {  	s0 =	sadd.s32 $0x8F2B, s0  }
0xbf: {  	[sflag:s0] =	ssyncadd.remote.s32 $0x1  }
0xc0: {  	_ =	sfence.sel $0xFFFF  }
0xc1: {  	[dreg:$0x0] =	wrdreg $0xFFFFFFFF;
	(pc) =	sbr.abs _section_cstart, $3  }
0xc2: {  	[dreg:$0x1] =	wrdreg $0xFFFFFFFF  }
0xc3: {  	_ =	task.clear_ibuf [dreg:s8], $0x2FFFF;
	_ =	strace $0x9FFFFFFF  }
0xc4: {  	(tm) =	ssettm $0x7FFFFFFF  }
0xc5: {  	_ =	shalt  }
tec
execute0_lowered:
.L_overlay_start_1:
0x0: {  	(tag) =	ssettag $0x1  }
0x1: {  	s2 =	rddreg [dreg:$0x0]  }
0x2: {  	s3 =	rddreg [dreg:$0x1]  }
0x3: {  	s5 =	rddreg [dreg:$0x2]  }
0x4: {  	s0 =	rddreg [dreg:$0x3];
	s1 =	stileid.u32;
	s4 =	simm.s32 $0x0  }
0x5: {  	s7 =	srdreg.scid;
	s14 =	simm.s32 $0x400;
	s15 =	simm.s32 $0x800  }
0x6: {  	s16 =	simm.s32 $0x4000;
	s17 =	simm.s32 $0x2;
	s6 =	smul.u32 $0x4100, s1  }
0x7: {  	[smem:$0x7FF] =	sst s4;
	s18 =	sand.u32 $0x1, s7;
	s29 =	smul.u32 $0x18, s1  }
0x8: {  	s9 =	smin.u32 s1, $0x6;
	p0 =	slt.u32 s1, $0x6;
	s7 =	simm.s32 $0x19  }
0x9: {  	s11 =	sadd.s32 $0x1860, s3;
	p1 =	sne.s32 s1, $0xF;
	_ =	strace $0x80000047  }
0xa: {  	s8 =	ssub.s32 $0x2, s18;
	s7 =	simm.s32 @!p0 $0x18;
	s19 =	sshll.u32 s18, $0x7  }
0xb: {  	p0 =	seq.s32 s18, $0x0;
	s12 =	sadd.s32 s6, s5;
	s30 =	sshrl.u32 s8, $0x1  }
0xc: {  	s5 =	sor.u32 s9, s29;
	s6 =	sshll.u32 s18, $0xA;
	s10 =	sadd.s32 s19, s2  }
.Ltmp0:
0xd: {  	s18 =	simm.s32 $0x3;
	s13 =	ssub.s32 s8, s30;
	(pc) =	sbr.rel .LBB2_1-.Ltmp0, $4  }
0xe: {  	v0 =	vlaneseq.u32;
	s31 =	sshll.u32 s5, $0xF;
	s9 =	sshll.u32 s5, $0x4;
	s10 =	sadd.s32 $0x186000, s10  }
0xf: {  	v1 =	vimm.f32 $0.0e+00;
	v9 =	vimm.f32 $1.000000000e+00;
	v2 =	vor.u32 $0x10, v0;
	s20 =	sadd.s32 $0x600, s12;
	s8 =	sor.u32 s6, s31;
	s9 =	sadd.s32 s3, s9  }
0x10: {  	v3 =	vor.u32 $0x20, v0;
	v4 =	vor.u32 $0x30, v0;
	v5 =	vor.u32 $0x40, v0;
	s12 =	smax.u32 s13, $0x1;
	s13 =	simm.s32 $0x8100;
	s8 =	sshrl.u32 s8, $0x3  }
0x11: {  	v6 =	vor.u32 $0x50, v0;
	v7 =	vor.u32 $0x60, v0;
	v8 =	vor.u32 $0x70, v0;
	s19 =	sadd.s32 s19, s20;
	s20 =	simm.s32 $0x1;
	s8 =	sadd.s32 s2, s8  }
.LBB2_19:
0x12: {  	s4 =	sadd.s32 $0x1, s4  }
0x13: {  	p2 =	sne.s32 s4, s12  }
.Ltmp1:
0x14: {  	_ = 	snop;
	(pc) =	sbr.rel @!p2 .LBB2_20-.Ltmp1, $4  }
0x15: {  	[hbm4b:s19+s14] =	stream.strided.scatter [tilespmem:s13], [sflag:$0x3], $0x10400, s15, s14, $0x38;
	[tilespmem:$0x18500] =	vst v63  }
0x16: {  	_ =	swait.ge [sflag:s18], $0x10400  }
0x17: {  	[sflag:s18] =	ssyncset.done $0x0  }
0x18: {  	[sflag:s18] =	ssyncadd.s32 $0xFFFEFC00  }
.LBB2_1:
0x19: {  	s22 =	simm.s32 $0x0  }
0x1a: {  	v13 =	vor.u32 s22, v0;
	_ =	sdelay $0x1  }
0x1b: {  	v15 =	vor.u32 s22, v2  }
0x1c: {  	v12 =	vor.u32 s22, v3  }
0x1d: {  	v11 =	vor.u32 s22, v4  }
0x1e: {  	[tilespmem:v13+s13+$0x0] =	vst.idx.msk $0xffff, v1;
	v13 =	vor.u32 s22, v5  }
0x1f: {  	v14 =	vor.u32 s22, v6  }
0x20: {  	s21 =	simm.s32 $0x1;
	v10 =	vor.u32 s22, v8;
	[tilespmem:v15+s13+$0x0] =	vst.idx.msk $0xffff, v1;
	v15 =	vor.u32 s22, v7  }
.LBB2_2:
0x21: {  	s22 =	sshll.u32 s21, $0x7;
	p2 =	sne.s32 s21, $0x207;
	s21 =	sadd.s32 $0x1, s21;
	[tilespmem:v12+s13+$0x0] =	vst.idx.msk $0xffff, v1  }
0x22: {  	v16 =	vor.u32 s22, v0;
	v17 =	vor.u32 s22, v8;
	[tilespmem:v11+s13+$0x0] =	vst.idx.msk $0xffff, v1  }
0x23: {  	v18 =	vor.u32 s22, v2;
	[tilespmem:v13+s13+$0x0] =	vst.idx.msk $0xffff, v1  }
.Ltmp2:
0x24: {  	v12 =	vor.u32 s22, v3;
	[tilespmem:v14+s13+$0x0] =	vst.idx.msk $0xffff, v1;
	(pc) =	sbr.rel @p2 .LBB2_2-.Ltmp2, $4  }
0x25: {  	v11 =	vor.u32 s22, v4;
	[tilespmem:v15+s13+$0x0] =	vst.idx.msk $0xffff, v1  }
0x26: {  	v13 =	vor.u32 s22, v5;
	[tilespmem:v10+s13+$0x0] =	vst.idx.msk $0xffff, v1;
	v10 =	vmov v17  }
0x27: {  	v14 =	vor.u32 s22, v6;
	[tilespmem:v16+s13+$0x0] =	vst.idx.msk $0xffff, v1  }
0x28: {  	v15 =	vor.u32 s22, v7;
	[tilespmem:v18+s13+$0x0] =	vst.idx.msk $0xffff, v1  }
0x29: {  	_ =	sdelay $0x3  }
0x2a: {  	[tilespmem:v12+s13+$0x0] =	vst.idx.msk $0xffff, v1  }
0x2b: {  	[tilespmem:v11+s13+$0x0] =	vst.idx.msk $0xffff, v1  }
0x2c: {  	[tilespmem:v13+s13+$0x0] =	vst.idx.msk $0xffff, v1  }
0x2d: {  	[tilespmem:v14+s13+$0x0] =	vst.idx.msk $0xffff, v1  }
.Ltmp3:
0x2e: {  	[tilespmem:v15+s13+$0x0] =	vst.idx.msk $0xffff, v1;
	(pc) =	sbr.rel .LBB2_4-.Ltmp3, $4  }
0x2f: {  	s21 =	simm.s32 $0x0;
	[tilespmem:v10+s13+$0x0] =	vst.idx.msk $0xffff, v1  }
0x30: {  	[tilespmem:s21], [sflag:$0x1] =	stream.strided.gather [hbm4b:s8+s14], $0x4000, s15, s14, $0x38;
	[tilespmem:$0x18500] =	vst v63  }
0x31: {  	_ = 	snop  }
0x32: {  	[tilespmem:s16], [sflag:$0x1] =	stream.linear.gather [hbm4b:s9+s21], $0x80, $0x38;
	[tilespmem:$0x18500] =	vst v63  }
.LBB2_13:
0x33: {  	p2 =	sne.s32 s21, s7  }
.Ltmp4:
0x34: {  	_ = 	snop;
	(pc) =	sbr.rel @!p2 .LBB2_14-.Ltmp4, $1  }
0x35: {  	_ =	sdelay $0x3  }
.LBB2_4:
0x36: {  	s22 =	sand.u32 $0x1, s21  }
0x37: {  	p2 =	seq.s32 s22, $0x1  }
.Ltmp5:
0x38: {  	_ = 	snop;
	(pc) =	sbr.rel @!p2 .LBB2_5-.Ltmp5, $1  }
0x39: {  	_ =	sdelay $0x3  }
0x3a: {  	s21 =	sadd.s32 $0x1, s21  }
0x3b: {  	p2 =	sge.u32 s21, s7  }
0x3c: {  	s22 =	sadd.s32 @!p2 s5, s21  }
0x3d: {  	s23 =	sshll.u32 @!p2 s22, $0xF  }
0x3e: {  	s24 =	simm.s32 @!p2 $0x400;
	s23 =	sor.u32 @!p2 s6, s23  }
0x3f: {  	s25 =	simm.s32 @!p2 $0x800;
	s22 =	sshll.u32 @!p2 s22, $0x4;
	s23 =	sshrl.u32 @!p2 s23, $0x3  }
0x40: {  	s26 =	simm.s32 @!p2 $0x0;
	s22 =	sand.u32 @!p2 $0x1FFFFFF0, s22;
	s23 =	sadd.s32 @!p2 s2, s23  }
0x41: {  	[tilespmem:s26], [sflag:$0x1] =	stream.strided.gather @!p2 [hbm4b:s23+s24], $0x4000, s25, s24, $0x38;
	[tilespmem:$0x18500] =	vst v63  }
0x42: {  	s22 =	sadd.s32 @!p2 s3, s22;
	s23 =	simm.s32 @!p2 $0x4000  }
0x43: {  	[tilespmem:s23], [sflag:$0x1] =	stream.linear.gather @!p2 [hbm4b:s22+s26], $0x80, $0x38;
	[tilespmem:$0x18500] =	vst v63  }
0x44: {  	_ =	swait.ge [sflag:s17], $0x4000  }
0x45: {  	[sflag:s17] =	ssyncset.done $0x0  }
0x46: {  	[sflag:s17] =	ssyncadd.s32 $0xFFFFC000  }
0x47: {  	_ =	swait.ge [sflag:s17], $0x80  }
0x48: {  	[sflag:s17] =	ssyncset.done $0x0  }
0x49: {  	s22 =	simm.s32 $0x0;
	s23 =	simm.s32 $0x4180;
	[sflag:s17] =	ssyncadd.s32 $0xFFFFFF80  }
.LBB2_10:
0x4a: {  	s24 =	sshll.u32 s22, $0x4  }
0x4b: {  	s25 =	simm.s32 $0x0;
	v10 =	vld [tilespmem:s24+$0x8080];
	s24 =	smov.u32 s23  }
.LBB2_11:
0x4c: {  	v11 =	vld [tilespmem:s24+$0xFFFFFF00]  }
0x4d: {  	v12 =	vld [tilespmem:s24+$0xFFFFFF10]  }
0x4e: {  	v13 =	vld [tilespmem:s24+$0xFFFFFF20]  }
0x4f: {  	v14 =	vld [tilespmem:s24+$0xFFFFFF30]  }
0x50: {  	v15 =	vld [tilespmem:s24+$0xFFFFFF40]  }
0x51: {  	v16 =	vld [tilespmem:s24+$0xFFFFFF50]  }
0x52: {  	v17 =	vld [tilespmem:s24+$0xFFFFFF60]  }
0x53: {  	v18 =	vld [tilespmem:s24+$0xFFFFFF70]  }
0x54: {  	v19 =	vld [tilespmem:s24+$0xFFFFFF80]  }
0x55: {  	v20 =	vld [tilespmem:s24+$0xFFFFFF90]  }
0x56: {  	v21 =	vld [tilespmem:s24+$0xFFFFFFA0]  }
0x57: {  	v22 =	vld [tilespmem:s24+$0xFFFFFFB0]  }
0x58: {  	v23 =	vld [tilespmem:s24+$0xFFFFFFC0]  }
0x59: {  	v24 =	vld [tilespmem:s24+$0xFFFFFFD0]  }
0x5a: {  	v25 =	vld [tilespmem:s24+$0xFFFFFFE0]  }
0x5b: {  	v26 =	vld [tilespmem:s24+$0xFFFFFFF0]  }
0x5c: {  	v27 =	vld [tilespmem:s24+$0x0]  }
0x5d: {  	v28 =	vld [tilespmem:s24+$0x10]  }
0x5e: {  	v29 =	vld [tilespmem:s24+$0x20]  }
0x5f: {  	v30 =	vld [tilespmem:s24+$0x30]  }
0x60: {  	v31 =	vld [tilespmem:s24+$0x40]  }
0x61: {  	v32 =	vld [tilespmem:s24+$0x50]  }
0x62: {  	v33 =	vld [tilespmem:s24+$0x60]  }
0x63: {  	v34 =	vmov s25;
	v35 =	vld [tilespmem:s24+$0x70]  }
0x64: {  	v36 =	vld [tilespmem:s24+$0x80];
	v34 =	vperm.xlane v10, v34  }
0x65: {  	v37 =	vld [tilespmem:s24+$0x90]  }
0x66: {  	v38 =	vld [tilespmem:s24+$0xA0];
	v39 =	vshll.u32 v34, $0x7  }
0x67: {  	v40 =	vld [tilespmem:s24+$0xB0];
	v41 =	vor.u32 v0, v39  }
0x68: {  	v42 =	vld [tilespmem:s24+$0xC0];
	v43 =	vor.u32 v2, v39  }
0x69: {  	v44 =	vld [tilespmem:s24+$0xD0];
	v45 =	vor.u32 v3, v39  }
0x6a: {  	s26 =	sadd.s32 $0x1, s25;
	v46 =	vld [tilespmem:s24+$0xE0];
	v47 =	vor.u32 v4, v39  }
0x6b: {  	v49 =	vld [tilespmem:s24+$0xF0];
	v48 =	vmov s26;
	v50 =	vor.u32 v5, v39  }
0x6c: {  	v52 =	vor.u32 v6, v39;
	[tilespmem:v41+s13+$0x0] =	vst.idx.add.f32.msk $0xffff, v11;
	v11 =	vperm.xlane v10, v48  }
0x6d: {  	v53 =	vor.u32 v7, v39;
	[tilespmem:v43+s13+$0x0] =	vst.idx.add.f32.msk $0xffff, v12  }
0x6e: {  	v54 =	vor.u32 v8, v39;
	[tilespmem:v45+s13+$0x0] =	vst.idx.add.f32.msk $0xffff, v13;
	v55 =	vshll.u32 v11, $0x7  }
0x6f: {  	[tilespmem:v47+s13+$0x0] =	vst.idx.add.f32.msk $0xffff, v14;
	v56 =	vor.u32 v0, v55  }
0x70: {  	v57 =	vor.u32 v2, v55;
	[tilespmem:v50+s13+$0x0] =	vst.idx.add.f32.msk $0xffff, v15  }
0x71: {  	v58 =	vor.u32 v3, v55;
	[tilespmem:v52+s13+$0x0] =	vst.idx.add.f32.msk $0xffff, v16  }
0x72: {  	s30 =	sadd.s32 $0x2, s25;
	v59 =	vor.u32 v4, v55;
	[tilespmem:v53+s13+$0x0] =	vst.idx.add.f32.msk $0xffff, v17  }
0x73: {  	v60 =	vmov s30;
	v61 =	vor.u32 v5, v55;
	[tilespmem:v54+s13+$0x0] =	vst.idx.add.f32.msk $0xffff, v18  }
0x74: {  	v62 =	vor.u32 v6, v55;
	v17 =	vperm.xlane v10, v60;
	[tilespmem:v56+s13+$0x0] =	vst.idx.add.f32.msk $0xffff, v19  }
0x75: {  	v63 =	vor.u32 v7, v55;
	[tilespmem:v57+s13+$0x0] =	vst.idx.add.f32.msk $0xffff, v20  }
0x76: {  	v39 =	vshll.u32 v17, $0x7;
	[tilespmem:v58+s13+$0x0] =	vst.idx.add.f32.msk $0xffff, v21;
	v21 =	vor.u32 v8, v55  }
0x77: {  	v41 =	vor.u32 v0, v39;
	[tilespmem:v59+s13+$0x0] =	vst.idx.add.f32.msk $0xffff, v22  }
0x78: {  	v43 =	vor.u32 v2, v39;
	[tilespmem:v61+s13+$0x0] =	vst.idx.add.f32.msk $0xffff, v23  }
0x79: {  	v45 =	vor.u32 v3, v39;
	[tilespmem:v62+s13+$0x0] =	vst.idx.add.f32.msk $0xffff, v24  }
0x7a: {  	s31 =	sadd.s32 $0x3, s25;
	v47 =	vor.u32 v4, v39;
	[tilespmem:v63+s13+$0x0] =	vst.idx.add.f32.msk $0xffff, v25  }
0x7b: {  	v48 =	vmov s31;
	v50 =	vor.u32 v5, v39;
	[tilespmem:v21+s13+$0x0] =	vst.idx.add.f32.msk $0xffff, v26  }
0x7c: {  	v19 =	vperm.xlane v10, v48;
	v51 =	vor.u32 v6, v39;
	[tilespmem:v41+s13+$0x0] =	vst.idx.add.f32.msk $0xffff, v27  }
0x7d: {  	v52 =	vor.u32 v7, v39;
	[tilespmem:v43+s13+$0x0] =	vst.idx.add.f32.msk $0xffff, v28  }
0x7e: {  	v53 =	vor.u32 v8, v39;
	v54 =	vshll.u32 v19, $0x7;
	[tilespmem:v45+s13+$0x0] =	vst.idx.add.f32.msk $0xffff, v29  }
0x7f: {  	v55 =	vor.u32 v0, v54;
	[tilespmem:v47+s13+$0x0] =	vst.idx.add.f32.msk $0xffff, v30  }
0x80: {  	v56 =	vor.u32 v2, v54;
	[tilespmem:v50+s13+$0x0] =	vst.idx.add.f32.msk $0xffff, v31  }
0x81: {  	v57 =	vor.u32 v3, v54;
	[tilespmem:v51+s13+$0x0] =	vst.idx.add.f32.msk $0xffff, v32  }
0x82: {  	v58 =	vor.u32 v4, v54;
	[tilespmem:v52+s13+$0x0] =	vst.idx.add.f32.msk $0xffff, v33  }
0x83: {  	v59 =	vor.u32 v5, v54;
	[tilespmem:v53+s13+$0x0] =	vst.idx.add.f32.msk $0xffff, v35  }
0x84: {  	v60 =	vor.u32 v6, v54;
	[tilespmem:v55+s13+$0x0] =	vst.idx.add.f32.msk $0xffff, v36  }
0x85: {  	v61 =	vor.u32 v7, v54;
	[tilespmem:v56+s13+$0x0] =	vst.idx.add.f32.msk $0xffff, v37  }
0x86: {  	v11 =	vpsel p0, v34, v11;
	v62 =	vor.u32 v8, v54;
	[tilespmem:v57+s13+$0x0] =	vst.idx.add.f32.msk $0xffff, v38  }
0x87: {  	v11 =	vadd.s32 $0x10000, v11;
	v63 =	vpsel p0, v17, v19;
	[tilespmem:v58+s13+$0x0] =	vst.idx.add.f32.msk $0xffff, v40  }
0x88: {  	p2 =	sne.s32 s25, $0xC;
	v13 =	vadd.s32 $0x10000, v63;
	[tilespmem:v59+s13+$0x0] =	vst.idx.add.f32.msk $0xffff, v42  }
.Ltmp6:
0x89: {  	[tilespmem:v60+s13+$0x0] =	vst.idx.add.f32.msk $0xffff, v44;
	(pc) =	sbr.rel @p2 .LBB2_11-.Ltmp6, $4  }
0x8a: {  	[tilespmem:v61+s13+$0x0] =	vst.idx.add.f32.msk $0xffff, v46  }
0x8b: {  	[tilespmem:v62+s13+$0x0] =	vst.idx.add.f32.msk $0xffff, v49  }
0x8c: {  	[tilespmem:v11+s13+$0x0] =	vst.idx.add.f32.msk $0x1, v9  }
0x8d: {  	s24 =	sadd.s32 $0x200, s24;
	s25 =	sadd.s32 $0x4, s25;
	[tilespmem:v13+s13+$0x0] =	vst.idx.add.f32.msk $0x1, v9  }
0x8e: {  	s22 =	sadd.s32 $0x1, s22  }
0x8f: {  	p2 =	sne.s32 s22, $0x8  }
.Ltmp7:
0x90: {  	_ = 	snop;
	(pc) =	sbr.rel @p2 .LBB2_10-.Ltmp7, $4  }
.Ltmp8:
0x91: {  	_ = 	snop;
	(pc) =	sbr.rel @!p2 .LBB2_13-.Ltmp8, $4  }
0x92: {  	_ = 	snop  }
0x93: {  	_ = 	snop  }
0x94: {  	s23 =	sadd.s32 $0x800, s23  }
0x95: {  	_ = 	snop  }
.LBB2_5:
0x96: {  	s21 =	sor.u32 $0x1, s21  }
0x97: {  	p2 =	sge.u32 s21, s7  }
0x98: {  	s22 =	sadd.s32 @!p2 s5, s21  }
0x99: {  	s23 =	sshll.u32 @!p2 s22, $0xF  }
0x9a: {  	s24 =	simm.s32 @!p2 $0x400;
	s23 =	sor.u32 @!p2 s6, s23  }
0x9b: {  	s25 =	simm.s32 @!p2 $0x800;
	s22 =	sshll.u32 @!p2 s22, $0x4;
	s23 =	sshrl.u32 @!p2 s23, $0x3  }
0x9c: {  	s26 =	simm.s32 @!p2 $0x4080;
	s22 =	sand.u32 @!p2 $0x1FFFFFF0, s22;
	s23 =	sadd.s32 @!p2 s2, s23  }
0x9d: {  	[tilespmem:s26], [sflag:$0x2] =	stream.strided.gather @!p2 [hbm4b:s23+s24], $0x4000, s25, s24, $0x38;
	[tilespmem:$0x18500] =	vst v63  }
0x9e: {  	s22 =	sadd.s32 @!p2 s3, s22;
	s23 =	simm.s32 @!p2 $0x0;
	s24 =	simm.s32 @!p2 $0x8080  }
0x9f: {  	[tilespmem:s24], [sflag:$0x2] =	stream.linear.gather @!p2 [hbm4b:s22+s23], $0x80, $0x38;
	[tilespmem:$0x18500] =	vst v63  }
0xa0: {  	_ =	swait.ge [sflag:s20], $0x4000  }
0xa1: {  	[sflag:s20] =	ssyncset.done $0x0  }
0xa2: {  	[sflag:s20] =	ssyncadd.s32 $0xFFFFC000  }
0xa3: {  	_ =	swait.ge [sflag:s20], $0x80  }
0xa4: {  	[sflag:s20] =	ssyncset.done $0x0  }
0xa5: {  	s22 =	simm.s32 $0x0;
	s23 =	simm.s32 $0x100;
	[sflag:s20] =	ssyncadd.s32 $0xFFFFFF80  }
.LBB2_6:
0xa6: {  	s24 =	sshll.u32 s22, $0x4  }
0xa7: {  	s25 =	simm.s32 $0x0;
	v10 =	vld [tilespmem:s24+$0x4000];
	s24 =	smov.u32 s23  }
.LBB2_7:
0xa8: {  	v11 =	vld [tilespmem:s24+$0xFFFFFF00]  }
0xa9: {  	v12 =	vld [tilespmem:s24+$0xFFFFFF10]  }
0xaa: {  	v13 =	vld [tilespmem:s24+$0xFFFFFF20]  }
0xab: {  	v14 =	vld [tilespmem:s24+$0xFFFFFF30]  }
0xac: {  	v15 =	vld [tilespmem:s24+$0xFFFFFF40]  }
0xad: {  	v16 =	vld [tilespmem:s24+$0xFFFFFF50]  }
0xae: {  	v17 =	vld [tilespmem:s24+$0xFFFFFF60]  }
0xaf: {  	v18 =	vld [tilespmem:s24+$0xFFFFFF70]  }
0xb0: {  	v19 =	vld [tilespmem:s24+$0xFFFFFF80]  }
0xb1: {  	v20 =	vld [tilespmem:s24+$0xFFFFFF90]  }
0xb2: {  	v21 =	vld [tilespmem:s24+$0xFFFFFFA0]  }
0xb3: {  	v22 =	vld [tilespmem:s24+$0xFFFFFFB0]  }
0xb4: {  	v23 =	vld [tilespmem:s24+$0xFFFFFFC0]  }
0xb5: {  	v24 =	vld [tilespmem:s24+$0xFFFFFFD0]  }
0xb6: {  	v25 =	vld [tilespmem:s24+$0xFFFFFFE0]  }
0xb7: {  	v26 =	vld [tilespmem:s24+$0xFFFFFFF0]  }
0xb8: {  	v27 =	vld [tilespmem:s24+$0x0]  }
0xb9: {  	v28 =	vld [tilespmem:s24+$0x10]  }
0xba: {  	v29 =	vld [tilespmem:s24+$0x20]  }
0xbb: {  	v30 =	vld [tilespmem:s24+$0x30]  }
0xbc: {  	v31 =	vld [tilespmem:s24+$0x40]  }
0xbd: {  	v32 =	vld [tilespmem:s24+$0x50]  }
0xbe: {  	v33 =	vld [tilespmem:s24+$0x60]  }
0xbf: {  	v34 =	vmov s25;
	v35 =	vld [tilespmem:s24+$0x70]  }
0xc0: {  	v36 =	vld [tilespmem:s24+$0x80];
	v34 =	vperm.xlane v10, v34  }
0xc1: {  	v37 =	vld [tilespmem:s24+$0x90]  }
0xc2: {  	v38 =	vld [tilespmem:s24+$0xA0];
	v39 =	vshll.u32 v34, $0x7  }
0xc3: {  	v40 =	vld [tilespmem:s24+$0xB0];
	v41 =	vor.u32 v0, v39  }
0xc4: {  	v42 =	vld [tilespmem:s24+$0xC0];
	v43 =	vor.u32 v2, v39  }
0xc5: {  	v44 =	vld [tilespmem:s24+$0xD0];
	v45 =	vor.u32 v3, v39  }
0xc6: {  	s26 =	sadd.s32 $0x1, s25;
	v46 =	vld [tilespmem:s24+$0xE0];
	v47 =	vor.u32 v4, v39  }
0xc7: {  	v49 =	vld [tilespmem:s24+$0xF0];
	v48 =	vmov s26;
	v50 =	vor.u32 v5, v39  }
0xc8: {  	v52 =	vor.u32 v6, v39;
	[tilespmem:v41+s13+$0x0] =	vst.idx.add.f32.msk $0xffff, v11;
	v11 =	vperm.xlane v10, v48  }
0xc9: {  	v53 =	vor.u32 v7, v39;
	[tilespmem:v43+s13+$0x0] =	vst.idx.add.f32.msk $0xffff, v12  }
0xca: {  	v54 =	vor.u32 v8, v39;
	[tilespmem:v45+s13+$0x0] =	vst.idx.add.f32.msk $0xffff, v13;
	v55 =	vshll.u32 v11, $0x7  }
0xcb: {  	[tilespmem:v47+s13+$0x0] =	vst.idx.add.f32.msk $0xffff, v14;
	v56 =	vor.u32 v0, v55  }
0xcc: {  	v57 =	vor.u32 v2, v55;
	[tilespmem:v50+s13+$0x0] =	vst.idx.add.f32.msk $0xffff, v15  }
0xcd: {  	v58 =	vor.u32 v3, v55;
	[tilespmem:v52+s13+$0x0] =	vst.idx.add.f32.msk $0xffff, v16  }
0xce: {  	s30 =	sadd.s32 $0x2, s25;
	v59 =	vor.u32 v4, v55;
	[tilespmem:v53+s13+$0x0] =	vst.idx.add.f32.msk $0xffff, v17  }
0xcf: {  	v60 =	vmov s30;
	v61 =	vor.u32 v5, v55;
	[tilespmem:v54+s13+$0x0] =	vst.idx.add.f32.msk $0xffff, v18  }
0xd0: {  	v62 =	vor.u32 v6, v55;
	v17 =	vperm.xlane v10, v60;
	[tilespmem:v56+s13+$0x0] =	vst.idx.add.f32.msk $0xffff, v19  }
0xd1: {  	v63 =	vor.u32 v7, v55;
	[tilespmem:v57+s13+$0x0] =	vst.idx.add.f32.msk $0xffff, v20  }
0xd2: {  	v39 =	vshll.u32 v17, $0x7;
	[tilespmem:v58+s13+$0x0] =	vst.idx.add.f32.msk $0xffff, v21;
	v21 =	vor.u32 v8, v55  }
0xd3: {  	v41 =	vor.u32 v0, v39;
	[tilespmem:v59+s13+$0x0] =	vst.idx.add.f32.msk $0xffff, v22  }
0xd4: {  	v43 =	vor.u32 v2, v39;
	[tilespmem:v61+s13+$0x0] =	vst.idx.add.f32.msk $0xffff, v23  }
0xd5: {  	v45 =	vor.u32 v3, v39;
	[tilespmem:v62+s13+$0x0] =	vst.idx.add.f32.msk $0xffff, v24  }
0xd6: {  	s31 =	sadd.s32 $0x3, s25;
	v47 =	vor.u32 v4, v39;
	[tilespmem:v63+s13+$0x0] =	vst.idx.add.f32.msk $0xffff, v25  }
0xd7: {  	v48 =	vmov s31;
	v50 =	vor.u32 v5, v39;
	[tilespmem:v21+s13+$0x0] =	vst.idx.add.f32.msk $0xffff, v26  }
0xd8: {  	v19 =	vperm.xlane v10, v48;
	v51 =	vor.u32 v6, v39;
	[tilespmem:v41+s13+$0x0] =	vst.idx.add.f32.msk $0xffff, v27  }
0xd9: {  	v52 =	vor.u32 v7, v39;
	[tilespmem:v43+s13+$0x0] =	vst.idx.add.f32.msk $0xffff, v28  }
0xda: {  	v53 =	vor.u32 v8, v39;
	v54 =	vshll.u32 v19, $0x7;
	[tilespmem:v45+s13+$0x0] =	vst.idx.add.f32.msk $0xffff, v29  }
0xdb: {  	v55 =	vor.u32 v0, v54;
	[tilespmem:v47+s13+$0x0] =	vst.idx.add.f32.msk $0xffff, v30  }
0xdc: {  	v56 =	vor.u32 v2, v54;
	[tilespmem:v50+s13+$0x0] =	vst.idx.add.f32.msk $0xffff, v31  }
0xdd: {  	v57 =	vor.u32 v3, v54;
	[tilespmem:v51+s13+$0x0] =	vst.idx.add.f32.msk $0xffff, v32  }
0xde: {  	v58 =	vor.u32 v4, v54;
	[tilespmem:v52+s13+$0x0] =	vst.idx.add.f32.msk $0xffff, v33  }
0xdf: {  	v59 =	vor.u32 v5, v54;
	[tilespmem:v53+s13+$0x0] =	vst.idx.add.f32.msk $0xffff, v35  }
0xe0: {  	v60 =	vor.u32 v6, v54;
	[tilespmem:v55+s13+$0x0] =	vst.idx.add.f32.msk $0xffff, v36  }
0xe1: {  	v61 =	vor.u32 v7, v54;
	[tilespmem:v56+s13+$0x0] =	vst.idx.add.f32.msk $0xffff, v37  }
0xe2: {  	v11 =	vpsel p0, v34, v11;
	v62 =	vor.u32 v8, v54;
	[tilespmem:v57+s13+$0x0] =	vst.idx.add.f32.msk $0xffff, v38  }
0xe3: {  	v11 =	vadd.s32 $0x10000, v11;
	v63 =	vpsel p0, v17, v19;
	[tilespmem:v58+s13+$0x0] =	vst.idx.add.f32.msk $0xffff, v40  }
0xe4: {  	p2 =	sne.s32 s25, $0xC;
	v13 =	vadd.s32 $0x10000, v63;
	[tilespmem:v59+s13+$0x0] =	vst.idx.add.f32.msk $0xffff, v42  }
.Ltmp9:
0xe5: {  	[tilespmem:v60+s13+$0x0] =	vst.idx.add.f32.msk $0xffff, v44;
	(pc) =	sbr.rel @p2 .LBB2_7-.Ltmp9, $4  }
0xe6: {  	[tilespmem:v61+s13+$0x0] =	vst.idx.add.f32.msk $0xffff, v46  }
0xe7: {  	[tilespmem:v62+s13+$0x0] =	vst.idx.add.f32.msk $0xffff, v49  }
0xe8: {  	[tilespmem:v11+s13+$0x0] =	vst.idx.add.f32.msk $0x1, v9  }
0xe9: {  	s24 =	sadd.s32 $0x200, s24;
	s25 =	sadd.s32 $0x4, s25;
	[tilespmem:v13+s13+$0x0] =	vst.idx.add.f32.msk $0x1, v9  }
0xea: {  	s22 =	sadd.s32 $0x1, s22  }
0xeb: {  	p2 =	seq.s32 s22, $0x8  }
.Ltmp10:
0xec: {  	_ = 	snop;
	(pc) =	sbr.rel @!p2 .LBB2_6-.Ltmp10, $4  }
.Ltmp11:
0xed: {  	_ = 	snop;
	(pc) =	sbr.rel @p2 .LBB2_13-.Ltmp11, $4  }
0xee: {  	_ = 	snop  }
0xef: {  	_ = 	snop  }
0xf0: {  	s23 =	sadd.s32 $0x800, s23  }
0xf1: {  	_ = 	snop  }
.LBB2_14:
.Ltmp12:
0xf2: {  	(pc) =	sbr.rel @p1 .LBB2_19-.Ltmp12, $1  }
0xf3: {  	_ =	sdelay $0x3  }
0xf4: {  	s21 =	simm.s32 $0x0  }
0xf5: {  	[tilespmem:s21], [sflag:$0x3] =	stream.strided.gather [hbm4b:s10+s14], $0x2800, s15, s14, $0x38;
	[tilespmem:$0x18500] =	vst v63  }
0xf6: {  	_ =	swait.ge [sflag:s18], $0x2800  }
0xf7: {  	[sflag:s18] =	ssyncset.done $0x0  }
0xf8: {  	[sflag:s18] =	ssyncadd.s32 $0xFFFFD800  }
0xf9: {  	[tilespmem:s16], [sflag:$0x3] =	stream.linear.gather [hbm4b:s11+s21], $0x50, $0x38;
	[tilespmem:$0x18500] =	vst v63  }
0xfa: {  	_ =	swait.ge [sflag:s18], $0x50  }
0xfb: {  	[sflag:s18] =	ssyncset.done $0x0  }
0xfc: {  	s22 =	simm.s32 $0x100;
	[sflag:s18] =	ssyncadd.s32 $0xFFFFFFB0  }
.LBB2_16:
0xfd: {  	s23 =	sshll.u32 s21, $0x4  }
0xfe: {  	s24 =	simm.s32 $0x0;
	v10 =	vld [tilespmem:s23+$0x4000];
	s23 =	smov.u32 s22  }
.LBB2_17:
0xff: {  	v11 =	vld [tilespmem:s23+$0xFFFFFF00]  }
0x100: {  	v12 =	vld [tilespmem:s23+$0xFFFFFF10]  }
0x101: {  	v13 =	vld [tilespmem:s23+$0xFFFFFF20]  }
0x102: {  	v14 =	vld [tilespmem:s23+$0xFFFFFF30]  }
0x103: {  	v15 =	vld [tilespmem:s23+$0xFFFFFF40]  }
0x104: {  	v16 =	vld [tilespmem:s23+$0xFFFFFF50]  }
0x105: {  	v17 =	vld [tilespmem:s23+$0xFFFFFF60]  }
0x106: {  	v18 =	vld [tilespmem:s23+$0xFFFFFF70]  }
0x107: {  	v19 =	vld [tilespmem:s23+$0xFFFFFF80]  }
0x108: {  	v20 =	vld [tilespmem:s23+$0xFFFFFF90]  }
0x109: {  	v21 =	vld [tilespmem:s23+$0xFFFFFFA0]  }
0x10a: {  	v22 =	vld [tilespmem:s23+$0xFFFFFFB0]  }
0x10b: {  	v23 =	vld [tilespmem:s23+$0xFFFFFFC0]  }
0x10c: {  	v24 =	vld [tilespmem:s23+$0xFFFFFFD0]  }
0x10d: {  	v25 =	vld [tilespmem:s23+$0xFFFFFFE0]  }
0x10e: {  	v26 =	vld [tilespmem:s23+$0xFFFFFFF0]  }
0x10f: {  	v27 =	vld [tilespmem:s23+$0x0]  }
0x110: {  	v28 =	vld [tilespmem:s23+$0x10]  }
0x111: {  	v29 =	vld [tilespmem:s23+$0x20]  }
0x112: {  	v30 =	vld [tilespmem:s23+$0x30]  }
0x113: {  	v31 =	vld [tilespmem:s23+$0x40]  }
0x114: {  	v32 =	vld [tilespmem:s23+$0x50]  }
0x115: {  	v33 =	vld [tilespmem:s23+$0x60]  }
0x116: {  	v34 =	vmov s24;
	v35 =	vld [tilespmem:s23+$0x70]  }
0x117: {  	v36 =	vld [tilespmem:s23+$0x80];
	v34 =	vperm.xlane v10, v34  }
0x118: {  	v37 =	vld [tilespmem:s23+$0x90]  }
0x119: {  	v38 =	vld [tilespmem:s23+$0xA0];
	v39 =	vshll.u32 v34, $0x7  }
0x11a: {  	v40 =	vld [tilespmem:s23+$0xB0];
	v41 =	vor.u32 v0, v39  }
0x11b: {  	v42 =	vld [tilespmem:s23+$0xC0];
	v43 =	vor.u32 v2, v39  }
0x11c: {  	v44 =	vld [tilespmem:s23+$0xD0];
	v45 =	vor.u32 v3, v39  }
0x11d: {  	s25 =	sadd.s32 $0x1, s24;
	v46 =	vld [tilespmem:s23+$0xE0];
	v47 =	vor.u32 v4, v39  }
0x11e: {  	v49 =	vld [tilespmem:s23+$0xF0];
	v48 =	vmov s25;
	v50 =	vor.u32 v5, v39  }
0x11f: {  	v52 =	vor.u32 v6, v39;
	[tilespmem:v41+s13+$0x0] =	vst.idx.add.f32.msk $0xffff, v11;
	v11 =	vperm.xlane v10, v48  }
0x120: {  	v53 =	vor.u32 v7, v39;
	[tilespmem:v43+s13+$0x0] =	vst.idx.add.f32.msk $0xffff, v12  }
0x121: {  	v54 =	vor.u32 v8, v39;
	[tilespmem:v45+s13+$0x0] =	vst.idx.add.f32.msk $0xffff, v13;
	v55 =	vshll.u32 v11, $0x7  }
0x122: {  	[tilespmem:v47+s13+$0x0] =	vst.idx.add.f32.msk $0xffff, v14;
	v56 =	vor.u32 v0, v55  }
0x123: {  	v57 =	vor.u32 v2, v55;
	[tilespmem:v50+s13+$0x0] =	vst.idx.add.f32.msk $0xffff, v15  }
0x124: {  	v58 =	vor.u32 v3, v55;
	[tilespmem:v52+s13+$0x0] =	vst.idx.add.f32.msk $0xffff, v16  }
0x125: {  	s30 =	sadd.s32 $0x2, s24;
	v59 =	vor.u32 v4, v55;
	[tilespmem:v53+s13+$0x0] =	vst.idx.add.f32.msk $0xffff, v17  }
0x126: {  	v60 =	vmov s30;
	v61 =	vor.u32 v5, v55;
	[tilespmem:v54+s13+$0x0] =	vst.idx.add.f32.msk $0xffff, v18  }
0x127: {  	v62 =	vor.u32 v6, v55;
	v17 =	vperm.xlane v10, v60;
	[tilespmem:v56+s13+$0x0] =	vst.idx.add.f32.msk $0xffff, v19  }
0x128: {  	v63 =	vor.u32 v7, v55;
	[tilespmem:v57+s13+$0x0] =	vst.idx.add.f32.msk $0xffff, v20  }
0x129: {  	v39 =	vshll.u32 v17, $0x7;
	[tilespmem:v58+s13+$0x0] =	vst.idx.add.f32.msk $0xffff, v21;
	v21 =	vor.u32 v8, v55  }
0x12a: {  	v41 =	vor.u32 v0, v39;
	[tilespmem:v59+s13+$0x0] =	vst.idx.add.f32.msk $0xffff, v22  }
0x12b: {  	v43 =	vor.u32 v2, v39;
	[tilespmem:v61+s13+$0x0] =	vst.idx.add.f32.msk $0xffff, v23  }
0x12c: {  	v45 =	vor.u32 v3, v39;
	[tilespmem:v62+s13+$0x0] =	vst.idx.add.f32.msk $0xffff, v24  }
0x12d: {  	s31 =	sadd.s32 $0x3, s24;
	v47 =	vor.u32 v4, v39;
	[tilespmem:v63+s13+$0x0] =	vst.idx.add.f32.msk $0xffff, v25  }
0x12e: {  	v48 =	vmov s31;
	v50 =	vor.u32 v5, v39;
	[tilespmem:v21+s13+$0x0] =	vst.idx.add.f32.msk $0xffff, v26  }
0x12f: {  	v19 =	vperm.xlane v10, v48;
	v51 =	vor.u32 v6, v39;
	[tilespmem:v41+s13+$0x0] =	vst.idx.add.f32.msk $0xffff, v27  }
0x130: {  	v52 =	vor.u32 v7, v39;
	[tilespmem:v43+s13+$0x0] =	vst.idx.add.f32.msk $0xffff, v28  }
0x131: {  	v53 =	vor.u32 v8, v39;
	v54 =	vshll.u32 v19, $0x7;
	[tilespmem:v45+s13+$0x0] =	vst.idx.add.f32.msk $0xffff, v29  }
0x132: {  	v55 =	vor.u32 v0, v54;
	[tilespmem:v47+s13+$0x0] =	vst.idx.add.f32.msk $0xffff, v30  }
0x133: {  	v56 =	vor.u32 v2, v54;
	[tilespmem:v50+s13+$0x0] =	vst.idx.add.f32.msk $0xffff, v31  }
0x134: {  	v57 =	vor.u32 v3, v54;
	[tilespmem:v51+s13+$0x0] =	vst.idx.add.f32.msk $0xffff, v32  }
0x135: {  	v58 =	vor.u32 v4, v54;
	[tilespmem:v52+s13+$0x0] =	vst.idx.add.f32.msk $0xffff, v33  }
0x136: {  	v59 =	vor.u32 v5, v54;
	[tilespmem:v53+s13+$0x0] =	vst.idx.add.f32.msk $0xffff, v35  }
0x137: {  	v60 =	vor.u32 v6, v54;
	[tilespmem:v55+s13+$0x0] =	vst.idx.add.f32.msk $0xffff, v36  }
0x138: {  	v61 =	vor.u32 v7, v54;
	[tilespmem:v56+s13+$0x0] =	vst.idx.add.f32.msk $0xffff, v37  }
0x139: {  	v11 =	vpsel p0, v34, v11;
	v62 =	vor.u32 v8, v54;
	[tilespmem:v57+s13+$0x0] =	vst.idx.add.f32.msk $0xffff, v38  }
0x13a: {  	v11 =	vadd.s32 $0x10000, v11;
	v63 =	vpsel p0, v17, v19;
	[tilespmem:v58+s13+$0x0] =	vst.idx.add.f32.msk $0xffff, v40  }
0x13b: {  	p2 =	sne.s32 s24, $0xC;
	v13 =	vadd.s32 $0x10000, v63;
	[tilespmem:v59+s13+$0x0] =	vst.idx.add.f32.msk $0xffff, v42  }
.Ltmp13:
0x13c: {  	[tilespmem:v60+s13+$0x0] =	vst.idx.add.f32.msk $0xffff, v44;
	(pc) =	sbr.rel @p2 .LBB2_17-.Ltmp13, $4  }
0x13d: {  	[tilespmem:v61+s13+$0x0] =	vst.idx.add.f32.msk $0xffff, v46  }
0x13e: {  	[tilespmem:v62+s13+$0x0] =	vst.idx.add.f32.msk $0xffff, v49  }
0x13f: {  	[tilespmem:v11+s13+$0x0] =	vst.idx.add.f32.msk $0x1, v9  }
0x140: {  	s23 =	sadd.s32 $0x200, s23;
	s24 =	sadd.s32 $0x4, s24;
	[tilespmem:v13+s13+$0x0] =	vst.idx.add.f32.msk $0x1, v9  }
0x141: {  	s21 =	sadd.s32 $0x1, s21  }
0x142: {  	p2 =	sne.s32 s21, $0x5  }
.Ltmp14:
0x143: {  	_ = 	snop;
	(pc) =	sbr.rel @p2 .LBB2_16-.Ltmp14, $4  }
.Ltmp15:
0x144: {  	_ = 	snop;
	(pc) =	sbr.rel @!p2 .LBB2_19-.Ltmp15, $4  }
0x145: {  	_ = 	snop  }
0x146: {  	_ = 	snop  }
0x147: {  	s22 =	sadd.s32 $0x800, s22  }
0x148: {  	_ = 	snop  }
.LBB2_20:
0x149: {  	_ =	sfence.sel $0x180000  }
0x14a: {  	[bflag:$0x0] =	sbarrier.arrive $0xFFFF  }
0x14b: {  	p0 =	sne.s32 s1, $0x0;
	_ =	strace $0x90000047  }
0x14c: {  	s0 =	sadd.s32 @!p0 $0x100000, s0;
	[bflag:$0x2] =	sbarrier.arrive $0xFFFF  }
0x14d: {  	[sflag:s0] =	ssyncadd.tile.s32 @!p0 $0x1;
	_ =	shalt  }
.Lfunc_end2:
_tile_overlayer_lowered:
.L_overlay_start_2:
0x14e: {  	(tag) =	ssettag $0x2  }
0x14f: {  	s0 =	rddreg [dreg:$0x0];
	s2 =	stileid.u32  }
0x150: {  	s1 =	rddreg [dreg:$0x1];
	p0 =	sne.s32 s2, $0x0  }
0x151: {  	s3 =	rddreg [dreg:$0x2];
	[bflag:$0x3] =	sbarrier.arrive $0xFFFF;
	s2 =	simm.s32 @!p0 $0x1C03  }
0x152: {  	[timem:s3], [sflag:s2] =	dma.local @!p0 [hbm:s0], s1  }
0x153: {  	s0 =	simm.s32 @!p0 $0x3  }
0x154: {  	_ =	swait.ge @!p0 [sflag:s0], s1  }
0x155: {  	s1 =	ssub.s32 @!p0 $0x0, s1;
	[sflag:s0] =	ssyncset.done @!p0 $0x0  }
0x156: {  	[sflag:s0] =	ssyncadd.s32 @!p0 s1  }
0x157: {  	[bflag:$0x3] =	sbarrier.arrive $0xFFFF  }
0x158: {  	_ =	shalt  }

</sc_bundles>
